<compile_context>
chip_gen: v7x
topology: tpu7x:2x2x1
jax: 0.10.2.dev20260603
libtpu: 0.0.44.dev20260713+nightly
codegen_flags: <defaults>
</compile_context>

<pallas_src>
import functools

import jax
import jax.numpy as jnp
from jax import lax
from jax.experimental import pallas as pl
from jax.experimental.pallas import tpu as pltpu
from jax.experimental.pallas import tpu_sc as plsc

N_NODES = 10000
NODE_DIM = 128
HIDDEN = 128
EDGE_DIM = 16
N_EDGES = 320000

NC, NS = 2, 16
NW = NC * NS
CHUNK = 40
W_CHUNKS = N_EDGES // (NW * CHUNK)
NITER = W_CHUNKS // 2
SUB_ROWS = 624
TAIL_ROWS = N_NODES - NS * SUB_ROWS
DEG_W = 16
LANES = 16


PREP_GRID = 25
E_BLK = N_EDGES // PREP_GRID
N_BLK = N_NODES // PREP_GRID


def _prep_body(nf_ref, ef_ref, w1s_ref, w1t_ref, w1e_ref, b1_ref,
               a_ref, b_ref, c_ref):
    nf = nf_ref[...]
    a_ref[...] = jnp.dot(nf, w1s_ref[...], preferred_element_type=jnp.float32)
    b_ref[...] = jnp.dot(nf, w1t_ref[...], preferred_element_type=jnp.float32)
    c_ref[...] = (jnp.dot(ef_ref[...], w1e_ref[...],
                          preferred_element_type=jnp.float32) + b1_ref[...])


_prep = pl.pallas_call(
    _prep_body,
    grid=(PREP_GRID,),
    in_specs=[
        pl.BlockSpec((N_BLK, NODE_DIM), lambda i: (i, 0)),
        pl.BlockSpec((E_BLK, EDGE_DIM), lambda i: (i, 0)),
        pl.BlockSpec((NODE_DIM, HIDDEN), lambda i: (0, 0)),
        pl.BlockSpec((NODE_DIM, HIDDEN), lambda i: (0, 0)),
        pl.BlockSpec((EDGE_DIM, HIDDEN), lambda i: (0, 0)),
        pl.BlockSpec((1, HIDDEN), lambda i: (0, 0)),
    ],
    out_specs=[
        pl.BlockSpec((N_BLK, HIDDEN), lambda i: (i, 0)),
        pl.BlockSpec((N_BLK, HIDDEN), lambda i: (i, 0)),
        pl.BlockSpec((E_BLK, HIDDEN), lambda i: (i, 0)),
    ],
    out_shape=[
        jax.ShapeDtypeStruct((N_NODES, HIDDEN), jnp.float32),
        jax.ShapeDtypeStruct((N_NODES, HIDDEN), jnp.float32),
        jax.ShapeDtypeStruct((N_EDGES, HIDDEN), jnp.float32),
    ],
)


_sc_mesh = plsc.VectorSubcoreMesh(core_axis_name="c", subcore_axis_name="s")


@functools.partial(
    pl.kernel,
    mesh=_sc_mesh,
    compiler_params=pltpu.CompilerParams(use_tc_tiling_on_sc=False),
    out_type=[
        pltpu.HBM((NC, N_NODES, HIDDEN), jnp.float32),
        pltpu.HBM((NC, N_NODES, DEG_W), jnp.float32),
    ],
    scratch_types=[
        pltpu.VMEM((CHUNK,), jnp.int32),
        pltpu.VMEM((CHUNK,), jnp.int32),
        pltpu.VMEM((CHUNK,), jnp.int32),
        pltpu.VMEM((CHUNK,), jnp.int32),
        pltpu.VMEM((CHUNK,), jnp.int32),
        pltpu.VMEM((CHUNK,), jnp.int32),
        pltpu.VMEM((CHUNK, HIDDEN), jnp.float32),
        pltpu.VMEM((CHUNK, HIDDEN), jnp.float32),
        pltpu.VMEM((CHUNK, HIDDEN), jnp.float32),
        pltpu.VMEM((CHUNK, HIDDEN), jnp.float32),
        pltpu.VMEM((CHUNK, HIDDEN), jnp.float32),
        pltpu.VMEM((CHUNK, HIDDEN), jnp.float32),
        pltpu.VMEM((CHUNK, DEG_W), jnp.float32),
        pltpu.VMEM_SHARED((N_NODES, HIDDEN), jnp.float32),
        pltpu.VMEM_SHARED((N_NODES, DEG_W), jnp.float32),
        pltpu.SemaphoreType.DMA,
        pltpu.SemaphoreType.DMA,
        pltpu.SemaphoreType.DMA,
        pltpu.SemaphoreType.DMA,
        pltpu.SemaphoreType.DMA,
        pltpu.SemaphoreType.DMA,
    ],
)
def _sc_aggregate(a_hbm, b_hbm, c_hbm, src_hbm, tgt_hbm,
                  hsum_out, deg_out,
                  src0, tgt0, src1, tgt1, stgt0, stgt1,
                  ar0, br0, cr0, ar1, br1, cr1,
                  degrow, hsum_sh, deg_sh,
                  gsem0, gsem1, isem0, isem1, ssem0, ssem1):
    cid = lax.axis_index("c")
    sid = lax.axis_index("s")
    wid = sid * NC + cid
    sets = ((src0, tgt0, stgt0, ar0, br0, cr0, gsem0, isem0, ssem0),
            (src1, tgt1, stgt1, ar1, br1, cr1, gsem1, isem1, ssem1))

    lanes = lax.iota(jnp.int32, LANES)
    zero16 = jnp.zeros((LANES,), jnp.float32)
    one0 = jnp.where(lanes == 0, jnp.float32(1.0), jnp.float32(0.0))

    def _fill_zeros(r, _):
        for cc in range(HIDDEN // LANES):
            ar0[r, pl.ds(cc * LANES, LANES)] = zero16
        degrow[r, pl.ds(0, LANES)] = zero16
        return 0

    lax.fori_loop(0, CHUNK, _fill_zeros, 0)

    row0 = sid * SUB_ROWS
    for z in range(SUB_ROWS // CHUNK):
        pltpu.sync_copy(ar0, hsum_sh.at[pl.ds(row0 + z * CHUNK, CHUNK)])
        pltpu.sync_copy(degrow, deg_sh.at[pl.ds(row0 + z * CHUNK, CHUNK)])
    _rem = SUB_ROWS - (SUB_ROWS // CHUNK) * CHUNK
    pltpu.sync_copy(ar0.at[pl.ds(0, _rem)],
                    hsum_sh.at[pl.ds(row0 + SUB_ROWS - _rem, _rem)])
    pltpu.sync_copy(degrow.at[pl.ds(0, _rem)],
                    deg_sh.at[pl.ds(row0 + SUB_ROWS - _rem, _rem)])

    @pl.when(sid == NS - 1)
    def _():
        tail0 = NS * SUB_ROWS
        pltpu.sync_copy(ar0.at[pl.ds(0, TAIL_ROWS)],
                        hsum_sh.at[pl.ds(tail0, TAIL_ROWS)])
        pltpu.sync_copy(degrow.at[pl.ds(0, TAIL_ROWS)],
                        deg_sh.at[pl.ds(tail0, TAIL_ROWS)])

    def _fill_deg(r, _):
        degrow[r, pl.ds(0, LANES)] = one0
        return 0

    lax.fori_loop(0, CHUNK, _fill_deg, 0)

    plsc.subcore_barrier()

    def cbase(j):
        return (wid * W_CHUNKS + j) * CHUNK

    pltpu.sync_copy(src_hbm.at[pl.ds(cbase(0), CHUNK)], src0)
    pltpu.sync_copy(tgt_hbm.at[pl.ds(cbase(0), CHUNK)], tgt0)
    pltpu.async_copy(src_hbm.at[pl.ds(cbase(1), CHUNK)], src1, isem1)
    pltpu.async_copy(tgt_hbm.at[pl.ds(cbase(1), CHUNK)], tgt1, isem1)
    pltpu.async_copy(a_hbm.at[src0], ar0, gsem0)
    pltpu.async_copy(b_hbm.at[tgt0], br0, gsem0)
    pltpu.async_copy(c_hbm.at[pl.ds(cbase(0), CHUNK)], cr0, gsem0)

    def _iter(i, _):
        for k in (0, 1):
            srcv, tgtv, stgt, ar, br, cr, gsem, isem, ssem = sets[k]
            (osrc, otgt, ostgt, oar, obr, ocr,
             ogsem, oisem, ossem) = sets[1 - k]
            j = i * 2 + k
            pltpu.make_async_copy(a_hbm.at[srcv], ar, gsem).wait()
            pltpu.make_async_copy(b_hbm.at[tgtv], br, gsem).wait()
            pltpu.make_async_copy(c_hbm.at[pl.ds(cbase(j), CHUNK)], cr,
                                  gsem).wait()

            def _drain_other_scatter():
                pltpu.make_async_copy(oar, hsum_sh.at[ostgt], ossem).wait()
                pltpu.make_async_copy(degrow, deg_sh.at[ostgt], ossem).wait()

            def _fire_next():
                pltpu.make_async_copy(
                    src_hbm.at[pl.ds(cbase(j + 1), CHUNK)], osrc, oisem).wait()
                pltpu.make_async_copy(
                    tgt_hbm.at[pl.ds(cbase(j + 1), CHUNK)], otgt, oisem).wait()
                pltpu.async_copy(a_hbm.at[osrc], oar, ogsem)
                pltpu.async_copy(b_hbm.at[otgt], obr, ogsem)
                pltpu.async_copy(c_hbm.at[pl.ds(cbase(j + 1), CHUNK)],
                                 ocr, ogsem)

            if k == 0:
                pl.when(i > 0)(_drain_other_scatter)
                _fire_next()
            else:
                def _drain_and_fire():
                    _drain_other_scatter()
                    _fire_next()
                pl.when(i < NITER - 1)(_drain_and_fire)

            @plsc.parallel_loop(0, CHUNK, unroll=4)
            def _row(r):
                for cc in range(HIDDEN // LANES):
                    sl = pl.ds(cc * LANES, LANES)
                    ar[r, sl] = jnp.maximum(ar[r, sl] + br[r, sl] + cr[r, sl],
                                            jnp.float32(0.0))

            stgt[pl.ds(0, LANES)] = tgtv[pl.ds(0, LANES)]
            stgt[pl.ds(LANES, LANES)] = tgtv[pl.ds(LANES, LANES)]
            stgt[pl.ds(CHUNK - LANES, LANES)] = tgtv[pl.ds(CHUNK - LANES,
                                                           LANES)]
            pltpu.async_copy(ar, hsum_sh.at[stgt], ssem, add=True)
            pltpu.async_copy(degrow, deg_sh.at[stgt], ssem, add=True)

            @pl.when(i < NITER - 1)
            def _():
                pltpu.async_copy(src_hbm.at[pl.ds(cbase(j + 2), CHUNK)],
                                 srcv, isem)
                pltpu.async_copy(tgt_hbm.at[pl.ds(cbase(j + 2), CHUNK)],
                                 tgtv, isem)
        return 0

    lax.fori_loop(0, NITER, _iter, 0)

    pltpu.make_async_copy(ar0, hsum_sh.at[stgt0], ssem0).wait()
    pltpu.make_async_copy(degrow, deg_sh.at[stgt0], ssem0).wait()
    pltpu.make_async_copy(ar1, hsum_sh.at[stgt1], ssem1).wait()
    pltpu.make_async_copy(degrow, deg_sh.at[stgt1], ssem1).wait()

    plsc.subcore_barrier()

    pltpu.sync_copy(hsum_sh.at[pl.ds(row0, SUB_ROWS)],
                    hsum_out.at[cid, pl.ds(row0, SUB_ROWS)])
    pltpu.sync_copy(deg_sh.at[pl.ds(row0, SUB_ROWS)],
                    deg_out.at[cid, pl.ds(row0, SUB_ROWS)])

    @pl.when(sid == NS - 1)
    def _():
        tail0 = NS * SUB_ROWS
        pltpu.sync_copy(hsum_sh.at[pl.ds(tail0, TAIL_ROWS)],
                        hsum_out.at[cid, pl.ds(tail0, TAIL_ROWS)])
        pltpu.sync_copy(deg_sh.at[pl.ds(tail0, TAIL_ROWS)],
                        deg_out.at[cid, pl.ds(tail0, TAIL_ROWS)])


UPD_GRID = 10
U_BLK = N_NODES // UPD_GRID


def _update_body(nf_ref, p_ref, d_ref, w2t_ref, b2_ref, u1n_ref, u1h_ref,
                 bu1_ref, u2t_ref, bu2_ref, o_ref):
    hsum = p_ref[0] + p_ref[1]
    deg = d_ref[0, :, 0:1] + d_ref[1, :, 0:1]
    agg = (jnp.dot(hsum, w2t_ref[...], preferred_element_type=jnp.float32)
           + deg * b2_ref[...])
    nf = nf_ref[...]
    u = jnp.maximum(
        jnp.dot(nf, u1n_ref[...], preferred_element_type=jnp.float32)
        + jnp.dot(agg, u1h_ref[...], preferred_element_type=jnp.float32)
        + bu1_ref[...], jnp.float32(0.0))
    o_ref[...] = (nf + jnp.dot(u, u2t_ref[...],
                               preferred_element_type=jnp.float32)
                  + bu2_ref[...])


_update = pl.pallas_call(
    _update_body,
    grid=(UPD_GRID,),
    in_specs=[
        pl.BlockSpec((U_BLK, NODE_DIM), lambda i: (i, 0)),
        pl.BlockSpec((NC, U_BLK, HIDDEN), lambda i: (0, i, 0)),
        pl.BlockSpec((NC, U_BLK, DEG_W), lambda i: (0, i, 0)),
        pl.BlockSpec((HIDDEN, HIDDEN), lambda i: (0, 0)),
        pl.BlockSpec((1, HIDDEN), lambda i: (0, 0)),
        pl.BlockSpec((NODE_DIM, HIDDEN), lambda i: (0, 0)),
        pl.BlockSpec((HIDDEN, HIDDEN), lambda i: (0, 0)),
        pl.BlockSpec((1, HIDDEN), lambda i: (0, 0)),
        pl.BlockSpec((HIDDEN, NODE_DIM), lambda i: (0, 0)),
        pl.BlockSpec((1, NODE_DIM), lambda i: (0, 0)),
    ],
    out_specs=pl.BlockSpec((U_BLK, NODE_DIM), lambda i: (i, 0)),
    out_shape=jax.ShapeDtypeStruct((N_NODES, NODE_DIM), jnp.float32),
)



def kernel(node_feats, edge_feats, edge_index, W1, b1, W2, b2, U1, bu1, U2, bu2):
    ei = edge_index.astype(jnp.int32)
    src = ei[0]
    tgt = ei[1]
    w1s = W1[:, :NODE_DIM].T
    w1t = W1[:, NODE_DIM:2 * NODE_DIM].T
    w1e = W1[:, 2 * NODE_DIM:].T
    a_tab, b_tab, c_rows = _prep(node_feats, edge_feats, w1s, w1t, w1e,
                                 b1.reshape(1, HIDDEN))
    hsum, deg = _sc_aggregate(a_tab, b_tab, c_rows, src, tgt)
    return _update(node_feats, hsum, deg, W2.T, b2.reshape(1, HIDDEN),
                   U1[:, :NODE_DIM].T, U1[:, NODE_DIM:].T,
                   bu1.reshape(1, HIDDEN), U2.T, bu2.reshape(1, NODE_DIM))

# --- scband reference (transcript-rebuilt; emitter-appended) ---
"""Pipeline reference for scband-mpnnlayer-38886633898628 (READ-ONLY COPY).

The authoritative reference and input builder live on the scoring server;
editing this copy changes nothing except your own understanding.
"""

import jax, jax.numpy as jnp
import numpy as np

NODE_DIM = 128
EDGE_DIM = 16
HIDDEN_DIM = 128
N_NODES = 10000
N_EDGES = 320000

def setup_inputs(seed: int = 0) -> dict:
    key = jax.random.key(seed)
    ks = jax.random.split(key, 12)
    node_feats = jax.random.normal(ks[0], (N_NODES, NODE_DIM), dtype=jnp.float32)
    edge_feats = jax.random.normal(ks[1], (N_EDGES, EDGE_DIM), dtype=jnp.float32)
    edge_index = jax.random.randint(ks[2], (2, N_EDGES), 0, N_NODES, dtype=jnp.int64)
    # message_net: Linear(2*node_dim+edge_dim -> hidden), ReLU, Linear(hidden -> hidden)
    in1 = 2 * NODE_DIM + EDGE_DIM
    W1 = jax.random.normal(ks[3], (HIDDEN_DIM, in1), dtype=jnp.float32) * (1.0 / np.sqrt(in1))
    b1 = jax.random.normal(ks[4], (HIDDEN_DIM,), dtype=jnp.float32) * 0.01
    W2 = jax.random.normal(ks[5], (HIDDEN_DIM, HIDDEN_DIM), dtype=jnp.float32) * (1.0 / np.sqrt(HIDDEN_DIM))
    b2 = jax.random.normal(ks[6], (HIDDEN_DIM,), dtype=jnp.float32) * 0.01
    # update_net: Linear(node_dim+hidden -> hidden), ReLU, Linear(hidden -> node_dim)
    in2 = NODE_DIM + HIDDEN_DIM
    U1 = jax.random.normal(ks[7], (HIDDEN_DIM, in2), dtype=jnp.float32) * (1.0 / np.sqrt(in2))
    bu1 = jax.random.normal(ks[8], (HIDDEN_DIM,), dtype=jnp.float32) * 0.01
    U2 = jax.random.normal(ks[9], (NODE_DIM, HIDDEN_DIM), dtype=jnp.float32) * (1.0 / np.sqrt(HIDDEN_DIM))
    bu2 = jax.random.normal(ks[10], (NODE_DIM,), dtype=jnp.float32) * 0.01
    return {"node_feats": node_feats, "edge_feats": edge_feats, "edge_index": edge_index,
            "W1": W1, "b1": b1, "W2": W2, "b2": b2,
            "U1": U1, "bu1": bu1, "U2": U2, "bu2": bu2}


def reference(node_feats, edge_feats, edge_index, W1, b1, W2, b2, U1, bu1, U2, bu2):
    N = node_feats.shape[0]
    src_idx = edge_index[0]
    tgt_idx = edge_index[1]
    src_feats = jnp.take(node_feats, src_idx, axis=0)
    tgt_feats = jnp.take(node_feats, tgt_idx, axis=0)
    message_input = jnp.concatenate([src_feats, tgt_feats, edge_feats], axis=1)
    h = jax.nn.relu(message_input @ W1.T + b1)
    messages = h @ W2.T + b2
    aggregated = jnp.zeros((N, HIDDEN_DIM), dtype=node_feats.dtype).at[tgt_idx].add(messages)
    update_input = jnp.concatenate([node_feats, aggregated], axis=1)
    u = jax.nn.relu(update_input @ U1.T + bu1)
    node_updates = u @ U2.T + bu2
    return node_feats + node_updates

if __name__ == "__main__":
    import jax
    _d = setup_inputs()
    print(jax.jit(kernel)(*tuple(_d.values())))

</pallas_src>

<mosaic_0001>
#map = affine_map<(d0, d1) -> (0, 0)>
#map1 = affine_map<(d0, d1) -> (0)>
#map2 = affine_map<(d0, d1) -> (0, 0, 0)>
module attributes {stable_mosaic.version = 14 : i64} {
  func.func @_sc_aggregate(%arg0: i32, %arg1: i32, %arg2: memref<10000x128xf32, #tpu.memory_space<hbm>>, %arg3: memref<10000x128xf32, #tpu.memory_space<hbm>>, %arg4: memref<320000x128xf32, #tpu.memory_space<hbm>>, %arg5: memref<320000xi32, #tpu.memory_space<hbm>>, %arg6: memref<320000xi32, #tpu.memory_space<hbm>>, %arg7: memref<2x10000x128xf32, #tpu.memory_space<hbm>>, %arg8: memref<2x10000x16xf32, #tpu.memory_space<hbm>>, %arg9: memref<40xi32, #tpu.memory_space<vmem>>, %arg10: memref<40xi32, #tpu.memory_space<vmem>>, %arg11: memref<40xi32, #tpu.memory_space<vmem>>, %arg12: memref<40xi32, #tpu.memory_space<vmem>>, %arg13: memref<40xi32, #tpu.memory_space<vmem>>, %arg14: memref<40xi32, #tpu.memory_space<vmem>>, %arg15: memref<40x128xf32, #tpu.memory_space<vmem>>, %arg16: memref<40x128xf32, #tpu.memory_space<vmem>>, %arg17: memref<40x128xf32, #tpu.memory_space<vmem>>, %arg18: memref<40x128xf32, #tpu.memory_space<vmem>>, %arg19: memref<40x128xf32, #tpu.memory_space<vmem>>, %arg20: memref<40x128xf32, #tpu.memory_space<vmem>>, %arg21: memref<40x16xf32, #tpu.memory_space<vmem>>, %arg22: memref<10000x128xf32, #tpu.memory_space<vmem_shared>>, %arg23: memref<10000x16xf32, #tpu.memory_space<vmem_shared>>, %arg24: memref<!tpu.dma_semaphore, #tpu.memory_space<semaphore_mem>>, %arg25: memref<!tpu.dma_semaphore, #tpu.memory_space<semaphore_mem>>, %arg26: memref<!tpu.dma_semaphore, #tpu.memory_space<semaphore_mem>>, %arg27: memref<!tpu.dma_semaphore, #tpu.memory_space<semaphore_mem>>, %arg28: memref<!tpu.dma_semaphore, #tpu.memory_space<semaphore_mem>>, %arg29: memref<!tpu.dma_semaphore, #tpu.memory_space<semaphore_mem>>) attributes {dimension_semantics = [#tpu.dimension_semantics<core_parallel>, #tpu.dimension_semantics<subcore_parallel>], iteration_bounds = array<i64: 2, 16>, scalar_prefetch = 0 : i64, scratch_operands = 21 : i64, tpu.core_type = #tpu.core_type<sc_vector_subcore>, window_params = [{transform_indices = #map}, {transform_indices = #map}, {transform_indices = #map}, {transform_indices = #map1}, {transform_indices = #map1}, {transform_indices = #map2}, {transform_indices = #map2}]} {
    %mul3A = arith.constant 2 : i32
    %mul3A_0 = arith.muli %arg1, %mul3A : i32
    %add3A = arith.addi %mul3A_0, %arg0 : i32
    %iota3A = tpu.iota {dimensions = array<i32: 0>} : vector<16xi32>
    %broadcast_in_dim3A = arith.constant 0.000000e+00 : f32
    %broadcast_in_dim3A_1 = vector.broadcast %broadcast_in_dim3A : f32 to vector<16xf32>
    %eq3A = arith.constant 0 : i32
    %eq3A_2 = vector.broadcast %eq3A : i32 to vector<16xi32>
    %eq3A_3 = arith.cmpi eq, %iota3A, %eq3A_2 : vector<16xi32>
    %jit3A = arith.constant 1.000000e+00 : f32
    %jit3A_4 = arith.constant 0.000000e+00 : f32
    %broadcast_in_dim3A_5 = vector.broadcast %jit3A : f32 to vector<16xf32>
    %broadcast_in_dim3A_6 = vector.broadcast %jit3A_4 : f32 to vector<16xf32>
    %select_n3A = arith.select %eq3A_3, %broadcast_in_dim3A_5, %broadcast_in_dim3A_6 : vector<16xi1>, vector<16xf32>
    %scan3A = arith.constant 0 : i32
    %scan3A_7 = arith.constant 0 : i32
    %scan3A_8 = arith.constant 40 : i32
    %scan3A_9 = arith.addi %scan3A_7, %scan3A_8 : i32
    %scan3A_10 = arith.constant 1 : i32
    %scan3A_11 = scf.for %scan3A_159 = %scan3A_7 to %scan3A_9 step %scan3A_10 iter_args(%scan3A_160 = %scan3A) -> (i32)  : i32 {
      %swap3A = arith.index_cast %scan3A_159 : i32 to index
      %swap3A_161 = arith.constant 0 : index
      %swap3A_162 = tpu.vector_load %arg15[%swap3A, %swap3A_161] {strides = array<i32>} : memref<40x128xf32, #tpu.memory_space<vmem>>, vector<1x16xf32>,
      %swap3A_163 = vector.shape_cast %swap3A_162 : vector<1x16xf32> to vector<16xf32>
      %swap3A_164 = vector.shape_cast %broadcast_in_dim3A_1 : vector<16xf32> to vector<1x16xf32>
      tpu.vector_store %arg15[%swap3A, %swap3A_161], %swap3A_164 {strides = array<i32>} : memref<40x128xf32, #tpu.memory_space<vmem>>, vector<1x16xf32>,
      %swap3A_165 = arith.index_cast %scan3A_159 : i32 to index
      %swap3A_166 = arith.constant 16 : index
      %swap3A_167 = tpu.vector_load %arg15[%swap3A_165, %swap3A_166] {strides = array<i32>} : memref<40x128xf32, #tpu.memory_space<vmem>>, vector<1x16xf32>,
      %swap3A_168 = vector.shape_cast %swap3A_167 : vector<1x16xf32> to vector<16xf32>
      %swap3A_169 = vector.shape_cast %broadcast_in_dim3A_1 : vector<16xf32> to vector<1x16xf32>
      tpu.vector_store %arg15[%swap3A_165, %swap3A_166], %swap3A_169 {strides = array<i32>} : memref<40x128xf32, #tpu.memory_space<vmem>>, vector<1x16xf32>,
      %swap3A_170 = arith.index_cast %scan3A_159 : i32 to index
      %swap3A_171 = arith.constant 32 : index
      %swap3A_172 = tpu.vector_load %arg15[%swap3A_170, %swap3A_171] {strides = array<i32>} : memref<40x128xf32, #tpu.memory_space<vmem>>, vector<1x16xf32>,
      %swap3A_173 = vector.shape_cast %swap3A_172 : vector<1x16xf32> to vector<16xf32>
      %swap3A_174 = vector.shape_cast %broadcast_in_dim3A_1 : vector<16xf32> to vector<1x16xf32>
      tpu.vector_store %arg15[%swap3A_170, %swap3A_171], %swap3A_174 {strides = array<i32>} : memref<40x128xf32, #tpu.memory_space<vmem>>, vector<1x16xf32>,
      %swap3A_175 = arith.index_cast %scan3A_159 : i32 to index
      %swap3A_176 = arith.constant 48 : index
      %swap3A_177 = tpu.vector_load %arg15[%swap3A_175, %swap3A_176] {strides = array<i32>} : memref<40x128xf32, #tpu.memory_space<vmem>>, vector<1x16xf32>,
      %swap3A_178 = vector.shape_cast %swap3A_177 : vector<1x16xf32> to vector<16xf32>
      %swap3A_179 = vector.shape_cast %broadcast_in_dim3A_1 : vector<16xf32> to vector<1x16xf32>
      tpu.vector_store %arg15[%swap3A_175, %swap3A_176], %swap3A_179 {strides = array<i32>} : memref<40x128xf32, #tpu.memory_space<vmem>>, vector<1x16xf32>,
      %swap3A_180 = arith.index_cast %scan3A_159 : i32 to index
      %swap3A_181 = arith.constant 64 : index
      %swap3A_182 = tpu.vector_load %arg15[%swap3A_180, %swap3A_181] {strides = array<i32>} : memref<40x128xf32, #tpu.memory_space<vmem>>, vector<1x16xf32>,
      %swap3A_183 = vector.shape_cast %swap3A_182 : vector<1x16xf32> to vector<16xf32>
      %swap3A_184 = vector.shape_cast %broadcast_in_dim3A_1 : vector<16xf32> to vector<1x16xf32>
      tpu.vector_store %arg15[%swap3A_180, %swap3A_181], %swap3A_184 {strides = array<i32>} : memref<40x128xf32, #tpu.memory_space<vmem>>, vector<1x16xf32>,
      %swap3A_185 = arith.index_cast %scan3A_159 : i32 to index
      %swap3A_186 = arith.constant 80 : index
      %swap3A_187 = tpu.vector_load %arg15[%swap3A_185, %swap3A_186] {strides = array<i32>} : memref<40x128xf32, #tpu.memory_space<vmem>>, vector<1x16xf32>,
      %swap3A_188 = vector.shape_cast %swap3A_187 : vector<1x16xf32> to vector<16xf32>
      %swap3A_189 = vector.shape_cast %broadcast_in_dim3A_1 : vector<16xf32> to vector<1x16xf32>
      tpu.vector_store %arg15[%swap3A_185, %swap3A_186], %swap3A_189 {strides = array<i32>} : memref<40x128xf32, #tpu.memory_space<vmem>>, vector<1x16xf32>,
      %swap3A_190 = arith.index_cast %scan3A_159 : i32 to index
      %swap3A_191 = arith.constant 96 : index
      %swap3A_192 = tpu.vector_load %arg15[%swap3A_190, %swap3A_191] {strides = array<i32>} : memref<40x128xf32, #tpu.memory_space<vmem>>, vector<1x16xf32>,
      %swap3A_193 = vector.shape_cast %swap3A_192 : vector<1x16xf32> to vector<16xf32>
      %swap3A_194 = vector.shape_cast %broadcast_in_dim3A_1 : vector<16xf32> to vector<1x16xf32>
      tpu.vector_store %arg15[%swap3A_190, %swap3A_191], %swap3A_194 {strides = array<i32>} : memref<40x128xf32, #tpu.memory_space<vmem>>, vector<1x16xf32>,
      %swap3A_195 = arith.index_cast %scan3A_159 : i32 to index
      %swap3A_196 = arith.constant 112 : index
      %swap3A_197 = tpu.vector_load %arg15[%swap3A_195, %swap3A_196] {strides = array<i32>} : memref<40x128xf32, #tpu.memory_space<vmem>>, vector<1x16xf32>,
      %swap3A_198 = vector.shape_cast %swap3A_197 : vector<1x16xf32> to vector<16xf32>
      %swap3A_199 = vector.shape_cast %broadcast_in_dim3A_1 : vector<16xf32> to vector<1x16xf32>
      tpu.vector_store %arg15[%swap3A_195, %swap3A_196], %swap3A_199 {strides = array<i32>} : memref<40x128xf32, #tpu.memory_space<vmem>>, vector<1x16xf32>,
      %swap3A_200 = arith.index_cast %scan3A_159 : i32 to index
      %swap3A_201 = arith.constant 0 : index
      %swap3A_202 = tpu.vector_load %arg21[%swap3A_200, %swap3A_201] {strides = array<i32>} : memref<40x16xf32, #tpu.memory_space<vmem>>, vector<1x16xf32>,
      %swap3A_203 = vector.shape_cast %swap3A_202 : vector<1x16xf32> to vector<16xf32>
      %swap3A_204 = vector.shape_cast %broadcast_in_dim3A_1 : vector<16xf32> to vector<1x16xf32>
      tpu.vector_store %arg21[%swap3A_200, %swap3A_201], %swap3A_204 {strides = array<i32>} : memref<40x16xf32, #tpu.memory_space<vmem>>, vector<1x16xf32>,
      %scan3A_205 = arith.constant 0 : i32
      scf.yield %scan3A_205 : i32
    }
    %scan3A_12 = arith.constant 40 : i32
    %mul3A_13 = arith.constant 624 : i32
    %mul3A_14 = arith.muli %arg1, %mul3A_13 : i32
    %add3A_15 = arith.constant 0 : i32
    %add3A_16 = arith.addi %mul3A_14, %add3A_15 : i32
    "tpu.region"() ({
      %run_scoped3A = tpu.sem_alloc : memref<!tpu.dma_semaphore, #tpu.memory_space<semaphore_mem>>
      %dma_start3A_159 = arith.constant 0 : i32
      %dma_start3A_160 = tpu.memref_slice %arg22[%add3A_16, %dma_start3A_159] : memref<10000x128xf32, #tpu.memory_space<vmem_shared>> -> memref<40x128xf32, #tpu.memory_space<vmem_shared>>
      %dma_start3A_161 = arith.constant 0 : i32
      %dma_start3A_162 = tpu.memref_slice %arg22[%add3A_16, %dma_start3A_161] : memref<10000x128xf32, #tpu.memory_space<vmem_shared>> -> memref<40x128xf32, #tpu.memory_space<vmem_shared>>
      tpu.enqueue_dma source(%arg15 : memref<40x128xf32, #tpu.memory_space<vmem>>) target(%dma_start3A_162 : memref<40x128xf32, #tpu.memory_space<vmem_shared>>) target_semaphore(%run_scoped3A : memref<!tpu.dma_semaphore, #tpu.memory_space<semaphore_mem>>)
      %dma_wait3A_163 = arith.constant 0 : i32
      %dma_wait3A_164 = tpu.memref_slice %arg22[%add3A_16, %dma_wait3A_163] : memref<10000x128xf32, #tpu.memory_space<vmem_shared>> -> memref<40x128xf32, #tpu.memory_space<vmem_shared>>
      %dma_wait3A_165 = arith.constant 0 : i32
      %dma_wait3A_166 = tpu.memref_slice %arg22[%add3A_16, %dma_wait3A_165] : memref<10000x128xf32, #tpu.memory_space<vmem_shared>> -> memref<40x128xf32, #tpu.memory_space<vmem_shared>>
      tpu.wait_dma2 semaphore(%run_scoped3A : memref<!tpu.dma_semaphore, #tpu.memory_space<semaphore_mem>>) src(%arg15 : memref<40x128xf32, #tpu.memory_space<vmem>>) dst(%dma_wait3A_166 : memref<40x128xf32, #tpu.memory_space<vmem_shared>>)
      tpu.yield
    }) : () -> ()
    %add3A_17 = arith.constant 0 : i32
    %add3A_18 = arith.addi %mul3A_14, %add3A_17 : i32
    "tpu.region"() ({
      %run_scoped3A = tpu.sem_alloc : memref<!tpu.dma_semaphore, #tpu.memory_space<semaphore_mem>>
      %dma_start3A_159 = arith.constant 0 : i32
      %dma_start3A_160 = tpu.memref_slice %arg23[%add3A_18, %dma_start3A_159] : memref<10000x16xf32, #tpu.memory_space<vmem_shared>> -> memref<40x16xf32, #tpu.memory_space<vmem_shared>>
      %dma_start3A_161 = arith.constant 0 : i32
      %dma_start3A_162 = tpu.memref_slice %arg23[%add3A_18, %dma_start3A_161] : memref<10000x16xf32, #tpu.memory_space<vmem_shared>> -> memref<40x16xf32, #tpu.memory_space<vmem_shared>>
      tpu.enqueue_dma source(%arg21 : memref<40x16xf32, #tpu.memory_space<vmem>>) target(%dma_start3A_162 : memref<40x16xf32, #tpu.memory_space<vmem_shared>>) target_semaphore(%run_scoped3A : memref<!tpu.dma_semaphore, #tpu.memory_space<semaphore_mem>>)
      %dma_wait3A_163 = arith.constant 0 : i32
      %dma_wait3A_164 = tpu.memref_slice %arg23[%add3A_18, %dma_wait3A_163] : memref<10000x16xf32, #tpu.memory_space<vmem_shared>> -> memref<40x16xf32, #tpu.memory_space<vmem_shared>>
      %dma_wait3A_165 = arith.constant 0 : i32
      %dma_wait3A_166 = tpu.memref_slice %arg23[%add3A_18, %dma_wait3A_165] : memref<10000x16xf32, #tpu.memory_space<vmem_shared>> -> memref<40x16xf32, #tpu.memory_space<vmem_shared>>
      tpu.wait_dma2 semaphore(%run_scoped3A : memref<!tpu.dma_semaphore, #tpu.memory_space<semaphore_mem>>) src(%arg21 : memref<40x16xf32, #tpu.memory_space<vmem>>) dst(%dma_wait3A_166 : memref<40x16xf32, #tpu.memory_space<vmem_shared>>)
      tpu.yield
    }) : () -> ()
    %add3A_19 = arith.constant 40 : i32
    %add3A_20 = arith.addi %mul3A_14, %add3A_19 : i32
    "tpu.region"() ({
      %run_scoped3A = tpu.sem_alloc : memref<!tpu.dma_semaphore, #tpu.memory_space<semaphore_mem>>
      %dma_start3A_159 = arith.constant 0 : i32
      %dma_start3A_160 = tpu.memref_slice %arg22[%add3A_20, %dma_start3A_159] : memref<10000x128xf32, #tpu.memory_space<vmem_shared>> -> memref<40x128xf32, #tpu.memory_space<vmem_shared>>
      %dma_start3A_161 = arith.constant 0 : i32
      %dma_start3A_162 = tpu.memref_slice %arg22[%add3A_20, %dma_start3A_161] : memref<10000x128xf32, #tpu.memory_space<vmem_shared>> -> memref<40x128xf32, #tpu.memory_space<vmem_shared>>
      tpu.enqueue_dma source(%arg15 : memref<40x128xf32, #tpu.memory_space<vmem>>) target(%dma_start3A_162 : memref<40x128xf32, #tpu.memory_space<vmem_shared>>) target_semaphore(%run_scoped3A : memref<!tpu.dma_semaphore, #tpu.memory_space<semaphore_mem>>)
      %dma_wait3A_163 = arith.constant 0 : i32
      %dma_wait3A_164 = tpu.memref_slice %arg22[%add3A_20, %dma_wait3A_163] : memref<10000x128xf32, #tpu.memory_space<vmem_shared>> -> memref<40x128xf32, #tpu.memory_space<vmem_shared>>
      %dma_wait3A_165 = arith.constant 0 : i32
      %dma_wait3A_166 = tpu.memref_slice %arg22[%add3A_20, %dma_wait3A_165] : memref<10000x128xf32, #tpu.memory_space<vmem_shared>> -> memref<40x128xf32, #tpu.memory_space<vmem_shared>>
      tpu.wait_dma2 semaphore(%run_scoped3A : memref<!tpu.dma_semaphore, #tpu.memory_space<semaphore_mem>>) src(%arg15 : memref<40x128xf32, #tpu.memory_space<vmem>>) dst(%dma_wait3A_166 : memref<40x128xf32, #tpu.memory_space<vmem_shared>>)
      tpu.yield
    }) : () -> ()
    %add3A_21 = arith.constant 40 : i32
    %add3A_22 = arith.addi %mul3A_14, %add3A_21 : i32
    "tpu.region"() ({
      %run_scoped3A = tpu.sem_alloc : memref<!tpu.dma_semaphore, #tpu.memory_space<semaphore_mem>>
      %dma_start3A_159 = arith.constant 0 : i32
      %dma_start3A_160 = tpu.memref_slice %arg23[%add3A_22, %dma_start3A_159] : memref<10000x16xf32, #tpu.memory_space<vmem_shared>> -> memref<40x16xf32, #tpu.memory_space<vmem_shared>>
      %dma_start3A_161 = arith.constant 0 : i32
      %dma_start3A_162 = tpu.memref_slice %arg23[%add3A_22, %dma_start3A_161] : memref<10000x16xf32, #tpu.memory_space<vmem_shared>> -> memref<40x16xf32, #tpu.memory_space<vmem_shared>>
      tpu.enqueue_dma source(%arg21 : memref<40x16xf32, #tpu.memory_space<vmem>>) target(%dma_start3A_162 : memref<40x16xf32, #tpu.memory_space<vmem_shared>>) target_semaphore(%run_scoped3A : memref<!tpu.dma_semaphore, #tpu.memory_space<semaphore_mem>>)
      %dma_wait3A_163 = arith.constant 0 : i32
      %dma_wait3A_164 = tpu.memref_slice %arg23[%add3A_22, %dma_wait3A_163] : memref<10000x16xf32, #tpu.memory_space<vmem_shared>> -> memref<40x16xf32, #tpu.memory_space<vmem_shared>>
      %dma_wait3A_165 = arith.constant 0 : i32
      %dma_wait3A_166 = tpu.memref_slice %arg23[%add3A_22, %dma_wait3A_165] : memref<10000x16xf32, #tpu.memory_space<vmem_shared>> -> memref<40x16xf32, #tpu.memory_space<vmem_shared>>
      tpu.wait_dma2 semaphore(%run_scoped3A : memref<!tpu.dma_semaphore, #tpu.memory_space<semaphore_mem>>) src(%arg21 : memref<40x16xf32, #tpu.memory_space<vmem>>) dst(%dma_wait3A_166 : memref<40x16xf32, #tpu.memory_space<vmem_shared>>)
      tpu.yield
    }) : () -> ()
    %add3A_23 = arith.constant 80 : i32
    %add3A_24 = arith.addi %mul3A_14, %add3A_23 : i32
    "tpu.region"() ({
      %run_scoped3A = tpu.sem_alloc : memref<!tpu.dma_semaphore, #tpu.memory_space<semaphore_mem>>
      %dma_start3A_159 = arith.constant 0 : i32
      %dma_start3A_160 = tpu.memref_slice %arg22[%add3A_24, %dma_start3A_159] : memref<10000x128xf32, #tpu.memory_space<vmem_shared>> -> memref<40x128xf32, #tpu.memory_space<vmem_shared>>
      %dma_start3A_161 = arith.constant 0 : i32
      %dma_start3A_162 = tpu.memref_slice %arg22[%add3A_24, %dma_start3A_161] : memref<10000x128xf32, #tpu.memory_space<vmem_shared>> -> memref<40x128xf32, #tpu.memory_space<vmem_shared>>
      tpu.enqueue_dma source(%arg15 : memref<40x128xf32, #tpu.memory_space<vmem>>) target(%dma_start3A_162 : memref<40x128xf32, #tpu.memory_space<vmem_shared>>) target_semaphore(%run_scoped3A : memref<!tpu.dma_semaphore, #tpu.memory_space<semaphore_mem>>)
      %dma_wait3A_163 = arith.constant 0 : i32
      %dma_wait3A_164 = tpu.memref_slice %arg22[%add3A_24, %dma_wait3A_163] : memref<10000x128xf32, #tpu.memory_space<vmem_shared>> -> memref<40x128xf32, #tpu.memory_space<vmem_shared>>
      %dma_wait3A_165 = arith.constant 0 : i32
      %dma_wait3A_166 = tpu.memref_slice %arg22[%add3A_24, %dma_wait3A_165] : memref<10000x128xf32, #tpu.memory_space<vmem_shared>> -> memref<40x128xf32, #tpu.memory_space<vmem_shared>>
      tpu.wait_dma2 semaphore(%run_scoped3A : memref<!tpu.dma_semaphore, #tpu.memory_space<semaphore_mem>>) src(%arg15 : memref<40x128xf32, #tpu.memory_space<vmem>>) dst(%dma_wait3A_166 : memref<40x128xf32, #tpu.memory_space<vmem_shared>>)
      tpu.yield
    }) : () -> ()
    %add3A_25 = arith.constant 80 : i32
    %add3A_26 = arith.addi %mul3A_14, %add3A_25 : i32
    "tpu.region"() ({
      %run_scoped3A = tpu.sem_alloc : memref<!tpu.dma_semaphore, #tpu.memory_space<semaphore_mem>>
      %dma_start3A_159 = arith.constant 0 : i32
      %dma_start3A_160 = tpu.memref_slice %arg23[%add3A_26, %dma_start3A_159] : memref<10000x16xf32, #tpu.memory_space<vmem_shared>> -> memref<40x16xf32, #tpu.memory_space<vmem_shared>>
      %dma_start3A_161 = arith.constant 0 : i32
      %dma_start3A_162 = tpu.memref_slice %arg23[%add3A_26, %dma_start3A_161] : memref<10000x16xf32, #tpu.memory_space<vmem_shared>> -> memref<40x16xf32, #tpu.memory_space<vmem_shared>>
      tpu.enqueue_dma source(%arg21 : memref<40x16xf32, #tpu.memory_space<vmem>>) target(%dma_start3A_162 : memref<40x16xf32, #tpu.memory_space<vmem_shared>>) target_semaphore(%run_scoped3A : memref<!tpu.dma_semaphore, #tpu.memory_space<semaphore_mem>>)
      %dma_wait3A_163 = arith.constant 0 : i32
      %dma_wait3A_164 = tpu.memref_slice %arg23[%add3A_26, %dma_wait3A_163] : memref<10000x16xf32, #tpu.memory_space<vmem_shared>> -> memref<40x16xf32, #tpu.memory_space<vmem_shared>>
      %dma_wait3A_165 = arith.constant 0 : i32
      %dma_wait3A_166 = tpu.memref_slice %arg23[%add3A_26, %dma_wait3A_165] : memref<10000x16xf32, #tpu.memory_space<vmem_shared>> -> memref<40x16xf32, #tpu.memory_space<vmem_shared>>
      tpu.wait_dma2 semaphore(%run_scoped3A : memref<!tpu.dma_semaphore, #tpu.memory_space<semaphore_mem>>) src(%arg21 : memref<40x16xf32, #tpu.memory_space<vmem>>) dst(%dma_wait3A_166 : memref<40x16xf32, #tpu.memory_space<vmem_shared>>)
      tpu.yield
    }) : () -> ()
    %add3A_27 = arith.constant 120 : i32
    %add3A_28 = arith.addi %mul3A_14, %add3A_27 : i32
    "tpu.region"() ({
      %run_scoped3A = tpu.sem_alloc : memref<!tpu.dma_semaphore, #tpu.memory_space<semaphore_mem>>
      %dma_start3A_159 = arith.constant 0 : i32
      %dma_start3A_160 = tpu.memref_slice %arg22[%add3A_28, %dma_start3A_159] : memref<10000x128xf32, #tpu.memory_space<vmem_shared>> -> memref<40x128xf32, #tpu.memory_space<vmem_shared>>
      %dma_start3A_161 = arith.constant 0 : i32
      %dma_start3A_162 = tpu.memref_slice %arg22[%add3A_28, %dma_start3A_161] : memref<10000x128xf32, #tpu.memory_space<vmem_shared>> -> memref<40x128xf32, #tpu.memory_space<vmem_shared>>
      tpu.enqueue_dma source(%arg15 : memref<40x128xf32, #tpu.memory_space<vmem>>) target(%dma_start3A_162 : memref<40x128xf32, #tpu.memory_space<vmem_shared>>) target_semaphore(%run_scoped3A : memref<!tpu.dma_semaphore, #tpu.memory_space<semaphore_mem>>)
      %dma_wait3A_163 = arith.constant 0 : i32
      %dma_wait3A_164 = tpu.memref_slice %arg22[%add3A_28, %dma_wait3A_163] : memref<10000x128xf32, #tpu.memory_space<vmem_shared>> -> memref<40x128xf32, #tpu.memory_space<vmem_shared>>
      %dma_wait3A_165 = arith.constant 0 : i32
      %dma_wait3A_166 = tpu.memref_slice %arg22[%add3A_28, %dma_wait3A_165] : memref<10000x128xf32, #tpu.memory_space<vmem_shared>> -> memref<40x128xf32, #tpu.memory_space<vmem_shared>>
      tpu.wait_dma2 semaphore(%run_scoped3A : memref<!tpu.dma_semaphore, #tpu.memory_space<semaphore_mem>>) src(%arg15 : memref<40x128xf32, #tpu.memory_space<vmem>>) dst(%dma_wait3A_166 : memref<40x128xf32, #tpu.memory_space<vmem_shared>>)
      tpu.yield
    }) : () -> ()
    %add3A_29 = arith.constant 120 : i32
    %add3A_30 = arith.addi %mul3A_14, %add3A_29 : i32
    "tpu.region"() ({
      %run_scoped3A = tpu.sem_alloc : memref<!tpu.dma_semaphore, #tpu.memory_space<semaphore_mem>>
      %dma_start3A_159 = arith.constant 0 : i32
      %dma_start3A_160 = tpu.memref_slice %arg23[%add3A_30, %dma_start3A_159] : memref<10000x16xf32, #tpu.memory_space<vmem_shared>> -> memref<40x16xf32, #tpu.memory_space<vmem_shared>>
      %dma_start3A_161 = arith.constant 0 : i32
      %dma_start3A_162 = tpu.memref_slice %arg23[%add3A_30, %dma_start3A_161] : memref<10000x16xf32, #tpu.memory_space<vmem_shared>> -> memref<40x16xf32, #tpu.memory_space<vmem_shared>>
      tpu.enqueue_dma source(%arg21 : memref<40x16xf32, #tpu.memory_space<vmem>>) target(%dma_start3A_162 : memref<40x16xf32, #tpu.memory_space<vmem_shared>>) target_semaphore(%run_scoped3A : memref<!tpu.dma_semaphore, #tpu.memory_space<semaphore_mem>>)
      %dma_wait3A_163 = arith.constant 0 : i32
      %dma_wait3A_164 = tpu.memref_slice %arg23[%add3A_30, %dma_wait3A_163] : memref<10000x16xf32, #tpu.memory_space<vmem_shared>> -> memref<40x16xf32, #tpu.memory_space<vmem_shared>>
      %dma_wait3A_165 = arith.constant 0 : i32
      %dma_wait3A_166 = tpu.memref_slice %arg23[%add3A_30, %dma_wait3A_165] : memref<10000x16xf32, #tpu.memory_space<vmem_shared>> -> memref<40x16xf32, #tpu.memory_space<vmem_shared>>
      tpu.wait_dma2 semaphore(%run_scoped3A : memref<!tpu.dma_semaphore, #tpu.memory_space<semaphore_mem>>) src(%arg21 : memref<40x16xf32, #tpu.memory_space<vmem>>) dst(%dma_wait3A_166 : memref<40x16xf32, #tpu.memory_space<vmem_shared>>)
      tpu.yield
    }) : () -> ()
    %add3A_31 = arith.constant 160 : i32
    %add3A_32 = arith.addi %mul3A_14, %add3A_31 : i32
    "tpu.region"() ({
      %run_scoped3A = tpu.sem_alloc : memref<!tpu.dma_semaphore, #tpu.memory_space<semaphore_mem>>
      %dma_start3A_159 = arith.constant 0 : i32
      %dma_start3A_160 = tpu.memref_slice %arg22[%add3A_32, %dma_start3A_159] : memref<10000x128xf32, #tpu.memory_space<vmem_shared>> -> memref<40x128xf32, #tpu.memory_space<vmem_shared>>
      %dma_start3A_161 = arith.constant 0 : i32
      %dma_start3A_162 = tpu.memref_slice %arg22[%add3A_32, %dma_start3A_161] : memref<10000x128xf32, #tpu.memory_space<vmem_shared>> -> memref<40x128xf32, #tpu.memory_space<vmem_shared>>
      tpu.enqueue_dma source(%arg15 : memref<40x128xf32, #tpu.memory_space<vmem>>) target(%dma_start3A_162 : memref<40x128xf32, #tpu.memory_space<vmem_shared>>) target_semaphore(%run_scoped3A : memref<!tpu.dma_semaphore, #tpu.memory_space<semaphore_mem>>)
      %dma_wait3A_163 = arith.constant 0 : i32
      %dma_wait3A_164 = tpu.memref_slice %arg22[%add3A_32, %dma_wait3A_163] : memref<10000x128xf32, #tpu.memory_space<vmem_shared>> -> memref<40x128xf32, #tpu.memory_space<vmem_shared>>
      %dma_wait3A_165 = arith.constant 0 : i32
      %dma_wait3A_166 = tpu.memref_slice %arg22[%add3A_32, %dma_wait3A_165] : memref<10000x128xf32, #tpu.memory_space<vmem_shared>> -> memref<40x128xf32, #tpu.memory_space<vmem_shared>>
      tpu.wait_dma2 semaphore(%run_scoped3A : memref<!tpu.dma_semaphore, #tpu.memory_space<semaphore_mem>>) src(%arg15 : memref<40x128xf32, #tpu.memory_space<vmem>>) dst(%dma_wait3A_166 : memref<40x128xf32, #tpu.memory_space<vmem_shared>>)
      tpu.yield
    }) : () -> ()
    %add3A_33 = arith.constant 160 : i32
    %add3A_34 = arith.addi %mul3A_14, %add3A_33 : i32
    "tpu.region"() ({
      %run_scoped3A = tpu.sem_alloc : memref<!tpu.dma_semaphore, #tpu.memory_space<semaphore_mem>>
      %dma_start3A_159 = arith.constant 0 : i32
      %dma_start3A_160 = tpu.memref_slice %arg23[%add3A_34, %dma_start3A_159] : memref<10000x16xf32, #tpu.memory_space<vmem_shared>> -> memref<40x16xf32, #tpu.memory_space<vmem_shared>>
      %dma_start3A_161 = arith.constant 0 : i32
      %dma_start3A_162 = tpu.memref_slice %arg23[%add3A_34, %dma_start3A_161] : memref<10000x16xf32, #tpu.memory_space<vmem_shared>> -> memref<40x16xf32, #tpu.memory_space<vmem_shared>>
      tpu.enqueue_dma source(%arg21 : memref<40x16xf32, #tpu.memory_space<vmem>>) target(%dma_start3A_162 : memref<40x16xf32, #tpu.memory_space<vmem_shared>>) target_semaphore(%run_scoped3A : memref<!tpu.dma_semaphore, #tpu.memory_space<semaphore_mem>>)
      %dma_wait3A_163 = arith.constant 0 : i32
      %dma_wait3A_164 = tpu.memref_slice %arg23[%add3A_34, %dma_wait3A_163] : memref<10000x16xf32, #tpu.memory_space<vmem_shared>> -> memref<40x16xf32, #tpu.memory_space<vmem_shared>>
      %dma_wait3A_165 = arith.constant 0 : i32
      %dma_wait3A_166 = tpu.memref_slice %arg23[%add3A_34, %dma_wait3A_165] : memref<10000x16xf32, #tpu.memory_space<vmem_shared>> -> memref<40x16xf32, #tpu.memory_space<vmem_shared>>
      tpu.wait_dma2 semaphore(%run_scoped3A : memref<!tpu.dma_semaphore, #tpu.memory_space<semaphore_mem>>) src(%arg21 : memref<40x16xf32, #tpu.memory_space<vmem>>) dst(%dma_wait3A_166 : memref<40x16xf32, #tpu.memory_space<vmem_shared>>)
      tpu.yield
    }) : () -> ()
    %add3A_35 = arith.constant 200 : i32
    %add3A_36 = arith.addi %mul3A_14, %add3A_35 : i32
    "tpu.region"() ({
      %run_scoped3A = tpu.sem_alloc : memref<!tpu.dma_semaphore, #tpu.memory_space<semaphore_mem>>
      %dma_start3A_159 = arith.constant 0 : i32
      %dma_start3A_160 = tpu.memref_slice %arg22[%add3A_36, %dma_start3A_159] : memref<10000x128xf32, #tpu.memory_space<vmem_shared>> -> memref<40x128xf32, #tpu.memory_space<vmem_shared>>
      %dma_start3A_161 = arith.constant 0 : i32
      %dma_start3A_162 = tpu.memref_slice %arg22[%add3A_36, %dma_start3A_161] : memref<10000x128xf32, #tpu.memory_space<vmem_shared>> -> memref<40x128xf32, #tpu.memory_space<vmem_shared>>
      tpu.enqueue_dma source(%arg15 : memref<40x128xf32, #tpu.memory_space<vmem>>) target(%dma_start3A_162 : memref<40x128xf32, #tpu.memory_space<vmem_shared>>) target_semaphore(%run_scoped3A : memref<!tpu.dma_semaphore, #tpu.memory_space<semaphore_mem>>)
      %dma_wait3A_163 = arith.constant 0 : i32
      %dma_wait3A_164 = tpu.memref_slice %arg22[%add3A_36, %dma_wait3A_163] : memref<10000x128xf32, #tpu.memory_space<vmem_shared>> -> memref<40x128xf32, #tpu.memory_space<vmem_shared>>
      %dma_wait3A_165 = arith.constant 0 : i32
      %dma_wait3A_166 = tpu.memref_slice %arg22[%add3A_36, %dma_wait3A_165] : memref<10000x128xf32, #tpu.memory_space<vmem_shared>> -> memref<40x128xf32, #tpu.memory_space<vmem_shared>>
      tpu.wait_dma2 semaphore(%run_scoped3A : memref<!tpu.dma_semaphore, #tpu.memory_space<semaphore_mem>>) src(%arg15 : memref<40x128xf32, #tpu.memory_space<vmem>>) dst(%dma_wait3A_166 : memref<40x128xf32, #tpu.memory_space<vmem_shared>>)
      tpu.yield
    }) : () -> ()
    %add3A_37 = arith.constant 200 : i32
    %add3A_38 = arith.addi %mul3A_14, %add3A_37 : i32
    "tpu.region"() ({
      %run_scoped3A = tpu.sem_alloc : memref<!tpu.dma_semaphore, #tpu.memory_space<semaphore_mem>>
      %dma_start3A_159 = arith.constant 0 : i32
      %dma_start3A_160 = tpu.memref_slice %arg23[%add3A_38, %dma_start3A_159] : memref<10000x16xf32, #tpu.memory_space<vmem_shared>> -> memref<40x16xf32, #tpu.memory_space<vmem_shared>>
      %dma_start3A_161 = arith.constant 0 : i32
      %dma_start3A_162 = tpu.memref_slice %arg23[%add3A_38, %dma_start3A_161] : memref<10000x16xf32, #tpu.memory_space<vmem_shared>> -> memref<40x16xf32, #tpu.memory_space<vmem_shared>>
      tpu.enqueue_dma source(%arg21 : memref<40x16xf32, #tpu.memory_space<vmem>>) target(%dma_start3A_162 : memref<40x16xf32, #tpu.memory_space<vmem_shared>>) target_semaphore(%run_scoped3A : memref<!tpu.dma_semaphore, #tpu.memory_space<semaphore_mem>>)
      %dma_wait3A_163 = arith.constant 0 : i32
      %dma_wait3A_164 = tpu.memref_slice %arg23[%add3A_38, %dma_wait3A_163] : memref<10000x16xf32, #tpu.memory_space<vmem_shared>> -> memref<40x16xf32, #tpu.memory_space<vmem_shared>>
      %dma_wait3A_165 = arith.constant 0 : i32
      %dma_wait3A_166 = tpu.memref_slice %arg23[%add3A_38, %dma_wait3A_165] : memref<10000x16xf32, #tpu.memory_space<vmem_shared>> -> memref<40x16xf32, #tpu.memory_space<vmem_shared>>
      tpu.wait_dma2 semaphore(%run_scoped3A : memref<!tpu.dma_semaphore, #tpu.memory_space<semaphore_mem>>) src(%arg21 : memref<40x16xf32, #tpu.memory_space<vmem>>) dst(%dma_wait3A_166 : memref<40x16xf32, #tpu.memory_space<vmem_shared>>)
      tpu.yield
    }) : () -> ()
    %add3A_39 = arith.constant 240 : i32
    %add3A_40 = arith.addi %mul3A_14, %add3A_39 : i32
    "tpu.region"() ({
      %run_scoped3A = tpu.sem_alloc : memref<!tpu.dma_semaphore, #tpu.memory_space<semaphore_mem>>
      %dma_start3A_159 = arith.constant 0 : i32
      %dma_start3A_160 = tpu.memref_slice %arg22[%add3A_40, %dma_start3A_159] : memref<10000x128xf32, #tpu.memory_space<vmem_shared>> -> memref<40x128xf32, #tpu.memory_space<vmem_shared>>
      %dma_start3A_161 = arith.constant 0 : i32
      %dma_start3A_162 = tpu.memref_slice %arg22[%add3A_40, %dma_start3A_161] : memref<10000x128xf32, #tpu.memory_space<vmem_shared>> -> memref<40x128xf32, #tpu.memory_space<vmem_shared>>
      tpu.enqueue_dma source(%arg15 : memref<40x128xf32, #tpu.memory_space<vmem>>) target(%dma_start3A_162 : memref<40x128xf32, #tpu.memory_space<vmem_shared>>) target_semaphore(%run_scoped3A : memref<!tpu.dma_semaphore, #tpu.memory_space<semaphore_mem>>)
      %dma_wait3A_163 = arith.constant 0 : i32
      %dma_wait3A_164 = tpu.memref_slice %arg22[%add3A_40, %dma_wait3A_163] : memref<10000x128xf32, #tpu.memory_space<vmem_shared>> -> memref<40x128xf32, #tpu.memory_space<vmem_shared>>
      %dma_wait3A_165 = arith.constant 0 : i32
      %dma_wait3A_166 = tpu.memref_slice %arg22[%add3A_40, %dma_wait3A_165] : memref<10000x128xf32, #tpu.memory_space<vmem_shared>> -> memref<40x128xf32, #tpu.memory_space<vmem_shared>>
      tpu.wait_dma2 semaphore(%run_scoped3A : memref<!tpu.dma_semaphore, #tpu.memory_space<semaphore_mem>>) src(%arg15 : memref<40x128xf32, #tpu.memory_space<vmem>>) dst(%dma_wait3A_166 : memref<40x128xf32, #tpu.memory_space<vmem_shared>>)
      tpu.yield
    }) : () -> ()
    %add3A_41 = arith.constant 240 : i32
    %add3A_42 = arith.addi %mul3A_14, %add3A_41 : i32
    "tpu.region"() ({
      %run_scoped3A = tpu.sem_alloc : memref<!tpu.dma_semaphore, #tpu.memory_space<semaphore_mem>>
      %dma_start3A_159 = arith.constant 0 : i32
      %dma_start3A_160 = tpu.memref_slice %arg23[%add3A_42, %dma_start3A_159] : memref<10000x16xf32, #tpu.memory_space<vmem_shared>> -> memref<40x16xf32, #tpu.memory_space<vmem_shared>>
      %dma_start3A_161 = arith.constant 0 : i32
      %dma_start3A_162 = tpu.memref_slice %arg23[%add3A_42, %dma_start3A_161] : memref<10000x16xf32, #tpu.memory_space<vmem_shared>> -> memref<40x16xf32, #tpu.memory_space<vmem_shared>>
      tpu.enqueue_dma source(%arg21 : memref<40x16xf32, #tpu.memory_space<vmem>>) target(%dma_start3A_162 : memref<40x16xf32, #tpu.memory_space<vmem_shared>>) target_semaphore(%run_scoped3A : memref<!tpu.dma_semaphore, #tpu.memory_space<semaphore_mem>>)
      %dma_wait3A_163 = arith.constant 0 : i32
      %dma_wait3A_164 = tpu.memref_slice %arg23[%add3A_42, %dma_wait3A_163] : memref<10000x16xf32, #tpu.memory_space<vmem_shared>> -> memref<40x16xf32, #tpu.memory_space<vmem_shared>>
      %dma_wait3A_165 = arith.constant 0 : i32
      %dma_wait3A_166 = tpu.memref_slice %arg23[%add3A_42, %dma_wait3A_165] : memref<10000x16xf32, #tpu.memory_space<vmem_shared>> -> memref<40x16xf32, #tpu.memory_space<vmem_shared>>
      tpu.wait_dma2 semaphore(%run_scoped3A : memref<!tpu.dma_semaphore, #tpu.memory_space<semaphore_mem>>) src(%arg21 : memref<40x16xf32, #tpu.memory_space<vmem>>) dst(%dma_wait3A_166 : memref<40x16xf32, #tpu.memory_space<vmem_shared>>)
      tpu.yield
    }) : () -> ()
    %add3A_43 = arith.constant 280 : i32
    %add3A_44 = arith.addi %mul3A_14, %add3A_43 : i32
    "tpu.region"() ({
      %run_scoped3A = tpu.sem_alloc : memref<!tpu.dma_semaphore, #tpu.memory_space<semaphore_mem>>
      %dma_start3A_159 = arith.constant 0 : i32
      %dma_start3A_160 = tpu.memref_slice %arg22[%add3A_44, %dma_start3A_159] : memref<10000x128xf32, #tpu.memory_space<vmem_shared>> -> memref<40x128xf32, #tpu.memory_space<vmem_shared>>
      %dma_start3A_161 = arith.constant 0 : i32
      %dma_start3A_162 = tpu.memref_slice %arg22[%add3A_44, %dma_start3A_161] : memref<10000x128xf32, #tpu.memory_space<vmem_shared>> -> memref<40x128xf32, #tpu.memory_space<vmem_shared>>
      tpu.enqueue_dma source(%arg15 : memref<40x128xf32, #tpu.memory_space<vmem>>) target(%dma_start3A_162 : memref<40x128xf32, #tpu.memory_space<vmem_shared>>) target_semaphore(%run_scoped3A : memref<!tpu.dma_semaphore, #tpu.memory_space<semaphore_mem>>)
      %dma_wait3A_163 = arith.constant 0 : i32
      %dma_wait3A_164 = tpu.memref_slice %arg22[%add3A_44, %dma_wait3A_163] : memref<10000x128xf32, #tpu.memory_space<vmem_shared>> -> memref<40x128xf32, #tpu.memory_space<vmem_shared>>
      %dma_wait3A_165 = arith.constant 0 : i32
      %dma_wait3A_166 = tpu.memref_slice %arg22[%add3A_44, %dma_wait3A_165] : memref<10000x128xf32, #tpu.memory_space<vmem_shared>> -> memref<40x128xf32, #tpu.memory_space<vmem_shared>>
      tpu.wait_dma2 semaphore(%run_scoped3A : memref<!tpu.dma_semaphore, #tpu.memory_space<semaphore_mem>>) src(%arg15 : memref<40x128xf32, #tpu.memory_space<vmem>>) dst(%dma_wait3A_166 : memref<40x128xf32, #tpu.memory_space<vmem_shared>>)
      tpu.yield
    }) : () -> ()
    %add3A_45 = arith.constant 280 : i32
    %add3A_46 = arith.addi %mul3A_14, %add3A_45 : i32
    "tpu.region"() ({
      %run_scoped3A = tpu.sem_alloc : memref<!tpu.dma_semaphore, #tpu.memory_space<semaphore_mem>>
      %dma_start3A_159 = arith.constant 0 : i32
      %dma_start3A_160 = tpu.memref_slice %arg23[%add3A_46, %dma_start3A_159] : memref<10000x16xf32, #tpu.memory_space<vmem_shared>> -> memref<40x16xf32, #tpu.memory_space<vmem_shared>>
      %dma_start3A_161 = arith.constant 0 : i32
      %dma_start3A_162 = tpu.memref_slice %arg23[%add3A_46, %dma_start3A_161] : memref<10000x16xf32, #tpu.memory_space<vmem_shared>> -> memref<40x16xf32, #tpu.memory_space<vmem_shared>>
      tpu.enqueue_dma source(%arg21 : memref<40x16xf32, #tpu.memory_space<vmem>>) target(%dma_start3A_162 : memref<40x16xf32, #tpu.memory_space<vmem_shared>>) target_semaphore(%run_scoped3A : memref<!tpu.dma_semaphore, #tpu.memory_space<semaphore_mem>>)
      %dma_wait3A_163 = arith.constant 0 : i32
      %dma_wait3A_164 = tpu.memref_slice %arg23[%add3A_46, %dma_wait3A_163] : memref<10000x16xf32, #tpu.memory_space<vmem_shared>> -> memref<40x16xf32, #tpu.memory_space<vmem_shared>>
      %dma_wait3A_165 = arith.constant 0 : i32
      %dma_wait3A_166 = tpu.memref_slice %arg23[%add3A_46, %dma_wait3A_165] : memref<10000x16xf32, #tpu.memory_space<vmem_shared>> -> memref<40x16xf32, #tpu.memory_space<vmem_shared>>
      tpu.wait_dma2 semaphore(%run_scoped3A : memref<!tpu.dma_semaphore, #tpu.memory_space<semaphore_mem>>) src(%arg21 : memref<40x16xf32, #tpu.memory_space<vmem>>) dst(%dma_wait3A_166 : memref<40x16xf32, #tpu.memory_space<vmem_shared>>)
      tpu.yield
    }) : () -> ()
    %add3A_47 = arith.constant 320 : i32
    %add3A_48 = arith.addi %mul3A_14, %add3A_47 : i32
    "tpu.region"() ({
      %run_scoped3A = tpu.sem_alloc : memref<!tpu.dma_semaphore, #tpu.memory_space<semaphore_mem>>
      %dma_start3A_159 = arith.constant 0 : i32
      %dma_start3A_160 = tpu.memref_slice %arg22[%add3A_48, %dma_start3A_159] : memref<10000x128xf32, #tpu.memory_space<vmem_shared>> -> memref<40x128xf32, #tpu.memory_space<vmem_shared>>
      %dma_start3A_161 = arith.constant 0 : i32
      %dma_start3A_162 = tpu.memref_slice %arg22[%add3A_48, %dma_start3A_161] : memref<10000x128xf32, #tpu.memory_space<vmem_shared>> -> memref<40x128xf32, #tpu.memory_space<vmem_shared>>
      tpu.enqueue_dma source(%arg15 : memref<40x128xf32, #tpu.memory_space<vmem>>) target(%dma_start3A_162 : memref<40x128xf32, #tpu.memory_space<vmem_shared>>) target_semaphore(%run_scoped3A : memref<!tpu.dma_semaphore, #tpu.memory_space<semaphore_mem>>)
      %dma_wait3A_163 = arith.constant 0 : i32
      %dma_wait3A_164 = tpu.memref_slice %arg22[%add3A_48, %dma_wait3A_163] : memref<10000x128xf32, #tpu.memory_space<vmem_shared>> -> memref<40x128xf32, #tpu.memory_space<vmem_shared>>
      %dma_wait3A_165 = arith.constant 0 : i32
      %dma_wait3A_166 = tpu.memref_slice %arg22[%add3A_48, %dma_wait3A_165] : memref<10000x128xf32, #tpu.memory_space<vmem_shared>> -> memref<40x128xf32, #tpu.memory_space<vmem_shared>>
      tpu.wait_dma2 semaphore(%run_scoped3A : memref<!tpu.dma_semaphore, #tpu.memory_space<semaphore_mem>>) src(%arg15 : memref<40x128xf32, #tpu.memory_space<vmem>>) dst(%dma_wait3A_166 : memref<40x128xf32, #tpu.memory_space<vmem_shared>>)
      tpu.yield
    }) : () -> ()
    %add3A_49 = arith.constant 320 : i32
    %add3A_50 = arith.addi %mul3A_14, %add3A_49 : i32
    "tpu.region"() ({
      %run_scoped3A = tpu.sem_alloc : memref<!tpu.dma_semaphore, #tpu.memory_space<semaphore_mem>>
      %dma_start3A_159 = arith.constant 0 : i32
      %dma_start3A_160 = tpu.memref_slice %arg23[%add3A_50, %dma_start3A_159] : memref<10000x16xf32, #tpu.memory_space<vmem_shared>> -> memref<40x16xf32, #tpu.memory_space<vmem_shared>>
      %dma_start3A_161 = arith.constant 0 : i32
      %dma_start3A_162 = tpu.memref_slice %arg23[%add3A_50, %dma_start3A_161] : memref<10000x16xf32, #tpu.memory_space<vmem_shared>> -> memref<40x16xf32, #tpu.memory_space<vmem_shared>>
      tpu.enqueue_dma source(%arg21 : memref<40x16xf32, #tpu.memory_space<vmem>>) target(%dma_start3A_162 : memref<40x16xf32, #tpu.memory_space<vmem_shared>>) target_semaphore(%run_scoped3A : memref<!tpu.dma_semaphore, #tpu.memory_space<semaphore_mem>>)
      %dma_wait3A_163 = arith.constant 0 : i32
      %dma_wait3A_164 = tpu.memref_slice %arg23[%add3A_50, %dma_wait3A_163] : memref<10000x16xf32, #tpu.memory_space<vmem_shared>> -> memref<40x16xf32, #tpu.memory_space<vmem_shared>>
      %dma_wait3A_165 = arith.constant 0 : i32
      %dma_wait3A_166 = tpu.memref_slice %arg23[%add3A_50, %dma_wait3A_165] : memref<10000x16xf32, #tpu.memory_space<vmem_shared>> -> memref<40x16xf32, #tpu.memory_space<vmem_shared>>
      tpu.wait_dma2 semaphore(%run_scoped3A : memref<!tpu.dma_semaphore, #tpu.memory_space<semaphore_mem>>) src(%arg21 : memref<40x16xf32, #tpu.memory_space<vmem>>) dst(%dma_wait3A_166 : memref<40x16xf32, #tpu.memory_space<vmem_shared>>)
      tpu.yield
    }) : () -> ()
    %add3A_51 = arith.constant 360 : i32
    %add3A_52 = arith.addi %mul3A_14, %add3A_51 : i32
    "tpu.region"() ({
      %run_scoped3A = tpu.sem_alloc : memref<!tpu.dma_semaphore, #tpu.memory_space<semaphore_mem>>
      %dma_start3A_159 = arith.constant 0 : i32
      %dma_start3A_160 = tpu.memref_slice %arg22[%add3A_52, %dma_start3A_159] : memref<10000x128xf32, #tpu.memory_space<vmem_shared>> -> memref<40x128xf32, #tpu.memory_space<vmem_shared>>
      %dma_start3A_161 = arith.constant 0 : i32
      %dma_start3A_162 = tpu.memref_slice %arg22[%add3A_52, %dma_start3A_161] : memref<10000x128xf32, #tpu.memory_space<vmem_shared>> -> memref<40x128xf32, #tpu.memory_space<vmem_shared>>
      tpu.enqueue_dma source(%arg15 : memref<40x128xf32, #tpu.memory_space<vmem>>) target(%dma_start3A_162 : memref<40x128xf32, #tpu.memory_space<vmem_shared>>) target_semaphore(%run_scoped3A : memref<!tpu.dma_semaphore, #tpu.memory_space<semaphore_mem>>)
      %dma_wait3A_163 = arith.constant 0 : i32
      %dma_wait3A_164 = tpu.memref_slice %arg22[%add3A_52, %dma_wait3A_163] : memref<10000x128xf32, #tpu.memory_space<vmem_shared>> -> memref<40x128xf32, #tpu.memory_space<vmem_shared>>
      %dma_wait3A_165 = arith.constant 0 : i32
      %dma_wait3A_166 = tpu.memref_slice %arg22[%add3A_52, %dma_wait3A_165] : memref<10000x128xf32, #tpu.memory_space<vmem_shared>> -> memref<40x128xf32, #tpu.memory_space<vmem_shared>>
      tpu.wait_dma2 semaphore(%run_scoped3A : memref<!tpu.dma_semaphore, #tpu.memory_space<semaphore_mem>>) src(%arg15 : memref<40x128xf32, #tpu.memory_space<vmem>>) dst(%dma_wait3A_166 : memref<40x128xf32, #tpu.memory_space<vmem_shared>>)
      tpu.yield
    }) : () -> ()
    %add3A_53 = arith.constant 360 : i32
    %add3A_54 = arith.addi %mul3A_14, %add3A_53 : i32
    "tpu.region"() ({
      %run_scoped3A = tpu.sem_alloc : memref<!tpu.dma_semaphore, #tpu.memory_space<semaphore_mem>>
      %dma_start3A_159 = arith.constant 0 : i32
      %dma_start3A_160 = tpu.memref_slice %arg23[%add3A_54, %dma_start3A_159] : memref<10000x16xf32, #tpu.memory_space<vmem_shared>> -> memref<40x16xf32, #tpu.memory_space<vmem_shared>>
      %dma_start3A_161 = arith.constant 0 : i32
      %dma_start3A_162 = tpu.memref_slice %arg23[%add3A_54, %dma_start3A_161] : memref<10000x16xf32, #tpu.memory_space<vmem_shared>> -> memref<40x16xf32, #tpu.memory_space<vmem_shared>>
      tpu.enqueue_dma source(%arg21 : memref<40x16xf32, #tpu.memory_space<vmem>>) target(%dma_start3A_162 : memref<40x16xf32, #tpu.memory_space<vmem_shared>>) target_semaphore(%run_scoped3A : memref<!tpu.dma_semaphore, #tpu.memory_space<semaphore_mem>>)
      %dma_wait3A_163 = arith.constant 0 : i32
      %dma_wait3A_164 = tpu.memref_slice %arg23[%add3A_54, %dma_wait3A_163] : memref<10000x16xf32, #tpu.memory_space<vmem_shared>> -> memref<40x16xf32, #tpu.memory_space<vmem_shared>>
      %dma_wait3A_165 = arith.constant 0 : i32
      %dma_wait3A_166 = tpu.memref_slice %arg23[%add3A_54, %dma_wait3A_165] : memref<10000x16xf32, #tpu.memory_space<vmem_shared>> -> memref<40x16xf32, #tpu.memory_space<vmem_shared>>
      tpu.wait_dma2 semaphore(%run_scoped3A : memref<!tpu.dma_semaphore, #tpu.memory_space<semaphore_mem>>) src(%arg21 : memref<40x16xf32, #tpu.memory_space<vmem>>) dst(%dma_wait3A_166 : memref<40x16xf32, #tpu.memory_space<vmem_shared>>)
      tpu.yield
    }) : () -> ()
    %add3A_55 = arith.constant 400 : i32
    %add3A_56 = arith.addi %mul3A_14, %add3A_55 : i32
    "tpu.region"() ({
      %run_scoped3A = tpu.sem_alloc : memref<!tpu.dma_semaphore, #tpu.memory_space<semaphore_mem>>
      %dma_start3A_159 = arith.constant 0 : i32
      %dma_start3A_160 = tpu.memref_slice %arg22[%add3A_56, %dma_start3A_159] : memref<10000x128xf32, #tpu.memory_space<vmem_shared>> -> memref<40x128xf32, #tpu.memory_space<vmem_shared>>
      %dma_start3A_161 = arith.constant 0 : i32
      %dma_start3A_162 = tpu.memref_slice %arg22[%add3A_56, %dma_start3A_161] : memref<10000x128xf32, #tpu.memory_space<vmem_shared>> -> memref<40x128xf32, #tpu.memory_space<vmem_shared>>
      tpu.enqueue_dma source(%arg15 : memref<40x128xf32, #tpu.memory_space<vmem>>) target(%dma_start3A_162 : memref<40x128xf32, #tpu.memory_space<vmem_shared>>) target_semaphore(%run_scoped3A : memref<!tpu.dma_semaphore, #tpu.memory_space<semaphore_mem>>)
      %dma_wait3A_163 = arith.constant 0 : i32
      %dma_wait3A_164 = tpu.memref_slice %arg22[%add3A_56, %dma_wait3A_163] : memref<10000x128xf32, #tpu.memory_space<vmem_shared>> -> memref<40x128xf32, #tpu.memory_space<vmem_shared>>
      %dma_wait3A_165 = arith.constant 0 : i32
      %dma_wait3A_166 = tpu.memref_slice %arg22[%add3A_56, %dma_wait3A_165] : memref<10000x128xf32, #tpu.memory_space<vmem_shared>> -> memref<40x128xf32, #tpu.memory_space<vmem_shared>>
      tpu.wait_dma2 semaphore(%run_scoped3A : memref<!tpu.dma_semaphore, #tpu.memory_space<semaphore_mem>>) src(%arg15 : memref<40x128xf32, #tpu.memory_space<vmem>>) dst(%dma_wait3A_166 : memref<40x128xf32, #tpu.memory_space<vmem_shared>>)
      tpu.yield
    }) : () -> ()
    %add3A_57 = arith.constant 400 : i32
    %add3A_58 = arith.addi %mul3A_14, %add3A_57 : i32
    "tpu.region"() ({
      %run_scoped3A = tpu.sem_alloc : memref<!tpu.dma_semaphore, #tpu.memory_space<semaphore_mem>>
      %dma_start3A_159 = arith.constant 0 : i32
      %dma_start3A_160 = tpu.memref_slice %arg23[%add3A_58, %dma_start3A_159] : memref<10000x16xf32, #tpu.memory_space<vmem_shared>> -> memref<40x16xf32, #tpu.memory_space<vmem_shared>>
      %dma_start3A_161 = arith.constant 0 : i32
      %dma_start3A_162 = tpu.memref_slice %arg23[%add3A_58, %dma_start3A_161] : memref<10000x16xf32, #tpu.memory_space<vmem_shared>> -> memref<40x16xf32, #tpu.memory_space<vmem_shared>>
      tpu.enqueue_dma source(%arg21 : memref<40x16xf32, #tpu.memory_space<vmem>>) target(%dma_start3A_162 : memref<40x16xf32, #tpu.memory_space<vmem_shared>>) target_semaphore(%run_scoped3A : memref<!tpu.dma_semaphore, #tpu.memory_space<semaphore_mem>>)
      %dma_wait3A_163 = arith.constant 0 : i32
      %dma_wait3A_164 = tpu.memref_slice %arg23[%add3A_58, %dma_wait3A_163] : memref<10000x16xf32, #tpu.memory_space<vmem_shared>> -> memref<40x16xf32, #tpu.memory_space<vmem_shared>>
      %dma_wait3A_165 = arith.constant 0 : i32
      %dma_wait3A_166 = tpu.memref_slice %arg23[%add3A_58, %dma_wait3A_165] : memref<10000x16xf32, #tpu.memory_space<vmem_shared>> -> memref<40x16xf32, #tpu.memory_space<vmem_shared>>
      tpu.wait_dma2 semaphore(%run_scoped3A : memref<!tpu.dma_semaphore, #tpu.memory_space<semaphore_mem>>) src(%arg21 : memref<40x16xf32, #tpu.memory_space<vmem>>) dst(%dma_wait3A_166 : memref<40x16xf32, #tpu.memory_space<vmem_shared>>)
      tpu.yield
    }) : () -> ()
    %add3A_59 = arith.constant 440 : i32
    %add3A_60 = arith.addi %mul3A_14, %add3A_59 : i32
    "tpu.region"() ({
      %run_scoped3A = tpu.sem_alloc : memref<!tpu.dma_semaphore, #tpu.memory_space<semaphore_mem>>
      %dma_start3A_159 = arith.constant 0 : i32
      %dma_start3A_160 = tpu.memref_slice %arg22[%add3A_60, %dma_start3A_159] : memref<10000x128xf32, #tpu.memory_space<vmem_shared>> -> memref<40x128xf32, #tpu.memory_space<vmem_shared>>
      %dma_start3A_161 = arith.constant 0 : i32
      %dma_start3A_162 = tpu.memref_slice %arg22[%add3A_60, %dma_start3A_161] : memref<10000x128xf32, #tpu.memory_space<vmem_shared>> -> memref<40x128xf32, #tpu.memory_space<vmem_shared>>
      tpu.enqueue_dma source(%arg15 : memref<40x128xf32, #tpu.memory_space<vmem>>) target(%dma_start3A_162 : memref<40x128xf32, #tpu.memory_space<vmem_shared>>) target_semaphore(%run_scoped3A : memref<!tpu.dma_semaphore, #tpu.memory_space<semaphore_mem>>)
      %dma_wait3A_163 = arith.constant 0 : i32
      %dma_wait3A_164 = tpu.memref_slice %arg22[%add3A_60, %dma_wait3A_163] : memref<10000x128xf32, #tpu.memory_space<vmem_shared>> -> memref<40x128xf32, #tpu.memory_space<vmem_shared>>
      %dma_wait3A_165 = arith.constant 0 : i32
      %dma_wait3A_166 = tpu.memref_slice %arg22[%add3A_60, %dma_wait3A_165] : memref<10000x128xf32, #tpu.memory_space<vmem_shared>> -> memref<40x128xf32, #tpu.memory_space<vmem_shared>>
      tpu.wait_dma2 semaphore(%run_scoped3A : memref<!tpu.dma_semaphore, #tpu.memory_space<semaphore_mem>>) src(%arg15 : memref<40x128xf32, #tpu.memory_space<vmem>>) dst(%dma_wait3A_166 : memref<40x128xf32, #tpu.memory_space<vmem_shared>>)
      tpu.yield
    }) : () -> ()
    %add3A_61 = arith.constant 440 : i32
    %add3A_62 = arith.addi %mul3A_14, %add3A_61 : i32
    "tpu.region"() ({
      %run_scoped3A = tpu.sem_alloc : memref<!tpu.dma_semaphore, #tpu.memory_space<semaphore_mem>>
      %dma_start3A_159 = arith.constant 0 : i32
      %dma_start3A_160 = tpu.memref_slice %arg23[%add3A_62, %dma_start3A_159] : memref<10000x16xf32, #tpu.memory_space<vmem_shared>> -> memref<40x16xf32, #tpu.memory_space<vmem_shared>>
      %dma_start3A_161 = arith.constant 0 : i32
      %dma_start3A_162 = tpu.memref_slice %arg23[%add3A_62, %dma_start3A_161] : memref<10000x16xf32, #tpu.memory_space<vmem_shared>> -> memref<40x16xf32, #tpu.memory_space<vmem_shared>>
      tpu.enqueue_dma source(%arg21 : memref<40x16xf32, #tpu.memory_space<vmem>>) target(%dma_start3A_162 : memref<40x16xf32, #tpu.memory_space<vmem_shared>>) target_semaphore(%run_scoped3A : memref<!tpu.dma_semaphore, #tpu.memory_space<semaphore_mem>>)
      %dma_wait3A_163 = arith.constant 0 : i32
      %dma_wait3A_164 = tpu.memref_slice %arg23[%add3A_62, %dma_wait3A_163] : memref<10000x16xf32, #tpu.memory_space<vmem_shared>> -> memref<40x16xf32, #tpu.memory_space<vmem_shared>>
      %dma_wait3A_165 = arith.constant 0 : i32
      %dma_wait3A_166 = tpu.memref_slice %arg23[%add3A_62, %dma_wait3A_165] : memref<10000x16xf32, #tpu.memory_space<vmem_shared>> -> memref<40x16xf32, #tpu.memory_space<vmem_shared>>
      tpu.wait_dma2 semaphore(%run_scoped3A : memref<!tpu.dma_semaphore, #tpu.memory_space<semaphore_mem>>) src(%arg21 : memref<40x16xf32, #tpu.memory_space<vmem>>) dst(%dma_wait3A_166 : memref<40x16xf32, #tpu.memory_space<vmem_shared>>)
      tpu.yield
    }) : () -> ()
    %add3A_63 = arith.constant 480 : i32
    %add3A_64 = arith.addi %mul3A_14, %add3A_63 : i32
    "tpu.region"() ({
      %run_scoped3A = tpu.sem_alloc : memref<!tpu.dma_semaphore, #tpu.memory_space<semaphore_mem>>
      %dma_start3A_159 = arith.constant 0 : i32
      %dma_start3A_160 = tpu.memref_slice %arg22[%add3A_64, %dma_start3A_159] : memref<10000x128xf32, #tpu.memory_space<vmem_shared>> -> memref<40x128xf32, #tpu.memory_space<vmem_shared>>
      %dma_start3A_161 = arith.constant 0 : i32
      %dma_start3A_162 = tpu.memref_slice %arg22[%add3A_64, %dma_start3A_161] : memref<10000x128xf32, #tpu.memory_space<vmem_shared>> -> memref<40x128xf32, #tpu.memory_space<vmem_shared>>
      tpu.enqueue_dma source(%arg15 : memref<40x128xf32, #tpu.memory_space<vmem>>) target(%dma_start3A_162 : memref<40x128xf32, #tpu.memory_space<vmem_shared>>) target_semaphore(%run_scoped3A : memref<!tpu.dma_semaphore, #tpu.memory_space<semaphore_mem>>)
      %dma_wait3A_163 = arith.constant 0 : i32
      %dma_wait3A_164 = tpu.memref_slice %arg22[%add3A_64, %dma_wait3A_163] : memref<10000x128xf32, #tpu.memory_space<vmem_shared>> -> memref<40x128xf32, #tpu.memory_space<vmem_shared>>
      %dma_wait3A_165 = arith.constant 0 : i32
      %dma_wait3A_166 = tpu.memref_slice %arg22[%add3A_64, %dma_wait3A_165] : memref<10000x128xf32, #tpu.memory_space<vmem_shared>> -> memref<40x128xf32, #tpu.memory_space<vmem_shared>>
      tpu.wait_dma2 semaphore(%run_scoped3A : memref<!tpu.dma_semaphore, #tpu.memory_space<semaphore_mem>>) src(%arg15 : memref<40x128xf32, #tpu.memory_space<vmem>>) dst(%dma_wait3A_166 : memref<40x128xf32, #tpu.memory_space<vmem_shared>>)
      tpu.yield
    }) : () -> ()
    %add3A_65 = arith.constant 480 : i32
    %add3A_66 = arith.addi %mul3A_14, %add3A_65 : i32
    "tpu.region"() ({
      %run_scoped3A = tpu.sem_alloc : memref<!tpu.dma_semaphore, #tpu.memory_space<semaphore_mem>>
      %dma_start3A_159 = arith.constant 0 : i32
      %dma_start3A_160 = tpu.memref_slice %arg23[%add3A_66, %dma_start3A_159] : memref<10000x16xf32, #tpu.memory_space<vmem_shared>> -> memref<40x16xf32, #tpu.memory_space<vmem_shared>>
      %dma_start3A_161 = arith.constant 0 : i32
      %dma_start3A_162 = tpu.memref_slice %arg23[%add3A_66, %dma_start3A_161] : memref<10000x16xf32, #tpu.memory_space<vmem_shared>> -> memref<40x16xf32, #tpu.memory_space<vmem_shared>>
      tpu.enqueue_dma source(%arg21 : memref<40x16xf32, #tpu.memory_space<vmem>>) target(%dma_start3A_162 : memref<40x16xf32, #tpu.memory_space<vmem_shared>>) target_semaphore(%run_scoped3A : memref<!tpu.dma_semaphore, #tpu.memory_space<semaphore_mem>>)
      %dma_wait3A_163 = arith.constant 0 : i32
      %dma_wait3A_164 = tpu.memref_slice %arg23[%add3A_66, %dma_wait3A_163] : memref<10000x16xf32, #tpu.memory_space<vmem_shared>> -> memref<40x16xf32, #tpu.memory_space<vmem_shared>>
      %dma_wait3A_165 = arith.constant 0 : i32
      %dma_wait3A_166 = tpu.memref_slice %arg23[%add3A_66, %dma_wait3A_165] : memref<10000x16xf32, #tpu.memory_space<vmem_shared>> -> memref<40x16xf32, #tpu.memory_space<vmem_shared>>
      tpu.wait_dma2 semaphore(%run_scoped3A : memref<!tpu.dma_semaphore, #tpu.memory_space<semaphore_mem>>) src(%arg21 : memref<40x16xf32, #tpu.memory_space<vmem>>) dst(%dma_wait3A_166 : memref<40x16xf32, #tpu.memory_space<vmem_shared>>)
      tpu.yield
    }) : () -> ()
    %add3A_67 = arith.constant 520 : i32
    %add3A_68 = arith.addi %mul3A_14, %add3A_67 : i32
    "tpu.region"() ({
      %run_scoped3A = tpu.sem_alloc : memref<!tpu.dma_semaphore, #tpu.memory_space<semaphore_mem>>
      %dma_start3A_159 = arith.constant 0 : i32
      %dma_start3A_160 = tpu.memref_slice %arg22[%add3A_68, %dma_start3A_159] : memref<10000x128xf32, #tpu.memory_space<vmem_shared>> -> memref<40x128xf32, #tpu.memory_space<vmem_shared>>
      %dma_start3A_161 = arith.constant 0 : i32
      %dma_start3A_162 = tpu.memref_slice %arg22[%add3A_68, %dma_start3A_161] : memref<10000x128xf32, #tpu.memory_space<vmem_shared>> -> memref<40x128xf32, #tpu.memory_space<vmem_shared>>
      tpu.enqueue_dma source(%arg15 : memref<40x128xf32, #tpu.memory_space<vmem>>) target(%dma_start3A_162 : memref<40x128xf32, #tpu.memory_space<vmem_shared>>) target_semaphore(%run_scoped3A : memref<!tpu.dma_semaphore, #tpu.memory_space<semaphore_mem>>)
      %dma_wait3A_163 = arith.constant 0 : i32
      %dma_wait3A_164 = tpu.memref_slice %arg22[%add3A_68, %dma_wait3A_163] : memref<10000x128xf32, #tpu.memory_space<vmem_shared>> -> memref<40x128xf32, #tpu.memory_space<vmem_shared>>
      %dma_wait3A_165 = arith.constant 0 : i32
      %dma_wait3A_166 = tpu.memref_slice %arg22[%add3A_68, %dma_wait3A_165] : memref<10000x128xf32, #tpu.memory_space<vmem_shared>> -> memref<40x128xf32, #tpu.memory_space<vmem_shared>>
      tpu.wait_dma2 semaphore(%run_scoped3A : memref<!tpu.dma_semaphore, #tpu.memory_space<semaphore_mem>>) src(%arg15 : memref<40x128xf32, #tpu.memory_space<vmem>>) dst(%dma_wait3A_166 : memref<40x128xf32, #tpu.memory_space<vmem_shared>>)
      tpu.yield
    }) : () -> ()
    %add3A_69 = arith.constant 520 : i32
    %add3A_70 = arith.addi %mul3A_14, %add3A_69 : i32
    "tpu.region"() ({
      %run_scoped3A = tpu.sem_alloc : memref<!tpu.dma_semaphore, #tpu.memory_space<semaphore_mem>>
      %dma_start3A_159 = arith.constant 0 : i32
      %dma_start3A_160 = tpu.memref_slice %arg23[%add3A_70, %dma_start3A_159] : memref<10000x16xf32, #tpu.memory_space<vmem_shared>> -> memref<40x16xf32, #tpu.memory_space<vmem_shared>>
      %dma_start3A_161 = arith.constant 0 : i32
      %dma_start3A_162 = tpu.memref_slice %arg23[%add3A_70, %dma_start3A_161] : memref<10000x16xf32, #tpu.memory_space<vmem_shared>> -> memref<40x16xf32, #tpu.memory_space<vmem_shared>>
      tpu.enqueue_dma source(%arg21 : memref<40x16xf32, #tpu.memory_space<vmem>>) target(%dma_start3A_162 : memref<40x16xf32, #tpu.memory_space<vmem_shared>>) target_semaphore(%run_scoped3A : memref<!tpu.dma_semaphore, #tpu.memory_space<semaphore_mem>>)
      %dma_wait3A_163 = arith.constant 0 : i32
      %dma_wait3A_164 = tpu.memref_slice %arg23[%add3A_70, %dma_wait3A_163] : memref<10000x16xf32, #tpu.memory_space<vmem_shared>> -> memref<40x16xf32, #tpu.memory_space<vmem_shared>>
      %dma_wait3A_165 = arith.constant 0 : i32
      %dma_wait3A_166 = tpu.memref_slice %arg23[%add3A_70, %dma_wait3A_165] : memref<10000x16xf32, #tpu.memory_space<vmem_shared>> -> memref<40x16xf32, #tpu.memory_space<vmem_shared>>
      tpu.wait_dma2 semaphore(%run_scoped3A : memref<!tpu.dma_semaphore, #tpu.memory_space<semaphore_mem>>) src(%arg21 : memref<40x16xf32, #tpu.memory_space<vmem>>) dst(%dma_wait3A_166 : memref<40x16xf32, #tpu.memory_space<vmem_shared>>)
      tpu.yield
    }) : () -> ()
    %add3A_71 = arith.constant 560 : i32
    %add3A_72 = arith.addi %mul3A_14, %add3A_71 : i32
    "tpu.region"() ({
      %run_scoped3A = tpu.sem_alloc : memref<!tpu.dma_semaphore, #tpu.memory_space<semaphore_mem>>
      %dma_start3A_159 = arith.constant 0 : i32
      %dma_start3A_160 = tpu.memref_slice %arg22[%add3A_72, %dma_start3A_159] : memref<10000x128xf32, #tpu.memory_space<vmem_shared>> -> memref<40x128xf32, #tpu.memory_space<vmem_shared>>
      %dma_start3A_161 = arith.constant 0 : i32
      %dma_start3A_162 = tpu.memref_slice %arg22[%add3A_72, %dma_start3A_161] : memref<10000x128xf32, #tpu.memory_space<vmem_shared>> -> memref<40x128xf32, #tpu.memory_space<vmem_shared>>
      tpu.enqueue_dma source(%arg15 : memref<40x128xf32, #tpu.memory_space<vmem>>) target(%dma_start3A_162 : memref<40x128xf32, #tpu.memory_space<vmem_shared>>) target_semaphore(%run_scoped3A : memref<!tpu.dma_semaphore, #tpu.memory_space<semaphore_mem>>)
      %dma_wait3A_163 = arith.constant 0 : i32
      %dma_wait3A_164 = tpu.memref_slice %arg22[%add3A_72, %dma_wait3A_163] : memref<10000x128xf32, #tpu.memory_space<vmem_shared>> -> memref<40x128xf32, #tpu.memory_space<vmem_shared>>
      %dma_wait3A_165 = arith.constant 0 : i32
      %dma_wait3A_166 = tpu.memref_slice %arg22[%add3A_72, %dma_wait3A_165] : memref<10000x128xf32, #tpu.memory_space<vmem_shared>> -> memref<40x128xf32, #tpu.memory_space<vmem_shared>>
      tpu.wait_dma2 semaphore(%run_scoped3A : memref<!tpu.dma_semaphore, #tpu.memory_space<semaphore_mem>>) src(%arg15 : memref<40x128xf32, #tpu.memory_space<vmem>>) dst(%dma_wait3A_166 : memref<40x128xf32, #tpu.memory_space<vmem_shared>>)
      tpu.yield
    }) : () -> ()
    %add3A_73 = arith.constant 560 : i32
    %add3A_74 = arith.addi %mul3A_14, %add3A_73 : i32
    "tpu.region"() ({
      %run_scoped3A = tpu.sem_alloc : memref<!tpu.dma_semaphore, #tpu.memory_space<semaphore_mem>>
      %dma_start3A_159 = arith.constant 0 : i32
      %dma_start3A_160 = tpu.memref_slice %arg23[%add3A_74, %dma_start3A_159] : memref<10000x16xf32, #tpu.memory_space<vmem_shared>> -> memref<40x16xf32, #tpu.memory_space<vmem_shared>>
      %dma_start3A_161 = arith.constant 0 : i32
      %dma_start3A_162 = tpu.memref_slice %arg23[%add3A_74, %dma_start3A_161] : memref<10000x16xf32, #tpu.memory_space<vmem_shared>> -> memref<40x16xf32, #tpu.memory_space<vmem_shared>>
      tpu.enqueue_dma source(%arg21 : memref<40x16xf32, #tpu.memory_space<vmem>>) target(%dma_start3A_162 : memref<40x16xf32, #tpu.memory_space<vmem_shared>>) target_semaphore(%run_scoped3A : memref<!tpu.dma_semaphore, #tpu.memory_space<semaphore_mem>>)
      %dma_wait3A_163 = arith.constant 0 : i32
      %dma_wait3A_164 = tpu.memref_slice %arg23[%add3A_74, %dma_wait3A_163] : memref<10000x16xf32, #tpu.memory_space<vmem_shared>> -> memref<40x16xf32, #tpu.memory_space<vmem_shared>>
      %dma_wait3A_165 = arith.constant 0 : i32
      %dma_wait3A_166 = tpu.memref_slice %arg23[%add3A_74, %dma_wait3A_165] : memref<10000x16xf32, #tpu.memory_space<vmem_shared>> -> memref<40x16xf32, #tpu.memory_space<vmem_shared>>
      tpu.wait_dma2 semaphore(%run_scoped3A : memref<!tpu.dma_semaphore, #tpu.memory_space<semaphore_mem>>) src(%arg21 : memref<40x16xf32, #tpu.memory_space<vmem>>) dst(%dma_wait3A_166 : memref<40x16xf32, #tpu.memory_space<vmem_shared>>)
      tpu.yield
    }) : () -> ()
    %add3A_75 = arith.constant 624 : i32
    %add3A_76 = arith.addi %mul3A_14, %add3A_75 : i32
    %sub3A = arith.constant 24 : i32
    %sub3A_77 = arith.subi %add3A_76, %sub3A : i32
    "tpu.region"() ({
      %run_scoped3A = tpu.sem_alloc : memref<!tpu.dma_semaphore, #tpu.memory_space<semaphore_mem>>
      %dma_start3A_159 = arith.constant 0 : i32
      %dma_start3A_160 = arith.constant 0 : i32
      %dma_start3A_161 = tpu.memref_slice %arg15[%dma_start3A_159, %dma_start3A_160] : memref<40x128xf32, #tpu.memory_space<vmem>> -> memref<24x128xf32, #tpu.memory_space<vmem>>
      %dma_start3A_162 = arith.constant 0 : i32
      %dma_start3A_163 = tpu.memref_slice %arg22[%sub3A_77, %dma_start3A_162] : memref<10000x128xf32, #tpu.memory_space<vmem_shared>> -> memref<24x128xf32, #tpu.memory_space<vmem_shared>>
      %dma_start3A_164 = arith.constant 0 : i32
      %dma_start3A_165 = tpu.memref_slice %arg22[%sub3A_77, %dma_start3A_164] : memref<10000x128xf32, #tpu.memory_space<vmem_shared>> -> memref<24x128xf32, #tpu.memory_space<vmem_shared>>
      %dma_start3A_166 = arith.constant 0 : i32
      %dma_start3A_167 = arith.constant 0 : i32
      %dma_start3A_168 = tpu.memref_slice %arg15[%dma_start3A_166, %dma_start3A_167] : memref<40x128xf32, #tpu.memory_space<vmem>> -> memref<24x128xf32, #tpu.memory_space<vmem>>
      tpu.enqueue_dma source(%dma_start3A_168 : memref<24x128xf32, #tpu.memory_space<vmem>>) target(%dma_start3A_165 : memref<24x128xf32, #tpu.memory_space<vmem_shared>>) target_semaphore(%run_scoped3A : memref<!tpu.dma_semaphore, #tpu.memory_space<semaphore_mem>>)
      %dma_wait3A_169 = arith.constant 0 : i32
      %dma_wait3A_170 = arith.constant 0 : i32
      %dma_wait3A_171 = tpu.memref_slice %arg15[%dma_wait3A_169, %dma_wait3A_170] : memref<40x128xf32, #tpu.memory_space<vmem>> -> memref<24x128xf32, #tpu.memory_space<vmem>>
      %dma_wait3A_172 = arith.constant 0 : i32
      %dma_wait3A_173 = tpu.memref_slice %arg22[%sub3A_77, %dma_wait3A_172] : memref<10000x128xf32, #tpu.memory_space<vmem_shared>> -> memref<24x128xf32, #tpu.memory_space<vmem_shared>>
      %dma_wait3A_174 = arith.constant 0 : i32
      %dma_wait3A_175 = tpu.memref_slice %arg22[%sub3A_77, %dma_wait3A_174] : memref<10000x128xf32, #tpu.memory_space<vmem_shared>> -> memref<24x128xf32, #tpu.memory_space<vmem_shared>>
      %dma_wait3A_176 = arith.constant 0 : i32
      %dma_wait3A_177 = arith.constant 0 : i32
      %dma_wait3A_178 = tpu.memref_slice %arg15[%dma_wait3A_176, %dma_wait3A_177] : memref<40x128xf32, #tpu.memory_space<vmem>> -> memref<24x128xf32, #tpu.memory_space<vmem>>
      tpu.wait_dma2 semaphore(%run_scoped3A : memref<!tpu.dma_semaphore, #tpu.memory_space<semaphore_mem>>) src(%dma_wait3A_178 : memref<24x128xf32, #tpu.memory_space<vmem>>) dst(%dma_wait3A_175 : memref<24x128xf32, #tpu.memory_space<vmem_shared>>)
      tpu.yield
    }) : () -> ()
    %add3A_78 = arith.constant 624 : i32
    %add3A_79 = arith.addi %mul3A_14, %add3A_78 : i32
    %sub3A_80 = arith.constant 24 : i32
    %sub3A_81 = arith.subi %add3A_79, %sub3A_80 : i32
    "tpu.region"() ({
      %run_scoped3A = tpu.sem_alloc : memref<!tpu.dma_semaphore, #tpu.memory_space<semaphore_mem>>
      %dma_start3A_159 = arith.constant 0 : i32
      %dma_start3A_160 = arith.constant 0 : i32
      %dma_start3A_161 = tpu.memref_slice %arg21[%dma_start3A_159, %dma_start3A_160] : memref<40x16xf32, #tpu.memory_space<vmem>> -> memref<24x16xf32, #tpu.memory_space<vmem>>
      %dma_start3A_162 = arith.constant 0 : i32
      %dma_start3A_163 = tpu.memref_slice %arg23[%sub3A_81, %dma_start3A_162] : memref<10000x16xf32, #tpu.memory_space<vmem_shared>> -> memref<24x16xf32, #tpu.memory_space<vmem_shared>>
      %dma_start3A_164 = arith.constant 0 : i32
      %dma_start3A_165 = tpu.memref_slice %arg23[%sub3A_81, %dma_start3A_164] : memref<10000x16xf32, #tpu.memory_space<vmem_shared>> -> memref<24x16xf32, #tpu.memory_space<vmem_shared>>
      %dma_start3A_166 = arith.constant 0 : i32
      %dma_start3A_167 = arith.constant 0 : i32
      %dma_start3A_168 = tpu.memref_slice %arg21[%dma_start3A_166, %dma_start3A_167] : memref<40x16xf32, #tpu.memory_space<vmem>> -> memref<24x16xf32, #tpu.memory_space<vmem>>
      tpu.enqueue_dma source(%dma_start3A_168 : memref<24x16xf32, #tpu.memory_space<vmem>>) target(%dma_start3A_165 : memref<24x16xf32, #tpu.memory_space<vmem_shared>>) target_semaphore(%run_scoped3A : memref<!tpu.dma_semaphore, #tpu.memory_space<semaphore_mem>>)
      %dma_wait3A_169 = arith.constant 0 : i32
      %dma_wait3A_170 = arith.constant 0 : i32
      %dma_wait3A_171 = tpu.memref_slice %arg21[%dma_wait3A_169, %dma_wait3A_170] : memref<40x16xf32, #tpu.memory_space<vmem>> -> memref<24x16xf32, #tpu.memory_space<vmem>>
      %dma_wait3A_172 = arith.constant 0 : i32
      %dma_wait3A_173 = tpu.memref_slice %arg23[%sub3A_81, %dma_wait3A_172] : memref<10000x16xf32, #tpu.memory_space<vmem_shared>> -> memref<24x16xf32, #tpu.memory_space<vmem_shared>>
      %dma_wait3A_174 = arith.constant 0 : i32
      %dma_wait3A_175 = tpu.memref_slice %arg23[%sub3A_81, %dma_wait3A_174] : memref<10000x16xf32, #tpu.memory_space<vmem_shared>> -> memref<24x16xf32, #tpu.memory_space<vmem_shared>>
      %dma_wait3A_176 = arith.constant 0 : i32
      %dma_wait3A_177 = arith.constant 0 : i32
      %dma_wait3A_178 = tpu.memref_slice %arg21[%dma_wait3A_176, %dma_wait3A_177] : memref<40x16xf32, #tpu.memory_space<vmem>> -> memref<24x16xf32, #tpu.memory_space<vmem>>
      tpu.wait_dma2 semaphore(%run_scoped3A : memref<!tpu.dma_semaphore, #tpu.memory_space<semaphore_mem>>) src(%dma_wait3A_178 : memref<24x16xf32, #tpu.memory_space<vmem>>) dst(%dma_wait3A_175 : memref<24x16xf32, #tpu.memory_space<vmem_shared>>)
      tpu.yield
    }) : () -> ()
    %eq3A_82 = arith.constant 15 : i32
    %eq3A_83 = arith.cmpi eq, %arg1, %eq3A_82 : i32
    %convert_element_type3A = arith.extui %eq3A_83 : i1 to i32
    %cond3A = arith.constant 0 : i32
    %cond3A_84 = arith.cmpi ne, %convert_element_type3A, %cond3A : i32
    scf.if %cond3A_84 {
      "tpu.region"() ({
        %run_scoped3A = tpu.sem_alloc : memref<!tpu.dma_semaphore, #tpu.memory_space<semaphore_mem>>
        %dma_start3A_159 = arith.constant 0 : i32
        %dma_start3A_160 = arith.constant 0 : i32
        %dma_start3A_161 = tpu.memref_slice %arg15[%dma_start3A_159, %dma_start3A_160] : memref<40x128xf32, #tpu.memory_space<vmem>> -> memref<16x128xf32, #tpu.memory_space<vmem>>
        %dma_start3A_162 = arith.constant 9984 : i32
        %dma_start3A_163 = arith.constant 0 : i32
        %dma_start3A_164 = tpu.memref_slice %arg22[%dma_start3A_162, %dma_start3A_163] : memref<10000x128xf32, #tpu.memory_space<vmem_shared>> -> memref<16x128xf32, #tpu.memory_space<vmem_shared>>
        %dma_start3A_165 = arith.constant 9984 : i32
        %dma_start3A_166 = arith.constant 0 : i32
        %dma_start3A_167 = tpu.memref_slice %arg22[%dma_start3A_165, %dma_start3A_166] : memref<10000x128xf32, #tpu.memory_space<vmem_shared>> -> memref<16x128xf32, #tpu.memory_space<vmem_shared>>
        %dma_start3A_168 = arith.constant 0 : i32
        %dma_start3A_169 = arith.constant 0 : i32
        %dma_start3A_170 = tpu.memref_slice %arg15[%dma_start3A_168, %dma_start3A_169] : memref<40x128xf32, #tpu.memory_space<vmem>> -> memref<16x128xf32, #tpu.memory_space<vmem>>
        tpu.enqueue_dma source(%dma_start3A_170 : memref<16x128xf32, #tpu.memory_space<vmem>>) target(%dma_start3A_167 : memref<16x128xf32, #tpu.memory_space<vmem_shared>>) target_semaphore(%run_scoped3A : memref<!tpu.dma_semaphore, #tpu.memory_space<semaphore_mem>>)
        %dma_wait3A_171 = arith.constant 0 : i32
        %dma_wait3A_172 = arith.constant 0 : i32
        %dma_wait3A_173 = tpu.memref_slice %arg15[%dma_wait3A_171, %dma_wait3A_172] : memref<40x128xf32, #tpu.memory_space<vmem>> -> memref<16x128xf32, #tpu.memory_space<vmem>>
        %dma_wait3A_174 = arith.constant 9984 : i32
        %dma_wait3A_175 = arith.constant 0 : i32
        %dma_wait3A_176 = tpu.memref_slice %arg22[%dma_wait3A_174, %dma_wait3A_175] : memref<10000x128xf32, #tpu.memory_space<vmem_shared>> -> memref<16x128xf32, #tpu.memory_space<vmem_shared>>
        %dma_wait3A_177 = arith.constant 9984 : i32
        %dma_wait3A_178 = arith.constant 0 : i32
        %dma_wait3A_179 = tpu.memref_slice %arg22[%dma_wait3A_177, %dma_wait3A_178] : memref<10000x128xf32, #tpu.memory_space<vmem_shared>> -> memref<16x128xf32, #tpu.memory_space<vmem_shared>>
        %dma_wait3A_180 = arith.constant 0 : i32
        %dma_wait3A_181 = arith.constant 0 : i32
        %dma_wait3A_182 = tpu.memref_slice %arg15[%dma_wait3A_180, %dma_wait3A_181] : memref<40x128xf32, #tpu.memory_space<vmem>> -> memref<16x128xf32, #tpu.memory_space<vmem>>
        tpu.wait_dma2 semaphore(%run_scoped3A : memref<!tpu.dma_semaphore, #tpu.memory_space<semaphore_mem>>) src(%dma_wait3A_182 : memref<16x128xf32, #tpu.memory_space<vmem>>) dst(%dma_wait3A_179 : memref<16x128xf32, #tpu.memory_space<vmem_shared>>)
        tpu.yield
      }) : () -> ()
      "tpu.region"() ({
        %run_scoped3A = tpu.sem_alloc : memref<!tpu.dma_semaphore, #tpu.memory_space<semaphore_mem>>
        %dma_start3A_159 = arith.constant 0 : i32
        %dma_start3A_160 = arith.constant 0 : i32
        %dma_start3A_161 = tpu.memref_slice %arg21[%dma_start3A_159, %dma_start3A_160] : memref<40x16xf32, #tpu.memory_space<vmem>> -> memref<16x16xf32, #tpu.memory_space<vmem>>
        %dma_start3A_162 = arith.constant 9984 : i32
        %dma_start3A_163 = arith.constant 0 : i32
        %dma_start3A_164 = tpu.memref_slice %arg23[%dma_start3A_162, %dma_start3A_163] : memref<10000x16xf32, #tpu.memory_space<vmem_shared>> -> memref<16x16xf32, #tpu.memory_space<vmem_shared>>
        %dma_start3A_165 = arith.constant 9984 : i32
        %dma_start3A_166 = arith.constant 0 : i32
        %dma_start3A_167 = tpu.memref_slice %arg23[%dma_start3A_165, %dma_start3A_166] : memref<10000x16xf32, #tpu.memory_space<vmem_shared>> -> memref<16x16xf32, #tpu.memory_space<vmem_shared>>
        %dma_start3A_168 = arith.constant 0 : i32
        %dma_start3A_169 = arith.constant 0 : i32
        %dma_start3A_170 = tpu.memref_slice %arg21[%dma_start3A_168, %dma_start3A_169] : memref<40x16xf32, #tpu.memory_space<vmem>> -> memref<16x16xf32, #tpu.memory_space<vmem>>
        tpu.enqueue_dma source(%dma_start3A_170 : memref<16x16xf32, #tpu.memory_space<vmem>>) target(%dma_start3A_167 : memref<16x16xf32, #tpu.memory_space<vmem_shared>>) target_semaphore(%run_scoped3A : memref<!tpu.dma_semaphore, #tpu.memory_space<semaphore_mem>>)
        %dma_wait3A_171 = arith.constant 0 : i32
        %dma_wait3A_172 = arith.constant 0 : i32
        %dma_wait3A_173 = tpu.memref_slice %arg21[%dma_wait3A_171, %dma_wait3A_172] : memref<40x16xf32, #tpu.memory_space<vmem>> -> memref<16x16xf32, #tpu.memory_space<vmem>>
        %dma_wait3A_174 = arith.constant 9984 : i32
        %dma_wait3A_175 = arith.constant 0 : i32
        %dma_wait3A_176 = tpu.memref_slice %arg23[%dma_wait3A_174, %dma_wait3A_175] : memref<10000x16xf32, #tpu.memory_space<vmem_shared>> -> memref<16x16xf32, #tpu.memory_space<vmem_shared>>
        %dma_wait3A_177 = arith.constant 9984 : i32
        %dma_wait3A_178 = arith.constant 0 : i32
        %dma_wait3A_179 = tpu.memref_slice %arg23[%dma_wait3A_177, %dma_wait3A_178] : memref<10000x16xf32, #tpu.memory_space<vmem_shared>> -> memref<16x16xf32, #tpu.memory_space<vmem_shared>>
        %dma_wait3A_180 = arith.constant 0 : i32
        %dma_wait3A_181 = arith.constant 0 : i32
        %dma_wait3A_182 = tpu.memref_slice %arg21[%dma_wait3A_180, %dma_wait3A_181] : memref<40x16xf32, #tpu.memory_space<vmem>> -> memref<16x16xf32, #tpu.memory_space<vmem>>
        tpu.wait_dma2 semaphore(%run_scoped3A : memref<!tpu.dma_semaphore, #tpu.memory_space<semaphore_mem>>) src(%dma_wait3A_182 : memref<16x16xf32, #tpu.memory_space<vmem>>) dst(%dma_wait3A_179 : memref<16x16xf32, #tpu.memory_space<vmem_shared>>)
        tpu.yield
      }) : () -> ()
    } else {
    }
    %scan3A_85 = arith.constant 0 : i32
    %scan3A_86 = arith.constant 0 : i32
    %scan3A_87 = arith.constant 40 : i32
    %scan3A_88 = arith.addi %scan3A_86, %scan3A_87 : i32
    %scan3A_89 = arith.constant 1 : i32
    %scan3A_90 = scf.for %scan3A_159 = %scan3A_86 to %scan3A_88 step %scan3A_89 iter_args(%scan3A_160 = %scan3A_85) -> (i32)  : i32 {
      %swap3A = arith.index_cast %scan3A_159 : i32 to index
      %swap3A_161 = arith.constant 0 : index
      %swap3A_162 = tpu.vector_load %arg21[%swap3A, %swap3A_161] {strides = array<i32>} : memref<40x16xf32, #tpu.memory_space<vmem>>, vector<1x16xf32>,
      %swap3A_163 = vector.shape_cast %swap3A_162 : vector<1x16xf32> to vector<16xf32>
      %swap3A_164 = vector.shape_cast %select_n3A : vector<16xf32> to vector<1x16xf32>
      tpu.vector_store %arg21[%swap3A, %swap3A_161], %swap3A_164 {strides = array<i32>} : memref<40x16xf32, #tpu.memory_space<vmem>>, vector<1x16xf32>,
      %scan3A_165 = arith.constant 0 : i32
      scf.yield %scan3A_165 : i32
    }
    %scan3A_91 = arith.constant 40 : i32
    %barrier3A = arith.constant 0 : index
    tpu.barrier barrier_id(%barrier3A)
    %mul3A_92 = arith.constant 250 : i32
    %mul3A_93 = arith.muli %add3A, %mul3A_92 : i32
    %add3A_94 = arith.constant 0 : i32
    %add3A_95 = arith.addi %mul3A_93, %add3A_94 : i32
    %mul3A_96 = arith.constant 40 : i32
    %mul3A_97 = arith.muli %add3A_95, %mul3A_96 : i32
    "tpu.region"() ({
      %run_scoped3A = tpu.sem_alloc : memref<!tpu.dma_semaphore, #tpu.memory_space<semaphore_mem>>
      %dma_start3A_159 = tpu.memref_slice %arg5[%mul3A_97] : memref<320000xi32, #tpu.memory_space<hbm>> -> memref<40xi32, #tpu.memory_space<hbm>>
      %dma_start3A_160 = tpu.memref_slice %arg5[%mul3A_97] : memref<320000xi32, #tpu.memory_space<hbm>> -> memref<40xi32, #tpu.memory_space<hbm>>
      tpu.enqueue_dma source(%dma_start3A_160 : memref<40xi32, #tpu.memory_space<hbm>>) target(%arg9 : memref<40xi32, #tpu.memory_space<vmem>>) target_semaphore(%run_scoped3A : memref<!tpu.dma_semaphore, #tpu.memory_space<semaphore_mem>>)
      %dma_wait3A_161 = tpu.memref_slice %arg5[%mul3A_97] : memref<320000xi32, #tpu.memory_space<hbm>> -> memref<40xi32, #tpu.memory_space<hbm>>
      %dma_wait3A_162 = tpu.memref_slice %arg5[%mul3A_97] : memref<320000xi32, #tpu.memory_space<hbm>> -> memref<40xi32, #tpu.memory_space<hbm>>
      tpu.wait_dma2 semaphore(%run_scoped3A : memref<!tpu.dma_semaphore, #tpu.memory_space<semaphore_mem>>) src(%dma_wait3A_162 : memref<40xi32, #tpu.memory_space<hbm>>) dst(%arg9 : memref<40xi32, #tpu.memory_space<vmem>>)
      tpu.yield
    }) : () -> ()
    %mul3A_98 = arith.constant 250 : i32
    %mul3A_99 = arith.muli %add3A, %mul3A_98 : i32
    %add3A_100 = arith.constant 0 : i32
    %add3A_101 = arith.addi %mul3A_99, %add3A_100 : i32
    %mul3A_102 = arith.constant 40 : i32
    %mul3A_103 = arith.muli %add3A_101, %mul3A_102 : i32
    "tpu.region"() ({
      %run_scoped3A = tpu.sem_alloc : memref<!tpu.dma_semaphore, #tpu.memory_space<semaphore_mem>>
      %dma_start3A_159 = tpu.memref_slice %arg6[%mul3A_103] : memref<320000xi32, #tpu.memory_space<hbm>> -> memref<40xi32, #tpu.memory_space<hbm>>
      %dma_start3A_160 = tpu.memref_slice %arg6[%mul3A_103] : memref<320000xi32, #tpu.memory_space<hbm>> -> memref<40xi32, #tpu.memory_space<hbm>>
      tpu.enqueue_dma source(%dma_start3A_160 : memref<40xi32, #tpu.memory_space<hbm>>) target(%arg10 : memref<40xi32, #tpu.memory_space<vmem>>) target_semaphore(%run_scoped3A : memref<!tpu.dma_semaphore, #tpu.memory_space<semaphore_mem>>)
      %dma_wait3A_161 = tpu.memref_slice %arg6[%mul3A_103] : memref<320000xi32, #tpu.memory_space<hbm>> -> memref<40xi32, #tpu.memory_space<hbm>>
      %dma_wait3A_162 = tpu.memref_slice %arg6[%mul3A_103] : memref<320000xi32, #tpu.memory_space<hbm>> -> memref<40xi32, #tpu.memory_space<hbm>>
      tpu.wait_dma2 semaphore(%run_scoped3A : memref<!tpu.dma_semaphore, #tpu.memory_space<semaphore_mem>>) src(%dma_wait3A_162 : memref<40xi32, #tpu.memory_space<hbm>>) dst(%arg10 : memref<40xi32, #tpu.memory_space<vmem>>)
      tpu.yield
    }) : () -> ()
    %mul3A_104 = arith.constant 250 : i32
    %mul3A_105 = arith.muli %add3A, %mul3A_104 : i32
    %add3A_106 = arith.constant 1 : i32
    %add3A_107 = arith.addi %mul3A_105, %add3A_106 : i32
    %mul3A_108 = arith.constant 40 : i32
    %mul3A_109 = arith.muli %add3A_107, %mul3A_108 : i32
    %dma_start3A = tpu.memref_slice %arg5[%mul3A_109] : memref<320000xi32, #tpu.memory_space<hbm>> -> memref<40xi32, #tpu.memory_space<hbm>>
    %dma_start3A_110 = tpu.memref_slice %arg5[%mul3A_109] : memref<320000xi32, #tpu.memory_space<hbm>> -> memref<40xi32, #tpu.memory_space<hbm>>
    tpu.enqueue_dma source(%dma_start3A_110 : memref<40xi32, #tpu.memory_space<hbm>>) target(%arg11 : memref<40xi32, #tpu.memory_space<vmem>>) target_semaphore(%arg27 : memref<!tpu.dma_semaphore, #tpu.memory_space<semaphore_mem>>)
    %mul3A_111 = arith.constant 250 : i32
    %mul3A_112 = arith.muli %add3A, %mul3A_111 : i32
    %add3A_113 = arith.constant 1 : i32
    %add3A_114 = arith.addi %mul3A_112, %add3A_113 : i32
    %mul3A_115 = arith.constant 40 : i32
    %mul3A_116 = arith.muli %add3A_114, %mul3A_115 : i32
    %dma_start3A_117 = tpu.memref_slice %arg6[%mul3A_116] : memref<320000xi32, #tpu.memory_space<hbm>> -> memref<40xi32, #tpu.memory_space<hbm>>
    %dma_start3A_118 = tpu.memref_slice %arg6[%mul3A_116] : memref<320000xi32, #tpu.memory_space<hbm>> -> memref<40xi32, #tpu.memory_space<hbm>>
    tpu.enqueue_dma source(%dma_start3A_118 : memref<40xi32, #tpu.memory_space<hbm>>) target(%arg12 : memref<40xi32, #tpu.memory_space<vmem>>) target_semaphore(%arg27 : memref<!tpu.dma_semaphore, #tpu.memory_space<semaphore_mem>>)
    %dma_start3A_119 = arith.constant 0 : i32
    %dma_start3A_120 = arith.constant 0 : i32
    %dma_start3A_121 = tpu.memref_slice %arg2[%dma_start3A_119, %dma_start3A_120] : memref<10000x128xf32, #tpu.memory_space<hbm>> -> memref<10000x128xf32, #tpu.memory_space<hbm>>
    tpu.enqueue_indirect_dma source(%dma_start3A_121 : memref<10000x128xf32, #tpu.memory_space<hbm>>) target(%arg15 : memref<40x128xf32, #tpu.memory_space<vmem>>) offsets(%arg9 : memref<40xi32, #tpu.memory_space<vmem>>) semaphore(%arg24 : memref<!tpu.dma_semaphore, #tpu.memory_space<semaphore_mem>>)
    %dma_start3A_122 = arith.constant 0 : i32
    %dma_start3A_123 = arith.constant 0 : i32
    %dma_start3A_124 = tpu.memref_slice %arg3[%dma_start3A_122, %dma_start3A_123] : memref<10000x128xf32, #tpu.memory_space<hbm>> -> memref<10000x128xf32, #tpu.memory_space<hbm>>
    tpu.enqueue_indirect_dma source(%dma_start3A_124 : memref<10000x128xf32, #tpu.memory_space<hbm>>) target(%arg16 : memref<40x128xf32, #tpu.memory_space<vmem>>) offsets(%arg10 : memref<40xi32, #tpu.memory_space<vmem>>) semaphore(%arg24 : memref<!tpu.dma_semaphore, #tpu.memory_space<semaphore_mem>>)
    %mul3A_125 = arith.constant 250 : i32
    %mul3A_126 = arith.muli %add3A, %mul3A_125 : i32
    %add3A_127 = arith.constant 0 : i32
    %add3A_128 = arith.addi %mul3A_126, %add3A_127 : i32
    %mul3A_129 = arith.constant 40 : i32
    %mul3A_130 = arith.muli %add3A_128, %mul3A_129 : i32
    %dma_start3A_131 = arith.constant 0 : i32
    %dma_start3A_132 = tpu.memref_slice %arg4[%mul3A_130, %dma_start3A_131] : memref<320000x128xf32, #tpu.memory_space<hbm>> -> memref<40x128xf32, #tpu.memory_space<hbm>>
    %dma_start3A_133 = arith.constant 0 : i32
    %dma_start3A_134 = tpu.memref_slice %arg4[%mul3A_130, %dma_start3A_133] : memref<320000x128xf32, #tpu.memory_space<hbm>> -> memref<40x128xf32, #tpu.memory_space<hbm>>
    tpu.enqueue_dma source(%dma_start3A_134 : memref<40x128xf32, #tpu.memory_space<hbm>>) target(%arg17 : memref<40x128xf32, #tpu.memory_space<vmem>>) target_semaphore(%arg24 : memref<!tpu.dma_semaphore, #tpu.memory_space<semaphore_mem>>)
    %scan3A_135 = arith.constant 0 : i32
    %scan3A_136 = arith.constant 0 : i32
    %scan3A_137 = arith.constant 125 : i32
    %scan3A_138 = arith.addi %scan3A_136, %scan3A_137 : i32
    %scan3A_139 = arith.constant 1 : i32
    %scan3A_140 = scf.for %scan3A_159 = %scan3A_136 to %scan3A_138 step %scan3A_139 iter_args(%scan3A_160 = %scan3A_135) -> (i32)  : i32 {
      %mul3A_161 = arith.constant 2 : i32
      %mul3A_162 = arith.muli %scan3A_159, %mul3A_161 : i32
      %add3A_163 = arith.constant 0 : i32
      %add3A_164 = arith.addi %mul3A_162, %add3A_163 : i32
      %dma_wait3A_165 = arith.constant 0 : i32
      %dma_wait3A_166 = arith.constant 0 : i32
      %dma_wait3A_167 = tpu.memref_slice %arg2[%dma_wait3A_165, %dma_wait3A_166] : memref<10000x128xf32, #tpu.memory_space<hbm>> -> memref<10000x128xf32, #tpu.memory_space<hbm>>
      tpu.wait_indirect_dma semaphore(%arg24 : memref<!tpu.dma_semaphore, #tpu.memory_space<semaphore_mem>>) src(%dma_wait3A_167 : memref<10000x128xf32, #tpu.memory_space<hbm>>) dst(%arg15 : memref<40x128xf32, #tpu.memory_space<vmem>>)
      %dma_wait3A_168 = arith.constant 0 : i32
      %dma_wait3A_169 = arith.constant 0 : i32
      %dma_wait3A_170 = tpu.memref_slice %arg3[%dma_wait3A_168, %dma_wait3A_169] : memref<10000x128xf32, #tpu.memory_space<hbm>> -> memref<10000x128xf32, #tpu.memory_space<hbm>>
      tpu.wait_indirect_dma semaphore(%arg24 : memref<!tpu.dma_semaphore, #tpu.memory_space<semaphore_mem>>) src(%dma_wait3A_170 : memref<10000x128xf32, #tpu.memory_space<hbm>>) dst(%arg16 : memref<40x128xf32, #tpu.memory_space<vmem>>)
      %mul3A_171 = arith.constant 250 : i32
      %mul3A_172 = arith.muli %add3A, %mul3A_171 : i32
      %add3A_173 = arith.addi %mul3A_172, %add3A_164 : i32
      %mul3A_174 = arith.constant 40 : i32
      %mul3A_175 = arith.muli %add3A_173, %mul3A_174 : i32
      %dma_wait3A_176 = arith.constant 0 : i32
      %dma_wait3A_177 = tpu.memref_slice %arg4[%mul3A_175, %dma_wait3A_176] : memref<320000x128xf32, #tpu.memory_space<hbm>> -> memref<40x128xf32, #tpu.memory_space<hbm>>
      %dma_wait3A_178 = arith.constant 0 : i32
      %dma_wait3A_179 = tpu.memref_slice %arg4[%mul3A_175, %dma_wait3A_178] : memref<320000x128xf32, #tpu.memory_space<hbm>> -> memref<40x128xf32, #tpu.memory_space<hbm>>
      tpu.wait_dma2 semaphore(%arg24 : memref<!tpu.dma_semaphore, #tpu.memory_space<semaphore_mem>>) src(%dma_wait3A_179 : memref<40x128xf32, #tpu.memory_space<hbm>>) dst(%arg17 : memref<40x128xf32, #tpu.memory_space<vmem>>)
      %gt3A = arith.constant 0 : i32
      %gt3A_180 = arith.cmpi sgt, %scan3A_159, %gt3A : i32
      %convert_element_type3A_181 = arith.extui %gt3A_180 : i1 to i32
      %cond3A_182 = arith.constant 0 : i32
      %cond3A_183 = arith.cmpi ne, %convert_element_type3A_181, %cond3A_182 : i32
      scf.if %cond3A_183 {
        %dma_wait3A_310 = arith.constant 0 : i32
        %dma_wait3A_311 = arith.constant 0 : i32
        %dma_wait3A_312 = tpu.memref_slice %arg22[%dma_wait3A_310, %dma_wait3A_311] : memref<10000x128xf32, #tpu.memory_space<vmem_shared>> -> memref<10000x128xf32, #tpu.memory_space<vmem_shared>>
        tpu.wait_indirect_dma semaphore(%arg29 : memref<!tpu.dma_semaphore, #tpu.memory_space<semaphore_mem>>) src(%arg18 : memref<40x128xf32, #tpu.memory_space<vmem>>) dst(%dma_wait3A_312 : memref<10000x128xf32, #tpu.memory_space<vmem_shared>>)
        %dma_wait3A_313 = arith.constant 0 : i32
        %dma_wait3A_314 = arith.constant 0 : i32
        %dma_wait3A_315 = tpu.memref_slice %arg23[%dma_wait3A_313, %dma_wait3A_314] : memref<10000x16xf32, #tpu.memory_space<vmem_shared>> -> memref<10000x16xf32, #tpu.memory_space<vmem_shared>>
        tpu.wait_indirect_dma semaphore(%arg29 : memref<!tpu.dma_semaphore, #tpu.memory_space<semaphore_mem>>) src(%arg21 : memref<40x16xf32, #tpu.memory_space<vmem>>) dst(%dma_wait3A_315 : memref<10000x16xf32, #tpu.memory_space<vmem_shared>>)
      } else {
      }
      %add3A_184 = arith.constant 1 : i32
      %add3A_185 = arith.addi %add3A_164, %add3A_184 : i32
      %mul3A_186 = arith.constant 250 : i32
      %mul3A_187 = arith.muli %add3A, %mul3A_186 : i32
      %add3A_188 = arith.addi %mul3A_187, %add3A_185 : i32
      %mul3A_189 = arith.constant 40 : i32
      %mul3A_190 = arith.muli %add3A_188, %mul3A_189 : i32
      %dma_wait3A_191 = tpu.memref_slice %arg5[%mul3A_190] : memref<320000xi32, #tpu.memory_space<hbm>> -> memref<40xi32, #tpu.memory_space<hbm>>
      %dma_wait3A_192 = tpu.memref_slice %arg5[%mul3A_190] : memref<320000xi32, #tpu.memory_space<hbm>> -> memref<40xi32, #tpu.memory_space<hbm>>
      tpu.wait_dma2 semaphore(%arg27 : memref<!tpu.dma_semaphore, #tpu.memory_space<semaphore_mem>>) src(%dma_wait3A_192 : memref<40xi32, #tpu.memory_space<hbm>>) dst(%arg11 : memref<40xi32, #tpu.memory_space<vmem>>)
      %add3A_193 = arith.constant 1 : i32
      %add3A_194 = arith.addi %add3A_164, %add3A_193 : i32
      %mul3A_195 = arith.constant 250 : i32
      %mul3A_196 = arith.muli %add3A, %mul3A_195 : i32
      %add3A_197 = arith.addi %mul3A_196, %add3A_194 : i32
      %mul3A_198 = arith.constant 40 : i32
      %mul3A_199 = arith.muli %add3A_197, %mul3A_198 : i32
      %dma_wait3A_200 = tpu.memref_slice %arg6[%mul3A_199] : memref<320000xi32, #tpu.memory_space<hbm>> -> memref<40xi32, #tpu.memory_space<hbm>>
      %dma_wait3A_201 = tpu.memref_slice %arg6[%mul3A_199] : memref<320000xi32, #tpu.memory_space<hbm>> -> memref<40xi32, #tpu.memory_space<hbm>>
      tpu.wait_dma2 semaphore(%arg27 : memref<!tpu.dma_semaphore, #tpu.memory_space<semaphore_mem>>) src(%dma_wait3A_201 : memref<40xi32, #tpu.memory_space<hbm>>) dst(%arg12 : memref<40xi32, #tpu.memory_space<vmem>>)
      %dma_start3A_202 = arith.constant 0 : i32
      %dma_start3A_203 = arith.constant 0 : i32
      %dma_start3A_204 = tpu.memref_slice %arg2[%dma_start3A_202, %dma_start3A_203] : memref<10000x128xf32, #tpu.memory_space<hbm>> -> memref<10000x128xf32, #tpu.memory_space<hbm>>
      tpu.enqueue_indirect_dma source(%dma_start3A_204 : memref<10000x128xf32, #tpu.memory_space<hbm>>) target(%arg18 : memref<40x128xf32, #tpu.memory_space<vmem>>) offsets(%arg11 : memref<40xi32, #tpu.memory_space<vmem>>) semaphore(%arg25 : memref<!tpu.dma_semaphore, #tpu.memory_space<semaphore_mem>>)
      %dma_start3A_205 = arith.constant 0 : i32
      %dma_start3A_206 = arith.constant 0 : i32
      %dma_start3A_207 = tpu.memref_slice %arg3[%dma_start3A_205, %dma_start3A_206] : memref<10000x128xf32, #tpu.memory_space<hbm>> -> memref<10000x128xf32, #tpu.memory_space<hbm>>
      tpu.enqueue_indirect_dma source(%dma_start3A_207 : memref<10000x128xf32, #tpu.memory_space<hbm>>) target(%arg19 : memref<40x128xf32, #tpu.memory_space<vmem>>) offsets(%arg12 : memref<40xi32, #tpu.memory_space<vmem>>) semaphore(%arg25 : memref<!tpu.dma_semaphore, #tpu.memory_space<semaphore_mem>>)
      %add3A_208 = arith.constant 1 : i32
      %add3A_209 = arith.addi %add3A_164, %add3A_208 : i32
      %mul3A_210 = arith.constant 250 : i32
      %mul3A_211 = arith.muli %add3A, %mul3A_210 : i32
      %add3A_212 = arith.addi %mul3A_211, %add3A_209 : i32
      %mul3A_213 = arith.constant 40 : i32
      %mul3A_214 = arith.muli %add3A_212, %mul3A_213 : i32
      %dma_start3A_215 = arith.constant 0 : i32
      %dma_start3A_216 = tpu.memref_slice %arg4[%mul3A_214, %dma_start3A_215] : memref<320000x128xf32, #tpu.memory_space<hbm>> -> memref<40x128xf32, #tpu.memory_space<hbm>>
      %dma_start3A_217 = arith.constant 0 : i32
      %dma_start3A_218 = tpu.memref_slice %arg4[%mul3A_214, %dma_start3A_217] : memref<320000x128xf32, #tpu.memory_space<hbm>> -> memref<40x128xf32, #tpu.memory_space<hbm>>
      tpu.enqueue_dma source(%dma_start3A_218 : memref<40x128xf32, #tpu.memory_space<hbm>>) target(%arg20 : memref<40x128xf32, #tpu.memory_space<vmem>>) target_semaphore(%arg25 : memref<!tpu.dma_semaphore, #tpu.memory_space<semaphore_mem>>)
      %parallel_loop3A = arith.constant 0 : i32
      %parallel_loop3A_219 = arith.constant 40 : i32
      %parallel_loop3A_220 = arith.constant 1 : i32
      scf.for %parallel_loop3A_310 = %parallel_loop3A to %parallel_loop3A_219 step %parallel_loop3A_220  : i32 {
        %parallel_loop3A_311 = arith.index_cast %parallel_loop3A_310 : i32 to index
        %parallel_loop3A_312 = arith.constant 0 : index
        %parallel_loop3A_313 = tpu.vector_load %arg15[%parallel_loop3A_311, %parallel_loop3A_312] {strides = array<i32>} : memref<40x128xf32, #tpu.memory_space<vmem>>, vector<1x16xf32>,
        %parallel_loop3A_314 = vector.shape_cast %parallel_loop3A_313 : vector<1x16xf32> to vector<16xf32>
        %parallel_loop3A_315 = arith.index_cast %parallel_loop3A_310 : i32 to index
        %parallel_loop3A_316 = arith.constant 0 : index
        %parallel_loop3A_317 = tpu.vector_load %arg16[%parallel_loop3A_315, %parallel_loop3A_316] {strides = array<i32>} : memref<40x128xf32, #tpu.memory_space<vmem>>, vector<1x16xf32>,
        %parallel_loop3A_318 = vector.shape_cast %parallel_loop3A_317 : vector<1x16xf32> to vector<16xf32>
        %parallel_loop3A_319 = arith.addf %parallel_loop3A_314, %parallel_loop3A_318 : vector<16xf32>
        %parallel_loop3A_320 = arith.index_cast %parallel_loop3A_310 : i32 to index
        %parallel_loop3A_321 = arith.constant 0 : index
        %parallel_loop3A_322 = tpu.vector_load %arg17[%parallel_loop3A_320, %parallel_loop3A_321] {strides = array<i32>} : memref<40x128xf32, #tpu.memory_space<vmem>>, vector<1x16xf32>,
        %parallel_loop3A_323 = vector.shape_cast %parallel_loop3A_322 : vector<1x16xf32> to vector<16xf32>
        %parallel_loop3A_324 = arith.addf %parallel_loop3A_319, %parallel_loop3A_323 : vector<16xf32>
        %parallel_loop3A_325 = arith.constant 0.000000e+00 : f32
        %parallel_loop3A_326 = vector.broadcast %parallel_loop3A_325 : f32 to vector<16xf32>
        %parallel_loop3A_327 = arith.maximumf %parallel_loop3A_324, %parallel_loop3A_326 : vector<16xf32>
        %parallel_loop3A_328 = arith.index_cast %parallel_loop3A_310 : i32 to index
        %parallel_loop3A_329 = arith.constant 0 : index
        %parallel_loop3A_330 = tpu.vector_load %arg15[%parallel_loop3A_328, %parallel_loop3A_329] {strides = array<i32>} : memref<40x128xf32, #tpu.memory_space<vmem>>, vector<1x16xf32>,
        %parallel_loop3A_331 = vector.shape_cast %parallel_loop3A_330 : vector<1x16xf32> to vector<16xf32>
        %parallel_loop3A_332 = vector.shape_cast %parallel_loop3A_327 : vector<16xf32> to vector<1x16xf32>
        tpu.vector_store %arg15[%parallel_loop3A_328, %parallel_loop3A_329], %parallel_loop3A_332 {strides = array<i32>} : memref<40x128xf32, #tpu.memory_space<vmem>>, vector<1x16xf32>,
        %parallel_loop3A_333 = arith.index_cast %parallel_loop3A_310 : i32 to index
        %parallel_loop3A_334 = arith.constant 16 : index
        %parallel_loop3A_335 = tpu.vector_load %arg15[%parallel_loop3A_333, %parallel_loop3A_334] {strides = array<i32>} : memref<40x128xf32, #tpu.memory_space<vmem>>, vector<1x16xf32>,
        %parallel_loop3A_336 = vector.shape_cast %parallel_loop3A_335 : vector<1x16xf32> to vector<16xf32>
        %parallel_loop3A_337 = arith.index_cast %parallel_loop3A_310 : i32 to index
        %parallel_loop3A_338 = arith.constant 16 : index
        %parallel_loop3A_339 = tpu.vector_load %arg16[%parallel_loop3A_337, %parallel_loop3A_338] {strides = array<i32>} : memref<40x128xf32, #tpu.memory_space<vmem>>, vector<1x16xf32>,
        %parallel_loop3A_340 = vector.shape_cast %parallel_loop3A_339 : vector<1x16xf32> to vector<16xf32>
        %parallel_loop3A_341 = arith.addf %parallel_loop3A_336, %parallel_loop3A_340 : vector<16xf32>
        %parallel_loop3A_342 = arith.index_cast %parallel_loop3A_310 : i32 to index
        %parallel_loop3A_343 = arith.constant 16 : index
        %parallel_loop3A_344 = tpu.vector_load %arg17[%parallel_loop3A_342, %parallel_loop3A_343] {strides = array<i32>} : memref<40x128xf32, #tpu.memory_space<vmem>>, vector<1x16xf32>,
        %parallel_loop3A_345 = vector.shape_cast %parallel_loop3A_344 : vector<1x16xf32> to vector<16xf32>
        %parallel_loop3A_346 = arith.addf %parallel_loop3A_341, %parallel_loop3A_345 : vector<16xf32>
        %parallel_loop3A_347 = arith.constant 0.000000e+00 : f32
        %parallel_loop3A_348 = vector.broadcast %parallel_loop3A_347 : f32 to vector<16xf32>
        %parallel_loop3A_349 = arith.maximumf %parallel_loop3A_346, %parallel_loop3A_348 : vector<16xf32>
        %parallel_loop3A_350 = arith.index_cast %parallel_loop3A_310 : i32 to index
        %parallel_loop3A_351 = arith.constant 16 : index
        %parallel_loop3A_352 = tpu.vector_load %arg15[%parallel_loop3A_350, %parallel_loop3A_351] {strides = array<i32>} : memref<40x128xf32, #tpu.memory_space<vmem>>, vector<1x16xf32>,
        %parallel_loop3A_353 = vector.shape_cast %parallel_loop3A_352 : vector<1x16xf32> to vector<16xf32>
        %parallel_loop3A_354 = vector.shape_cast %parallel_loop3A_349 : vector<16xf32> to vector<1x16xf32>
        tpu.vector_store %arg15[%parallel_loop3A_350, %parallel_loop3A_351], %parallel_loop3A_354 {strides = array<i32>} : memref<40x128xf32, #tpu.memory_space<vmem>>, vector<1x16xf32>,
        %parallel_loop3A_355 = arith.index_cast %parallel_loop3A_310 : i32 to index
        %parallel_loop3A_356 = arith.constant 32 : index
        %parallel_loop3A_357 = tpu.vector_load %arg15[%parallel_loop3A_355, %parallel_loop3A_356] {strides = array<i32>} : memref<40x128xf32, #tpu.memory_space<vmem>>, vector<1x16xf32>,
        %parallel_loop3A_358 = vector.shape_cast %parallel_loop3A_357 : vector<1x16xf32> to vector<16xf32>
        %parallel_loop3A_359 = arith.index_cast %parallel_loop3A_310 : i32 to index
        %parallel_loop3A_360 = arith.constant 32 : index
        %parallel_loop3A_361 = tpu.vector_load %arg16[%parallel_loop3A_359, %parallel_loop3A_360] {strides = array<i32>} : memref<40x128xf32, #tpu.memory_space<vmem>>, vector<1x16xf32>,
        %parallel_loop3A_362 = vector.shape_cast %parallel_loop3A_361 : vector<1x16xf32> to vector<16xf32>
        %parallel_loop3A_363 = arith.addf %parallel_loop3A_358, %parallel_loop3A_362 : vector<16xf32>
        %parallel_loop3A_364 = arith.index_cast %parallel_loop3A_310 : i32 to index
        %parallel_loop3A_365 = arith.constant 32 : index
        %parallel_loop3A_366 = tpu.vector_load %arg17[%parallel_loop3A_364, %parallel_loop3A_365] {strides = array<i32>} : memref<40x128xf32, #tpu.memory_space<vmem>>, vector<1x16xf32>,
        %parallel_loop3A_367 = vector.shape_cast %parallel_loop3A_366 : vector<1x16xf32> to vector<16xf32>
        %parallel_loop3A_368 = arith.addf %parallel_loop3A_363, %parallel_loop3A_367 : vector<16xf32>
        %parallel_loop3A_369 = arith.constant 0.000000e+00 : f32
        %parallel_loop3A_370 = vector.broadcast %parallel_loop3A_369 : f32 to vector<16xf32>
        %parallel_loop3A_371 = arith.maximumf %parallel_loop3A_368, %parallel_loop3A_370 : vector<16xf32>
        %parallel_loop3A_372 = arith.index_cast %parallel_loop3A_310 : i32 to index
        %parallel_loop3A_373 = arith.constant 32 : index
        %parallel_loop3A_374 = tpu.vector_load %arg15[%parallel_loop3A_372, %parallel_loop3A_373] {strides = array<i32>} : memref<40x128xf32, #tpu.memory_space<vmem>>, vector<1x16xf32>,
        %parallel_loop3A_375 = vector.shape_cast %parallel_loop3A_374 : vector<1x16xf32> to vector<16xf32>
        %parallel_loop3A_376 = vector.shape_cast %parallel_loop3A_371 : vector<16xf32> to vector<1x16xf32>
        tpu.vector_store %arg15[%parallel_loop3A_372, %parallel_loop3A_373], %parallel_loop3A_376 {strides = array<i32>} : memref<40x128xf32, #tpu.memory_space<vmem>>, vector<1x16xf32>,
        %parallel_loop3A_377 = arith.index_cast %parallel_loop3A_310 : i32 to index
        %parallel_loop3A_378 = arith.constant 48 : index
        %parallel_loop3A_379 = tpu.vector_load %arg15[%parallel_loop3A_377, %parallel_loop3A_378] {strides = array<i32>} : memref<40x128xf32, #tpu.memory_space<vmem>>, vector<1x16xf32>,
        %parallel_loop3A_380 = vector.shape_cast %parallel_loop3A_379 : vector<1x16xf32> to vector<16xf32>
        %parallel_loop3A_381 = arith.index_cast %parallel_loop3A_310 : i32 to index
        %parallel_loop3A_382 = arith.constant 48 : index
        %parallel_loop3A_383 = tpu.vector_load %arg16[%parallel_loop3A_381, %parallel_loop3A_382] {strides = array<i32>} : memref<40x128xf32, #tpu.memory_space<vmem>>, vector<1x16xf32>,
        %parallel_loop3A_384 = vector.shape_cast %parallel_loop3A_383 : vector<1x16xf32> to vector<16xf32>
        %parallel_loop3A_385 = arith.addf %parallel_loop3A_380, %parallel_loop3A_384 : vector<16xf32>
        %parallel_loop3A_386 = arith.index_cast %parallel_loop3A_310 : i32 to index
        %parallel_loop3A_387 = arith.constant 48 : index
        %parallel_loop3A_388 = tpu.vector_load %arg17[%parallel_loop3A_386, %parallel_loop3A_387] {strides = array<i32>} : memref<40x128xf32, #tpu.memory_space<vmem>>, vector<1x16xf32>,
        %parallel_loop3A_389 = vector.shape_cast %parallel_loop3A_388 : vector<1x16xf32> to vector<16xf32>
        %parallel_loop3A_390 = arith.addf %parallel_loop3A_385, %parallel_loop3A_389 : vector<16xf32>
        %parallel_loop3A_391 = arith.constant 0.000000e+00 : f32
        %parallel_loop3A_392 = vector.broadcast %parallel_loop3A_391 : f32 to vector<16xf32>
        %parallel_loop3A_393 = arith.maximumf %parallel_loop3A_390, %parallel_loop3A_392 : vector<16xf32>
        %parallel_loop3A_394 = arith.index_cast %parallel_loop3A_310 : i32 to index
        %parallel_loop3A_395 = arith.constant 48 : index
        %parallel_loop3A_396 = tpu.vector_load %arg15[%parallel_loop3A_394, %parallel_loop3A_395] {strides = array<i32>} : memref<40x128xf32, #tpu.memory_space<vmem>>, vector<1x16xf32>,
        %parallel_loop3A_397 = vector.shape_cast %parallel_loop3A_396 : vector<1x16xf32> to vector<16xf32>
        %parallel_loop3A_398 = vector.shape_cast %parallel_loop3A_393 : vector<16xf32> to vector<1x16xf32>
        tpu.vector_store %arg15[%parallel_loop3A_394, %parallel_loop3A_395], %parallel_loop3A_398 {strides = array<i32>} : memref<40x128xf32, #tpu.memory_space<vmem>>, vector<1x16xf32>,
        %parallel_loop3A_399 = arith.index_cast %parallel_loop3A_310 : i32 to index
        %parallel_loop3A_400 = arith.constant 64 : index
        %parallel_loop3A_401 = tpu.vector_load %arg15[%parallel_loop3A_399, %parallel_loop3A_400] {strides = array<i32>} : memref<40x128xf32, #tpu.memory_space<vmem>>, vector<1x16xf32>,
        %parallel_loop3A_402 = vector.shape_cast %parallel_loop3A_401 : vector<1x16xf32> to vector<16xf32>
        %parallel_loop3A_403 = arith.index_cast %parallel_loop3A_310 : i32 to index
        %parallel_loop3A_404 = arith.constant 64 : index
        %parallel_loop3A_405 = tpu.vector_load %arg16[%parallel_loop3A_403, %parallel_loop3A_404] {strides = array<i32>} : memref<40x128xf32, #tpu.memory_space<vmem>>, vector<1x16xf32>,
        %parallel_loop3A_406 = vector.shape_cast %parallel_loop3A_405 : vector<1x16xf32> to vector<16xf32>
        %parallel_loop3A_407 = arith.addf %parallel_loop3A_402, %parallel_loop3A_406 : vector<16xf32>
        %parallel_loop3A_408 = arith.index_cast %parallel_loop3A_310 : i32 to index
        %parallel_loop3A_409 = arith.constant 64 : index
        %parallel_loop3A_410 = tpu.vector_load %arg17[%parallel_loop3A_408, %parallel_loop3A_409] {strides = array<i32>} : memref<40x128xf32, #tpu.memory_space<vmem>>, vector<1x16xf32>,
        %parallel_loop3A_411 = vector.shape_cast %parallel_loop3A_410 : vector<1x16xf32> to vector<16xf32>
        %parallel_loop3A_412 = arith.addf %parallel_loop3A_407, %parallel_loop3A_411 : vector<16xf32>
        %parallel_loop3A_413 = arith.constant 0.000000e+00 : f32
        %parallel_loop3A_414 = vector.broadcast %parallel_loop3A_413 : f32 to vector<16xf32>
        %parallel_loop3A_415 = arith.maximumf %parallel_loop3A_412, %parallel_loop3A_414 : vector<16xf32>
        %parallel_loop3A_416 = arith.index_cast %parallel_loop3A_310 : i32 to index
        %parallel_loop3A_417 = arith.constant 64 : index
        %parallel_loop3A_418 = tpu.vector_load %arg15[%parallel_loop3A_416, %parallel_loop3A_417] {strides = array<i32>} : memref<40x128xf32, #tpu.memory_space<vmem>>, vector<1x16xf32>,
        %parallel_loop3A_419 = vector.shape_cast %parallel_loop3A_418 : vector<1x16xf32> to vector<16xf32>
        %parallel_loop3A_420 = vector.shape_cast %parallel_loop3A_415 : vector<16xf32> to vector<1x16xf32>
        tpu.vector_store %arg15[%parallel_loop3A_416, %parallel_loop3A_417], %parallel_loop3A_420 {strides = array<i32>} : memref<40x128xf32, #tpu.memory_space<vmem>>, vector<1x16xf32>,
        %parallel_loop3A_421 = arith.index_cast %parallel_loop3A_310 : i32 to index
        %parallel_loop3A_422 = arith.constant 80 : index
        %parallel_loop3A_423 = tpu.vector_load %arg15[%parallel_loop3A_421, %parallel_loop3A_422] {strides = array<i32>} : memref<40x128xf32, #tpu.memory_space<vmem>>, vector<1x16xf32>,
        %parallel_loop3A_424 = vector.shape_cast %parallel_loop3A_423 : vector<1x16xf32> to vector<16xf32>
        %parallel_loop3A_425 = arith.index_cast %parallel_loop3A_310 : i32 to index
        %parallel_loop3A_426 = arith.constant 80 : index
        %parallel_loop3A_427 = tpu.vector_load %arg16[%parallel_loop3A_425, %parallel_loop3A_426] {strides = array<i32>} : memref<40x128xf32, #tpu.memory_space<vmem>>, vector<1x16xf32>,
        %parallel_loop3A_428 = vector.shape_cast %parallel_loop3A_427 : vector<1x16xf32> to vector<16xf32>
        %parallel_loop3A_429 = arith.addf %parallel_loop3A_424, %parallel_loop3A_428 : vector<16xf32>
        %parallel_loop3A_430 = arith.index_cast %parallel_loop3A_310 : i32 to index
        %parallel_loop3A_431 = arith.constant 80 : index
        %parallel_loop3A_432 = tpu.vector_load %arg17[%parallel_loop3A_430, %parallel_loop3A_431] {strides = array<i32>} : memref<40x128xf32, #tpu.memory_space<vmem>>, vector<1x16xf32>,
        %parallel_loop3A_433 = vector.shape_cast %parallel_loop3A_432 : vector<1x16xf32> to vector<16xf32>
        %parallel_loop3A_434 = arith.addf %parallel_loop3A_429, %parallel_loop3A_433 : vector<16xf32>
        %parallel_loop3A_435 = arith.constant 0.000000e+00 : f32
        %parallel_loop3A_436 = vector.broadcast %parallel_loop3A_435 : f32 to vector<16xf32>
        %parallel_loop3A_437 = arith.maximumf %parallel_loop3A_434, %parallel_loop3A_436 : vector<16xf32>
        %parallel_loop3A_438 = arith.index_cast %parallel_loop3A_310 : i32 to index
        %parallel_loop3A_439 = arith.constant 80 : index
        %parallel_loop3A_440 = tpu.vector_load %arg15[%parallel_loop3A_438, %parallel_loop3A_439] {strides = array<i32>} : memref<40x128xf32, #tpu.memory_space<vmem>>, vector<1x16xf32>,
        %parallel_loop3A_441 = vector.shape_cast %parallel_loop3A_440 : vector<1x16xf32> to vector<16xf32>
        %parallel_loop3A_442 = vector.shape_cast %parallel_loop3A_437 : vector<16xf32> to vector<1x16xf32>
        tpu.vector_store %arg15[%parallel_loop3A_438, %parallel_loop3A_439], %parallel_loop3A_442 {strides = array<i32>} : memref<40x128xf32, #tpu.memory_space<vmem>>, vector<1x16xf32>,
        %parallel_loop3A_443 = arith.index_cast %parallel_loop3A_310 : i32 to index
        %parallel_loop3A_444 = arith.constant 96 : index
        %parallel_loop3A_445 = tpu.vector_load %arg15[%parallel_loop3A_443, %parallel_loop3A_444] {strides = array<i32>} : memref<40x128xf32, #tpu.memory_space<vmem>>, vector<1x16xf32>,
        %parallel_loop3A_446 = vector.shape_cast %parallel_loop3A_445 : vector<1x16xf32> to vector<16xf32>
        %parallel_loop3A_447 = arith.index_cast %parallel_loop3A_310 : i32 to index
        %parallel_loop3A_448 = arith.constant 96 : index
        %parallel_loop3A_449 = tpu.vector_load %arg16[%parallel_loop3A_447, %parallel_loop3A_448] {strides = array<i32>} : memref<40x128xf32, #tpu.memory_space<vmem>>, vector<1x16xf32>,
        %parallel_loop3A_450 = vector.shape_cast %parallel_loop3A_449 : vector<1x16xf32> to vector<16xf32>
        %parallel_loop3A_451 = arith.addf %parallel_loop3A_446, %parallel_loop3A_450 : vector<16xf32>
        %parallel_loop3A_452 = arith.index_cast %parallel_loop3A_310 : i32 to index
        %parallel_loop3A_453 = arith.constant 96 : index
        %parallel_loop3A_454 = tpu.vector_load %arg17[%parallel_loop3A_452, %parallel_loop3A_453] {strides = array<i32>} : memref<40x128xf32, #tpu.memory_space<vmem>>, vector<1x16xf32>,
        %parallel_loop3A_455 = vector.shape_cast %parallel_loop3A_454 : vector<1x16xf32> to vector<16xf32>
        %parallel_loop3A_456 = arith.addf %parallel_loop3A_451, %parallel_loop3A_455 : vector<16xf32>
        %parallel_loop3A_457 = arith.constant 0.000000e+00 : f32
        %parallel_loop3A_458 = vector.broadcast %parallel_loop3A_457 : f32 to vector<16xf32>
        %parallel_loop3A_459 = arith.maximumf %parallel_loop3A_456, %parallel_loop3A_458 : vector<16xf32>
        %parallel_loop3A_460 = arith.index_cast %parallel_loop3A_310 : i32 to index
        %parallel_loop3A_461 = arith.constant 96 : index
        %parallel_loop3A_462 = tpu.vector_load %arg15[%parallel_loop3A_460, %parallel_loop3A_461] {strides = array<i32>} : memref<40x128xf32, #tpu.memory_space<vmem>>, vector<1x16xf32>,
        %parallel_loop3A_463 = vector.shape_cast %parallel_loop3A_462 : vector<1x16xf32> to vector<16xf32>
        %parallel_loop3A_464 = vector.shape_cast %parallel_loop3A_459 : vector<16xf32> to vector<1x16xf32>
        tpu.vector_store %arg15[%parallel_loop3A_460, %parallel_loop3A_461], %parallel_loop3A_464 {strides = array<i32>} : memref<40x128xf32, #tpu.memory_space<vmem>>, vector<1x16xf32>,
        %parallel_loop3A_465 = arith.index_cast %parallel_loop3A_310 : i32 to index
        %parallel_loop3A_466 = arith.constant 112 : index
        %parallel_loop3A_467 = tpu.vector_load %arg15[%parallel_loop3A_465, %parallel_loop3A_466] {strides = array<i32>} : memref<40x128xf32, #tpu.memory_space<vmem>>, vector<1x16xf32>,
        %parallel_loop3A_468 = vector.shape_cast %parallel_loop3A_467 : vector<1x16xf32> to vector<16xf32>
        %parallel_loop3A_469 = arith.index_cast %parallel_loop3A_310 : i32 to index
        %parallel_loop3A_470 = arith.constant 112 : index
        %parallel_loop3A_471 = tpu.vector_load %arg16[%parallel_loop3A_469, %parallel_loop3A_470] {strides = array<i32>} : memref<40x128xf32, #tpu.memory_space<vmem>>, vector<1x16xf32>,
        %parallel_loop3A_472 = vector.shape_cast %parallel_loop3A_471 : vector<1x16xf32> to vector<16xf32>
        %parallel_loop3A_473 = arith.addf %parallel_loop3A_468, %parallel_loop3A_472 : vector<16xf32>
        %parallel_loop3A_474 = arith.index_cast %parallel_loop3A_310 : i32 to index
        %parallel_loop3A_475 = arith.constant 112 : index
        %parallel_loop3A_476 = tpu.vector_load %arg17[%parallel_loop3A_474, %parallel_loop3A_475] {strides = array<i32>} : memref<40x128xf32, #tpu.memory_space<vmem>>, vector<1x16xf32>,
        %parallel_loop3A_477 = vector.shape_cast %parallel_loop3A_476 : vector<1x16xf32> to vector<16xf32>
        %parallel_loop3A_478 = arith.addf %parallel_loop3A_473, %parallel_loop3A_477 : vector<16xf32>
        %parallel_loop3A_479 = arith.constant 0.000000e+00 : f32
        %parallel_loop3A_480 = vector.broadcast %parallel_loop3A_479 : f32 to vector<16xf32>
        %parallel_loop3A_481 = arith.maximumf %parallel_loop3A_478, %parallel_loop3A_480 : vector<16xf32>
        %parallel_loop3A_482 = arith.index_cast %parallel_loop3A_310 : i32 to index
        %parallel_loop3A_483 = arith.constant 112 : index
        %parallel_loop3A_484 = tpu.vector_load %arg15[%parallel_loop3A_482, %parallel_loop3A_483] {strides = array<i32>} : memref<40x128xf32, #tpu.memory_space<vmem>>, vector<1x16xf32>,
        %parallel_loop3A_485 = vector.shape_cast %parallel_loop3A_484 : vector<1x16xf32> to vector<16xf32>
        %parallel_loop3A_486 = vector.shape_cast %parallel_loop3A_481 : vector<16xf32> to vector<1x16xf32>
        tpu.vector_store %arg15[%parallel_loop3A_482, %parallel_loop3A_483], %parallel_loop3A_486 {strides = array<i32>} : memref<40x128xf32, #tpu.memory_space<vmem>>, vector<1x16xf32>,
      } {sc.loop_unroll_factor = 4 : i64, sc.parallel_access}
      %get3A = arith.constant 0 : index
      %get3A_221 = tpu.vector_load %arg10[%get3A] {strides = array<i32>} : memref<40xi32, #tpu.memory_space<vmem>>, vector<16xi32>,
      %get3A_222 = vector.shape_cast %get3A_221 : vector<16xi32> to vector<16xi32>
      %swap3A = arith.constant 0 : index
      %swap3A_223 = tpu.vector_load %arg13[%swap3A] {strides = array<i32>} : memref<40xi32, #tpu.memory_space<vmem>>, vector<16xi32>,
      %swap3A_224 = vector.shape_cast %swap3A_223 : vector<16xi32> to vector<16xi32>
      %swap3A_225 = vector.shape_cast %get3A_222 : vector<16xi32> to vector<16xi32>
      tpu.vector_store %arg13[%swap3A], %swap3A_225 {strides = array<i32>} : memref<40xi32, #tpu.memory_space<vmem>>, vector<16xi32>,
      %get3A_226 = arith.constant 16 : index
      %get3A_227 = tpu.vector_load %arg10[%get3A_226] {strides = array<i32>} : memref<40xi32, #tpu.memory_space<vmem>>, vector<16xi32>,
      %get3A_228 = vector.shape_cast %get3A_227 : vector<16xi32> to vector<16xi32>
      %swap3A_229 = arith.constant 16 : index
      %swap3A_230 = tpu.vector_load %arg13[%swap3A_229] {strides = array<i32>} : memref<40xi32, #tpu.memory_space<vmem>>, vector<16xi32>,
      %swap3A_231 = vector.shape_cast %swap3A_230 : vector<16xi32> to vector<16xi32>
      %swap3A_232 = vector.shape_cast %get3A_228 : vector<16xi32> to vector<16xi32>
      tpu.vector_store %arg13[%swap3A_229], %swap3A_232 {strides = array<i32>} : memref<40xi32, #tpu.memory_space<vmem>>, vector<16xi32>,
      %get3A_233 = arith.constant 24 : index
      %get3A_234 = tpu.vector_load %arg10[%get3A_233] {strides = array<i32>} : memref<40xi32, #tpu.memory_space<vmem>>, vector<16xi32>,
      %get3A_235 = vector.shape_cast %get3A_234 : vector<16xi32> to vector<16xi32>
      %swap3A_236 = arith.constant 24 : index
      %swap3A_237 = tpu.vector_load %arg13[%swap3A_236] {strides = array<i32>} : memref<40xi32, #tpu.memory_space<vmem>>, vector<16xi32>,
      %swap3A_238 = vector.shape_cast %swap3A_237 : vector<16xi32> to vector<16xi32>
      %swap3A_239 = vector.shape_cast %get3A_235 : vector<16xi32> to vector<16xi32>
      tpu.vector_store %arg13[%swap3A_236], %swap3A_239 {strides = array<i32>} : memref<40xi32, #tpu.memory_space<vmem>>, vector<16xi32>,
      %dma_start3A_240 = arith.constant 0 : i32
      %dma_start3A_241 = arith.constant 0 : i32
      %dma_start3A_242 = tpu.memref_slice %arg22[%dma_start3A_240, %dma_start3A_241] : memref<10000x128xf32, #tpu.memory_space<vmem_shared>> -> memref<10000x128xf32, #tpu.memory_space<vmem_shared>>
      tpu.enqueue_indirect_dma source(%arg15 : memref<40x128xf32, #tpu.memory_space<vmem>>) target(%dma_start3A_242 : memref<10000x128xf32, #tpu.memory_space<vmem_shared>>) offsets(%arg13 : memref<40xi32, #tpu.memory_space<vmem>>) semaphore(%arg28 : memref<!tpu.dma_semaphore, #tpu.memory_space<semaphore_mem>>) {add = true}
      %dma_start3A_243 = arith.constant 0 : i32
      %dma_start3A_244 = arith.constant 0 : i32
      %dma_start3A_245 = tpu.memref_slice %arg23[%dma_start3A_243, %dma_start3A_244] : memref<10000x16xf32, #tpu.memory_space<vmem_shared>> -> memref<10000x16xf32, #tpu.memory_space<vmem_shared>>
      tpu.enqueue_indirect_dma source(%arg21 : memref<40x16xf32, #tpu.memory_space<vmem>>) target(%dma_start3A_245 : memref<10000x16xf32, #tpu.memory_space<vmem_shared>>) offsets(%arg13 : memref<40xi32, #tpu.memory_space<vmem>>) semaphore(%arg28 : memref<!tpu.dma_semaphore, #tpu.memory_space<semaphore_mem>>) {add = true}
      %lt3A = arith.constant 124 : i32
      %lt3A_246 = arith.cmpi slt, %scan3A_159, %lt3A : i32
      %convert_element_type3A_247 = arith.extui %lt3A_246 : i1 to i32
      %cond3A_248 = arith.constant 0 : i32
      %cond3A_249 = arith.cmpi ne, %convert_element_type3A_247, %cond3A_248 : i32
      scf.if %cond3A_249 {
        %add3A_310 = arith.constant 2 : i32
        %add3A_311 = arith.addi %add3A_164, %add3A_310 : i32
        %mul3A_312 = arith.constant 250 : i32
        %mul3A_313 = arith.muli %add3A, %mul3A_312 : i32
        %add3A_314 = arith.addi %mul3A_313, %add3A_311 : i32
        %mul3A_315 = arith.constant 40 : i32
        %mul3A_316 = arith.muli %add3A_314, %mul3A_315 : i32
        %dma_start3A_317 = tpu.memref_slice %arg5[%mul3A_316] : memref<320000xi32, #tpu.memory_space<hbm>> -> memref<40xi32, #tpu.memory_space<hbm>>
        %dma_start3A_318 = tpu.memref_slice %arg5[%mul3A_316] : memref<320000xi32, #tpu.memory_space<hbm>> -> memref<40xi32, #tpu.memory_space<hbm>>
        tpu.enqueue_dma source(%dma_start3A_318 : memref<40xi32, #tpu.memory_space<hbm>>) target(%arg9 : memref<40xi32, #tpu.memory_space<vmem>>) target_semaphore(%arg26 : memref<!tpu.dma_semaphore, #tpu.memory_space<semaphore_mem>>)
        %add3A_319 = arith.constant 2 : i32
        %add3A_320 = arith.addi %add3A_164, %add3A_319 : i32
        %mul3A_321 = arith.constant 250 : i32
        %mul3A_322 = arith.muli %add3A, %mul3A_321 : i32
        %add3A_323 = arith.addi %mul3A_322, %add3A_320 : i32
        %mul3A_324 = arith.constant 40 : i32
        %mul3A_325 = arith.muli %add3A_323, %mul3A_324 : i32
        %dma_start3A_326 = tpu.memref_slice %arg6[%mul3A_325] : memref<320000xi32, #tpu.memory_space<hbm>> -> memref<40xi32, #tpu.memory_space<hbm>>
        %dma_start3A_327 = tpu.memref_slice %arg6[%mul3A_325] : memref<320000xi32, #tpu.memory_space<hbm>> -> memref<40xi32, #tpu.memory_space<hbm>>
        tpu.enqueue_dma source(%dma_start3A_327 : memref<40xi32, #tpu.memory_space<hbm>>) target(%arg10 : memref<40xi32, #tpu.memory_space<vmem>>) target_semaphore(%arg26 : memref<!tpu.dma_semaphore, #tpu.memory_space<semaphore_mem>>)
      } else {
      }
      %mul3A_250 = arith.constant 2 : i32
      %mul3A_251 = arith.muli %scan3A_159, %mul3A_250 : i32
      %add3A_252 = arith.constant 1 : i32
      %add3A_253 = arith.addi %mul3A_251, %add3A_252 : i32
      %dma_wait3A_254 = arith.constant 0 : i32
      %dma_wait3A_255 = arith.constant 0 : i32
      %dma_wait3A_256 = tpu.memref_slice %arg2[%dma_wait3A_254, %dma_wait3A_255] : memref<10000x128xf32, #tpu.memory_space<hbm>> -> memref<10000x128xf32, #tpu.memory_space<hbm>>
      tpu.wait_indirect_dma semaphore(%arg25 : memref<!tpu.dma_semaphore, #tpu.memory_space<semaphore_mem>>) src(%dma_wait3A_256 : memref<10000x128xf32, #tpu.memory_space<hbm>>) dst(%arg18 : memref<40x128xf32, #tpu.memory_space<vmem>>)
      %dma_wait3A_257 = arith.constant 0 : i32
      %dma_wait3A_258 = arith.constant 0 : i32
      %dma_wait3A_259 = tpu.memref_slice %arg3[%dma_wait3A_257, %dma_wait3A_258] : memref<10000x128xf32, #tpu.memory_space<hbm>> -> memref<10000x128xf32, #tpu.memory_space<hbm>>
      tpu.wait_indirect_dma semaphore(%arg25 : memref<!tpu.dma_semaphore, #tpu.memory_space<semaphore_mem>>) src(%dma_wait3A_259 : memref<10000x128xf32, #tpu.memory_space<hbm>>) dst(%arg19 : memref<40x128xf32, #tpu.memory_space<vmem>>)
      %mul3A_260 = arith.constant 250 : i32
      %mul3A_261 = arith.muli %add3A, %mul3A_260 : i32
      %add3A_262 = arith.addi %mul3A_261, %add3A_253 : i32
      %mul3A_263 = arith.constant 40 : i32
      %mul3A_264 = arith.muli %add3A_262, %mul3A_263 : i32
      %dma_wait3A_265 = arith.constant 0 : i32
      %dma_wait3A_266 = tpu.memref_slice %arg4[%mul3A_264, %dma_wait3A_265] : memref<320000x128xf32, #tpu.memory_space<hbm>> -> memref<40x128xf32, #tpu.memory_space<hbm>>
      %dma_wait3A_267 = arith.constant 0 : i32
      %dma_wait3A_268 = tpu.memref_slice %arg4[%mul3A_264, %dma_wait3A_267] : memref<320000x128xf32, #tpu.memory_space<hbm>> -> memref<40x128xf32, #tpu.memory_space<hbm>>
      tpu.wait_dma2 semaphore(%arg25 : memref<!tpu.dma_semaphore, #tpu.memory_space<semaphore_mem>>) src(%dma_wait3A_268 : memref<40x128xf32, #tpu.memory_space<hbm>>) dst(%arg20 : memref<40x128xf32, #tpu.memory_space<vmem>>)
      %lt3A_269 = arith.constant 124 : i32
      %lt3A_270 = arith.cmpi slt, %scan3A_159, %lt3A_269 : i32
      %convert_element_type3A_271 = arith.extui %lt3A_270 : i1 to i32
      %cond3A_272 = arith.constant 0 : i32
      %cond3A_273 = arith.cmpi ne, %convert_element_type3A_271, %cond3A_272 : i32
      scf.if %cond3A_273 {
        %dma_wait3A_310 = arith.constant 0 : i32
        %dma_wait3A_311 = arith.constant 0 : i32
        %dma_wait3A_312 = tpu.memref_slice %arg22[%dma_wait3A_310, %dma_wait3A_311] : memref<10000x128xf32, #tpu.memory_space<vmem_shared>> -> memref<10000x128xf32, #tpu.memory_space<vmem_shared>>
        tpu.wait_indirect_dma semaphore(%arg28 : memref<!tpu.dma_semaphore, #tpu.memory_space<semaphore_mem>>) src(%arg15 : memref<40x128xf32, #tpu.memory_space<vmem>>) dst(%dma_wait3A_312 : memref<10000x128xf32, #tpu.memory_space<vmem_shared>>)
        %dma_wait3A_313 = arith.constant 0 : i32
        %dma_wait3A_314 = arith.constant 0 : i32
        %dma_wait3A_315 = tpu.memref_slice %arg23[%dma_wait3A_313, %dma_wait3A_314] : memref<10000x16xf32, #tpu.memory_space<vmem_shared>> -> memref<10000x16xf32, #tpu.memory_space<vmem_shared>>
        tpu.wait_indirect_dma semaphore(%arg28 : memref<!tpu.dma_semaphore, #tpu.memory_space<semaphore_mem>>) src(%arg21 : memref<40x16xf32, #tpu.memory_space<vmem>>) dst(%dma_wait3A_315 : memref<10000x16xf32, #tpu.memory_space<vmem_shared>>)
        %add3A_316 = arith.constant 1 : i32
        %add3A_317 = arith.addi %add3A_253, %add3A_316 : i32
        %mul3A_318 = arith.constant 250 : i32
        %mul3A_319 = arith.muli %add3A, %mul3A_318 : i32
        %add3A_320 = arith.addi %mul3A_319, %add3A_317 : i32
        %mul3A_321 = arith.constant 40 : i32
        %mul3A_322 = arith.muli %add3A_320, %mul3A_321 : i32
        %dma_wait3A_323 = tpu.memref_slice %arg5[%mul3A_322] : memref<320000xi32, #tpu.memory_space<hbm>> -> memref<40xi32, #tpu.memory_space<hbm>>
        %dma_wait3A_324 = tpu.memref_slice %arg5[%mul3A_322] : memref<320000xi32, #tpu.memory_space<hbm>> -> memref<40xi32, #tpu.memory_space<hbm>>
        tpu.wait_dma2 semaphore(%arg26 : memref<!tpu.dma_semaphore, #tpu.memory_space<semaphore_mem>>) src(%dma_wait3A_324 : memref<40xi32, #tpu.memory_space<hbm>>) dst(%arg9 : memref<40xi32, #tpu.memory_space<vmem>>)
        %add3A_325 = arith.constant 1 : i32
        %add3A_326 = arith.addi %add3A_253, %add3A_325 : i32
        %mul3A_327 = arith.constant 250 : i32
        %mul3A_328 = arith.muli %add3A, %mul3A_327 : i32
        %add3A_329 = arith.addi %mul3A_328, %add3A_326 : i32
        %mul3A_330 = arith.constant 40 : i32
        %mul3A_331 = arith.muli %add3A_329, %mul3A_330 : i32
        %dma_wait3A_332 = tpu.memref_slice %arg6[%mul3A_331] : memref<320000xi32, #tpu.memory_space<hbm>> -> memref<40xi32, #tpu.memory_space<hbm>>
        %dma_wait3A_333 = tpu.memref_slice %arg6[%mul3A_331] : memref<320000xi32, #tpu.memory_space<hbm>> -> memref<40xi32, #tpu.memory_space<hbm>>
        tpu.wait_dma2 semaphore(%arg26 : memref<!tpu.dma_semaphore, #tpu.memory_space<semaphore_mem>>) src(%dma_wait3A_333 : memref<40xi32, #tpu.memory_space<hbm>>) dst(%arg10 : memref<40xi32, #tpu.memory_space<vmem>>)
        %dma_start3A_334 = arith.constant 0 : i32
        %dma_start3A_335 = arith.constant 0 : i32
        %dma_start3A_336 = tpu.memref_slice %arg2[%dma_start3A_334, %dma_start3A_335] : memref<10000x128xf32, #tpu.memory_space<hbm>> -> memref<10000x128xf32, #tpu.memory_space<hbm>>
        tpu.enqueue_indirect_dma source(%dma_start3A_336 : memref<10000x128xf32, #tpu.memory_space<hbm>>) target(%arg15 : memref<40x128xf32, #tpu.memory_space<vmem>>) offsets(%arg9 : memref<40xi32, #tpu.memory_space<vmem>>) semaphore(%arg24 : memref<!tpu.dma_semaphore, #tpu.memory_space<semaphore_mem>>)
        %dma_start3A_337 = arith.constant 0 : i32
        %dma_start3A_338 = arith.constant 0 : i32
        %dma_start3A_339 = tpu.memref_slice %arg3[%dma_start3A_337, %dma_start3A_338] : memref<10000x128xf32, #tpu.memory_space<hbm>> -> memref<10000x128xf32, #tpu.memory_space<hbm>>
        tpu.enqueue_indirect_dma source(%dma_start3A_339 : memref<10000x128xf32, #tpu.memory_space<hbm>>) target(%arg16 : memref<40x128xf32, #tpu.memory_space<vmem>>) offsets(%arg10 : memref<40xi32, #tpu.memory_space<vmem>>) semaphore(%arg24 : memref<!tpu.dma_semaphore, #tpu.memory_space<semaphore_mem>>)
        %add3A_340 = arith.constant 1 : i32
        %add3A_341 = arith.addi %add3A_253, %add3A_340 : i32
        %mul3A_342 = arith.constant 250 : i32
        %mul3A_343 = arith.muli %add3A, %mul3A_342 : i32
        %add3A_344 = arith.addi %mul3A_343, %add3A_341 : i32
        %mul3A_345 = arith.constant 40 : i32
        %mul3A_346 = arith.muli %add3A_344, %mul3A_345 : i32
        %dma_start3A_347 = arith.constant 0 : i32
        %dma_start3A_348 = tpu.memref_slice %arg4[%mul3A_346, %dma_start3A_347] : memref<320000x128xf32, #tpu.memory_space<hbm>> -> memref<40x128xf32, #tpu.memory_space<hbm>>
        %dma_start3A_349 = arith.constant 0 : i32
        %dma_start3A_350 = tpu.memref_slice %arg4[%mul3A_346, %dma_start3A_349] : memref<320000x128xf32, #tpu.memory_space<hbm>> -> memref<40x128xf32, #tpu.memory_space<hbm>>
        tpu.enqueue_dma source(%dma_start3A_350 : memref<40x128xf32, #tpu.memory_space<hbm>>) target(%arg17 : memref<40x128xf32, #tpu.memory_space<vmem>>) target_semaphore(%arg24 : memref<!tpu.dma_semaphore, #tpu.memory_space<semaphore_mem>>)
      } else {
      }
      %parallel_loop3A_274 = arith.constant 0 : i32
      %parallel_loop3A_275 = arith.constant 40 : i32
      %parallel_loop3A_276 = arith.constant 1 : i32
      scf.for %parallel_loop3A_310 = %parallel_loop3A_274 to %parallel_loop3A_275 step %parallel_loop3A_276  : i32 {
        %parallel_loop3A_311 = arith.index_cast %parallel_loop3A_310 : i32 to index
        %parallel_loop3A_312 = arith.constant 0 : index
        %parallel_loop3A_313 = tpu.vector_load %arg18[%parallel_loop3A_311, %parallel_loop3A_312] {strides = array<i32>} : memref<40x128xf32, #tpu.memory_space<vmem>>, vector<1x16xf32>,
        %parallel_loop3A_314 = vector.shape_cast %parallel_loop3A_313 : vector<1x16xf32> to vector<16xf32>
        %parallel_loop3A_315 = arith.index_cast %parallel_loop3A_310 : i32 to index
        %parallel_loop3A_316 = arith.constant 0 : index
        %parallel_loop3A_317 = tpu.vector_load %arg19[%parallel_loop3A_315, %parallel_loop3A_316] {strides = array<i32>} : memref<40x128xf32, #tpu.memory_space<vmem>>, vector<1x16xf32>,
        %parallel_loop3A_318 = vector.shape_cast %parallel_loop3A_317 : vector<1x16xf32> to vector<16xf32>
        %parallel_loop3A_319 = arith.addf %parallel_loop3A_314, %parallel_loop3A_318 : vector<16xf32>
        %parallel_loop3A_320 = arith.index_cast %parallel_loop3A_310 : i32 to index
        %parallel_loop3A_321 = arith.constant 0 : index
        %parallel_loop3A_322 = tpu.vector_load %arg20[%parallel_loop3A_320, %parallel_loop3A_321] {strides = array<i32>} : memref<40x128xf32, #tpu.memory_space<vmem>>, vector<1x16xf32>,
        %parallel_loop3A_323 = vector.shape_cast %parallel_loop3A_322 : vector<1x16xf32> to vector<16xf32>
        %parallel_loop3A_324 = arith.addf %parallel_loop3A_319, %parallel_loop3A_323 : vector<16xf32>
        %parallel_loop3A_325 = arith.constant 0.000000e+00 : f32
        %parallel_loop3A_326 = vector.broadcast %parallel_loop3A_325 : f32 to vector<16xf32>
        %parallel_loop3A_327 = arith.maximumf %parallel_loop3A_324, %parallel_loop3A_326 : vector<16xf32>
        %parallel_loop3A_328 = arith.index_cast %parallel_loop3A_310 : i32 to index
        %parallel_loop3A_329 = arith.constant 0 : index
        %parallel_loop3A_330 = tpu.vector_load %arg18[%parallel_loop3A_328, %parallel_loop3A_329] {strides = array<i32>} : memref<40x128xf32, #tpu.memory_space<vmem>>, vector<1x16xf32>,
        %parallel_loop3A_331 = vector.shape_cast %parallel_loop3A_330 : vector<1x16xf32> to vector<16xf32>
        %parallel_loop3A_332 = vector.shape_cast %parallel_loop3A_327 : vector<16xf32> to vector<1x16xf32>
        tpu.vector_store %arg18[%parallel_loop3A_328, %parallel_loop3A_329], %parallel_loop3A_332 {strides = array<i32>} : memref<40x128xf32, #tpu.memory_space<vmem>>, vector<1x16xf32>,
        %parallel_loop3A_333 = arith.index_cast %parallel_loop3A_310 : i32 to index
        %parallel_loop3A_334 = arith.constant 16 : index
        %parallel_loop3A_335 = tpu.vector_load %arg18[%parallel_loop3A_333, %parallel_loop3A_334] {strides = array<i32>} : memref<40x128xf32, #tpu.memory_space<vmem>>, vector<1x16xf32>,
        %parallel_loop3A_336 = vector.shape_cast %parallel_loop3A_335 : vector<1x16xf32> to vector<16xf32>
        %parallel_loop3A_337 = arith.index_cast %parallel_loop3A_310 : i32 to index
        %parallel_loop3A_338 = arith.constant 16 : index
        %parallel_loop3A_339 = tpu.vector_load %arg19[%parallel_loop3A_337, %parallel_loop3A_338] {strides = array<i32>} : memref<40x128xf32, #tpu.memory_space<vmem>>, vector<1x16xf32>,
        %parallel_loop3A_340 = vector.shape_cast %parallel_loop3A_339 : vector<1x16xf32> to vector<16xf32>
        %parallel_loop3A_341 = arith.addf %parallel_loop3A_336, %parallel_loop3A_340 : vector<16xf32>
        %parallel_loop3A_342 = arith.index_cast %parallel_loop3A_310 : i32 to index
        %parallel_loop3A_343 = arith.constant 16 : index
        %parallel_loop3A_344 = tpu.vector_load %arg20[%parallel_loop3A_342, %parallel_loop3A_343] {strides = array<i32>} : memref<40x128xf32, #tpu.memory_space<vmem>>, vector<1x16xf32>,
        %parallel_loop3A_345 = vector.shape_cast %parallel_loop3A_344 : vector<1x16xf32> to vector<16xf32>
        %parallel_loop3A_346 = arith.addf %parallel_loop3A_341, %parallel_loop3A_345 : vector<16xf32>
        %parallel_loop3A_347 = arith.constant 0.000000e+00 : f32
        %parallel_loop3A_348 = vector.broadcast %parallel_loop3A_347 : f32 to vector<16xf32>
        %parallel_loop3A_349 = arith.maximumf %parallel_loop3A_346, %parallel_loop3A_348 : vector<16xf32>
        %parallel_loop3A_350 = arith.index_cast %parallel_loop3A_310 : i32 to index
        %parallel_loop3A_351 = arith.constant 16 : index
        %parallel_loop3A_352 = tpu.vector_load %arg18[%parallel_loop3A_350, %parallel_loop3A_351] {strides = array<i32>} : memref<40x128xf32, #tpu.memory_space<vmem>>, vector<1x16xf32>,
        %parallel_loop3A_353 = vector.shape_cast %parallel_loop3A_352 : vector<1x16xf32> to vector<16xf32>
        %parallel_loop3A_354 = vector.shape_cast %parallel_loop3A_349 : vector<16xf32> to vector<1x16xf32>
        tpu.vector_store %arg18[%parallel_loop3A_350, %parallel_loop3A_351], %parallel_loop3A_354 {strides = array<i32>} : memref<40x128xf32, #tpu.memory_space<vmem>>, vector<1x16xf32>,
        %parallel_loop3A_355 = arith.index_cast %parallel_loop3A_310 : i32 to index
        %parallel_loop3A_356 = arith.constant 32 : index
        %parallel_loop3A_357 = tpu.vector_load %arg18[%parallel_loop3A_355, %parallel_loop3A_356] {strides = array<i32>} : memref<40x128xf32, #tpu.memory_space<vmem>>, vector<1x16xf32>,
        %parallel_loop3A_358 = vector.shape_cast %parallel_loop3A_357 : vector<1x16xf32> to vector<16xf32>
        %parallel_loop3A_359 = arith.index_cast %parallel_loop3A_310 : i32 to index
        %parallel_loop3A_360 = arith.constant 32 : index
        %parallel_loop3A_361 = tpu.vector_load %arg19[%parallel_loop3A_359, %parallel_loop3A_360] {strides = array<i32>} : memref<40x128xf32, #tpu.memory_space<vmem>>, vector<1x16xf32>,
        %parallel_loop3A_362 = vector.shape_cast %parallel_loop3A_361 : vector<1x16xf32> to vector<16xf32>
        %parallel_loop3A_363 = arith.addf %parallel_loop3A_358, %parallel_loop3A_362 : vector<16xf32>
        %parallel_loop3A_364 = arith.index_cast %parallel_loop3A_310 : i32 to index
        %parallel_loop3A_365 = arith.constant 32 : index
        %parallel_loop3A_366 = tpu.vector_load %arg20[%parallel_loop3A_364, %parallel_loop3A_365] {strides = array<i32>} : memref<40x128xf32, #tpu.memory_space<vmem>>, vector<1x16xf32>,
        %parallel_loop3A_367 = vector.shape_cast %parallel_loop3A_366 : vector<1x16xf32> to vector<16xf32>
        %parallel_loop3A_368 = arith.addf %parallel_loop3A_363, %parallel_loop3A_367 : vector<16xf32>
        %parallel_loop3A_369 = arith.constant 0.000000e+00 : f32
        %parallel_loop3A_370 = vector.broadcast %parallel_loop3A_369 : f32 to vector<16xf32>
        %parallel_loop3A_371 = arith.maximumf %parallel_loop3A_368, %parallel_loop3A_370 : vector<16xf32>
        %parallel_loop3A_372 = arith.index_cast %parallel_loop3A_310 : i32 to index
        %parallel_loop3A_373 = arith.constant 32 : index
        %parallel_loop3A_374 = tpu.vector_load %arg18[%parallel_loop3A_372, %parallel_loop3A_373] {strides = array<i32>} : memref<40x128xf32, #tpu.memory_space<vmem>>, vector<1x16xf32>,
        %parallel_loop3A_375 = vector.shape_cast %parallel_loop3A_374 : vector<1x16xf32> to vector<16xf32>
        %parallel_loop3A_376 = vector.shape_cast %parallel_loop3A_371 : vector<16xf32> to vector<1x16xf32>
        tpu.vector_store %arg18[%parallel_loop3A_372, %parallel_loop3A_373], %parallel_loop3A_376 {strides = array<i32>} : memref<40x128xf32, #tpu.memory_space<vmem>>, vector<1x16xf32>,
        %parallel_loop3A_377 = arith.index_cast %parallel_loop3A_310 : i32 to index
        %parallel_loop3A_378 = arith.constant 48 : index
        %parallel_loop3A_379 = tpu.vector_load %arg18[%parallel_loop3A_377, %parallel_loop3A_378] {strides = array<i32>} : memref<40x128xf32, #tpu.memory_space<vmem>>, vector<1x16xf32>,
        %parallel_loop3A_380 = vector.shape_cast %parallel_loop3A_379 : vector<1x16xf32> to vector<16xf32>
        %parallel_loop3A_381 = arith.index_cast %parallel_loop3A_310 : i32 to index
        %parallel_loop3A_382 = arith.constant 48 : index
        %parallel_loop3A_383 = tpu.vector_load %arg19[%parallel_loop3A_381, %parallel_loop3A_382] {strides = array<i32>} : memref<40x128xf32, #tpu.memory_space<vmem>>, vector<1x16xf32>,
        %parallel_loop3A_384 = vector.shape_cast %parallel_loop3A_383 : vector<1x16xf32> to vector<16xf32>
        %parallel_loop3A_385 = arith.addf %parallel_loop3A_380, %parallel_loop3A_384 : vector<16xf32>
        %parallel_loop3A_386 = arith.index_cast %parallel_loop3A_310 : i32 to index
        %parallel_loop3A_387 = arith.constant 48 : index
        %parallel_loop3A_388 = tpu.vector_load %arg20[%parallel_loop3A_386, %parallel_loop3A_387] {strides = array<i32>} : memref<40x128xf32, #tpu.memory_space<vmem>>, vector<1x16xf32>,
        %parallel_loop3A_389 = vector.shape_cast %parallel_loop3A_388 : vector<1x16xf32> to vector<16xf32>
        %parallel_loop3A_390 = arith.addf %parallel_loop3A_385, %parallel_loop3A_389 : vector<16xf32>
        %parallel_loop3A_391 = arith.constant 0.000000e+00 : f32
        %parallel_loop3A_392 = vector.broadcast %parallel_loop3A_391 : f32 to vector<16xf32>
        %parallel_loop3A_393 = arith.maximumf %parallel_loop3A_390, %parallel_loop3A_392 : vector<16xf32>
        %parallel_loop3A_394 = arith.index_cast %parallel_loop3A_310 : i32 to index
        %parallel_loop3A_395 = arith.constant 48 : index
        %parallel_loop3A_396 = tpu.vector_load %arg18[%parallel_loop3A_394, %parallel_loop3A_395] {strides = array<i32>} : memref<40x128xf32, #tpu.memory_space<vmem>>, vector<1x16xf32>,
        %parallel_loop3A_397 = vector.shape_cast %parallel_loop3A_396 : vector<1x16xf32> to vector<16xf32>
        %parallel_loop3A_398 = vector.shape_cast %parallel_loop3A_393 : vector<16xf32> to vector<1x16xf32>
        tpu.vector_store %arg18[%parallel_loop3A_394, %parallel_loop3A_395], %parallel_loop3A_398 {strides = array<i32>} : memref<40x128xf32, #tpu.memory_space<vmem>>, vector<1x16xf32>,
        %parallel_loop3A_399 = arith.index_cast %parallel_loop3A_310 : i32 to index
        %parallel_loop3A_400 = arith.constant 64 : index
        %parallel_loop3A_401 = tpu.vector_load %arg18[%parallel_loop3A_399, %parallel_loop3A_400] {strides = array<i32>} : memref<40x128xf32, #tpu.memory_space<vmem>>, vector<1x16xf32>,
        %parallel_loop3A_402 = vector.shape_cast %parallel_loop3A_401 : vector<1x16xf32> to vector<16xf32>
        %parallel_loop3A_403 = arith.index_cast %parallel_loop3A_310 : i32 to index
        %parallel_loop3A_404 = arith.constant 64 : index
        %parallel_loop3A_405 = tpu.vector_load %arg19[%parallel_loop3A_403, %parallel_loop3A_404] {strides = array<i32>} : memref<40x128xf32, #tpu.memory_space<vmem>>, vector<1x16xf32>,
        %parallel_loop3A_406 = vector.shape_cast %parallel_loop3A_405 : vector<1x16xf32> to vector<16xf32>
        %parallel_loop3A_407 = arith.addf %parallel_loop3A_402, %parallel_loop3A_406 : vector<16xf32>
        %parallel_loop3A_408 = arith.index_cast %parallel_loop3A_310 : i32 to index
        %parallel_loop3A_409 = arith.constant 64 : index
        %parallel_loop3A_410 = tpu.vector_load %arg20[%parallel_loop3A_408, %parallel_loop3A_409] {strides = array<i32>} : memref<40x128xf32, #tpu.memory_space<vmem>>, vector<1x16xf32>,
        %parallel_loop3A_411 = vector.shape_cast %parallel_loop3A_410 : vector<1x16xf32> to vector<16xf32>
        %parallel_loop3A_412 = arith.addf %parallel_loop3A_407, %parallel_loop3A_411 : vector<16xf32>
        %parallel_loop3A_413 = arith.constant 0.000000e+00 : f32
        %parallel_loop3A_414 = vector.broadcast %parallel_loop3A_413 : f32 to vector<16xf32>
        %parallel_loop3A_415 = arith.maximumf %parallel_loop3A_412, %parallel_loop3A_414 : vector<16xf32>
        %parallel_loop3A_416 = arith.index_cast %parallel_loop3A_310 : i32 to index
        %parallel_loop3A_417 = arith.constant 64 : index
        %parallel_loop3A_418 = tpu.vector_load %arg18[%parallel_loop3A_416, %parallel_loop3A_417] {strides = array<i32>} : memref<40x128xf32, #tpu.memory_space<vmem>>, vector<1x16xf32>,
        %parallel_loop3A_419 = vector.shape_cast %parallel_loop3A_418 : vector<1x16xf32> to vector<16xf32>
        %parallel_loop3A_420 = vector.shape_cast %parallel_loop3A_415 : vector<16xf32> to vector<1x16xf32>
        tpu.vector_store %arg18[%parallel_loop3A_416, %parallel_loop3A_417], %parallel_loop3A_420 {strides = array<i32>} : memref<40x128xf32, #tpu.memory_space<vmem>>, vector<1x16xf32>,
        %parallel_loop3A_421 = arith.index_cast %parallel_loop3A_310 : i32 to index
        %parallel_loop3A_422 = arith.constant 80 : index
        %parallel_loop3A_423 = tpu.vector_load %arg18[%parallel_loop3A_421, %parallel_loop3A_422] {strides = array<i32>} : memref<40x128xf32, #tpu.memory_space<vmem>>, vector<1x16xf32>,
        %parallel_loop3A_424 = vector.shape_cast %parallel_loop3A_423 : vector<1x16xf32> to vector<16xf32>
        %parallel_loop3A_425 = arith.index_cast %parallel_loop3A_310 : i32 to index
        %parallel_loop3A_426 = arith.constant 80 : index
        %parallel_loop3A_427 = tpu.vector_load %arg19[%parallel_loop3A_425, %parallel_loop3A_426] {strides = array<i32>} : memref<40x128xf32, #tpu.memory_space<vmem>>, vector<1x16xf32>,
        %parallel_loop3A_428 = vector.shape_cast %parallel_loop3A_427 : vector<1x16xf32> to vector<16xf32>
        %parallel_loop3A_429 = arith.addf %parallel_loop3A_424, %parallel_loop3A_428 : vector<16xf32>
        %parallel_loop3A_430 = arith.index_cast %parallel_loop3A_310 : i32 to index
        %parallel_loop3A_431 = arith.constant 80 : index
        %parallel_loop3A_432 = tpu.vector_load %arg20[%parallel_loop3A_430, %parallel_loop3A_431] {strides = array<i32>} : memref<40x128xf32, #tpu.memory_space<vmem>>, vector<1x16xf32>,
        %parallel_loop3A_433 = vector.shape_cast %parallel_loop3A_432 : vector<1x16xf32> to vector<16xf32>
        %parallel_loop3A_434 = arith.addf %parallel_loop3A_429, %parallel_loop3A_433 : vector<16xf32>
        %parallel_loop3A_435 = arith.constant 0.000000e+00 : f32
        %parallel_loop3A_436 = vector.broadcast %parallel_loop3A_435 : f32 to vector<16xf32>
        %parallel_loop3A_437 = arith.maximumf %parallel_loop3A_434, %parallel_loop3A_436 : vector<16xf32>
        %parallel_loop3A_438 = arith.index_cast %parallel_loop3A_310 : i32 to index
        %parallel_loop3A_439 = arith.constant 80 : index
        %parallel_loop3A_440 = tpu.vector_load %arg18[%parallel_loop3A_438, %parallel_loop3A_439] {strides = array<i32>} : memref<40x128xf32, #tpu.memory_space<vmem>>, vector<1x16xf32>,
        %parallel_loop3A_441 = vector.shape_cast %parallel_loop3A_440 : vector<1x16xf32> to vector<16xf32>
        %parallel_loop3A_442 = vector.shape_cast %parallel_loop3A_437 : vector<16xf32> to vector<1x16xf32>
        tpu.vector_store %arg18[%parallel_loop3A_438, %parallel_loop3A_439], %parallel_loop3A_442 {strides = array<i32>} : memref<40x128xf32, #tpu.memory_space<vmem>>, vector<1x16xf32>,
        %parallel_loop3A_443 = arith.index_cast %parallel_loop3A_310 : i32 to index
        %parallel_loop3A_444 = arith.constant 96 : index
        %parallel_loop3A_445 = tpu.vector_load %arg18[%parallel_loop3A_443, %parallel_loop3A_444] {strides = array<i32>} : memref<40x128xf32, #tpu.memory_space<vmem>>, vector<1x16xf32>,
        %parallel_loop3A_446 = vector.shape_cast %parallel_loop3A_445 : vector<1x16xf32> to vector<16xf32>
        %parallel_loop3A_447 = arith.index_cast %parallel_loop3A_310 : i32 to index
        %parallel_loop3A_448 = arith.constant 96 : index
        %parallel_loop3A_449 = tpu.vector_load %arg19[%parallel_loop3A_447, %parallel_loop3A_448] {strides = array<i32>} : memref<40x128xf32, #tpu.memory_space<vmem>>, vector<1x16xf32>,
        %parallel_loop3A_450 = vector.shape_cast %parallel_loop3A_449 : vector<1x16xf32> to vector<16xf32>
        %parallel_loop3A_451 = arith.addf %parallel_loop3A_446, %parallel_loop3A_450 : vector<16xf32>
        %parallel_loop3A_452 = arith.index_cast %parallel_loop3A_310 : i32 to index
        %parallel_loop3A_453 = arith.constant 96 : index
        %parallel_loop3A_454 = tpu.vector_load %arg20[%parallel_loop3A_452, %parallel_loop3A_453] {strides = array<i32>} : memref<40x128xf32, #tpu.memory_space<vmem>>, vector<1x16xf32>,
        %parallel_loop3A_455 = vector.shape_cast %parallel_loop3A_454 : vector<1x16xf32> to vector<16xf32>
        %parallel_loop3A_456 = arith.addf %parallel_loop3A_451, %parallel_loop3A_455 : vector<16xf32>
        %parallel_loop3A_457 = arith.constant 0.000000e+00 : f32
        %parallel_loop3A_458 = vector.broadcast %parallel_loop3A_457 : f32 to vector<16xf32>
        %parallel_loop3A_459 = arith.maximumf %parallel_loop3A_456, %parallel_loop3A_458 : vector<16xf32>
        %parallel_loop3A_460 = arith.index_cast %parallel_loop3A_310 : i32 to index
        %parallel_loop3A_461 = arith.constant 96 : index
        %parallel_loop3A_462 = tpu.vector_load %arg18[%parallel_loop3A_460, %parallel_loop3A_461] {strides = array<i32>} : memref<40x128xf32, #tpu.memory_space<vmem>>, vector<1x16xf32>,
        %parallel_loop3A_463 = vector.shape_cast %parallel_loop3A_462 : vector<1x16xf32> to vector<16xf32>
        %parallel_loop3A_464 = vector.shape_cast %parallel_loop3A_459 : vector<16xf32> to vector<1x16xf32>
        tpu.vector_store %arg18[%parallel_loop3A_460, %parallel_loop3A_461], %parallel_loop3A_464 {strides = array<i32>} : memref<40x128xf32, #tpu.memory_space<vmem>>, vector<1x16xf32>,
        %parallel_loop3A_465 = arith.index_cast %parallel_loop3A_310 : i32 to index
        %parallel_loop3A_466 = arith.constant 112 : index
        %parallel_loop3A_467 = tpu.vector_load %arg18[%parallel_loop3A_465, %parallel_loop3A_466] {strides = array<i32>} : memref<40x128xf32, #tpu.memory_space<vmem>>, vector<1x16xf32>,
        %parallel_loop3A_468 = vector.shape_cast %parallel_loop3A_467 : vector<1x16xf32> to vector<16xf32>
        %parallel_loop3A_469 = arith.index_cast %parallel_loop3A_310 : i32 to index
        %parallel_loop3A_470 = arith.constant 112 : index
        %parallel_loop3A_471 = tpu.vector_load %arg19[%parallel_loop3A_469, %parallel_loop3A_470] {strides = array<i32>} : memref<40x128xf32, #tpu.memory_space<vmem>>, vector<1x16xf32>,
        %parallel_loop3A_472 = vector.shape_cast %parallel_loop3A_471 : vector<1x16xf32> to vector<16xf32>
        %parallel_loop3A_473 = arith.addf %parallel_loop3A_468, %parallel_loop3A_472 : vector<16xf32>
        %parallel_loop3A_474 = arith.index_cast %parallel_loop3A_310 : i32 to index
        %parallel_loop3A_475 = arith.constant 112 : index
        %parallel_loop3A_476 = tpu.vector_load %arg20[%parallel_loop3A_474, %parallel_loop3A_475] {strides = array<i32>} : memref<40x128xf32, #tpu.memory_space<vmem>>, vector<1x16xf32>,
        %parallel_loop3A_477 = vector.shape_cast %parallel_loop3A_476 : vector<1x16xf32> to vector<16xf32>
        %parallel_loop3A_478 = arith.addf %parallel_loop3A_473, %parallel_loop3A_477 : vector<16xf32>
        %parallel_loop3A_479 = arith.constant 0.000000e+00 : f32
        %parallel_loop3A_480 = vector.broadcast %parallel_loop3A_479 : f32 to vector<16xf32>
        %parallel_loop3A_481 = arith.maximumf %parallel_loop3A_478, %parallel_loop3A_480 : vector<16xf32>
        %parallel_loop3A_482 = arith.index_cast %parallel_loop3A_310 : i32 to index
        %parallel_loop3A_483 = arith.constant 112 : index
        %parallel_loop3A_484 = tpu.vector_load %arg18[%parallel_loop3A_482, %parallel_loop3A_483] {strides = array<i32>} : memref<40x128xf32, #tpu.memory_space<vmem>>, vector<1x16xf32>,
        %parallel_loop3A_485 = vector.shape_cast %parallel_loop3A_484 : vector<1x16xf32> to vector<16xf32>
        %parallel_loop3A_486 = vector.shape_cast %parallel_loop3A_481 : vector<16xf32> to vector<1x16xf32>
        tpu.vector_store %arg18[%parallel_loop3A_482, %parallel_loop3A_483], %parallel_loop3A_486 {strides = array<i32>} : memref<40x128xf32, #tpu.memory_space<vmem>>, vector<1x16xf32>,
      } {sc.loop_unroll_factor = 4 : i64, sc.parallel_access}
      %get3A_277 = arith.constant 0 : index
      %get3A_278 = tpu.vector_load %arg12[%get3A_277] {strides = array<i32>} : memref<40xi32, #tpu.memory_space<vmem>>, vector<16xi32>,
      %get3A_279 = vector.shape_cast %get3A_278 : vector<16xi32> to vector<16xi32>
      %swap3A_280 = arith.constant 0 : index
      %swap3A_281 = tpu.vector_load %arg14[%swap3A_280] {strides = array<i32>} : memref<40xi32, #tpu.memory_space<vmem>>, vector<16xi32>,
      %swap3A_282 = vector.shape_cast %swap3A_281 : vector<16xi32> to vector<16xi32>
      %swap3A_283 = vector.shape_cast %get3A_279 : vector<16xi32> to vector<16xi32>
      tpu.vector_store %arg14[%swap3A_280], %swap3A_283 {strides = array<i32>} : memref<40xi32, #tpu.memory_space<vmem>>, vector<16xi32>,
      %get3A_284 = arith.constant 16 : index
      %get3A_285 = tpu.vector_load %arg12[%get3A_284] {strides = array<i32>} : memref<40xi32, #tpu.memory_space<vmem>>, vector<16xi32>,
      %get3A_286 = vector.shape_cast %get3A_285 : vector<16xi32> to vector<16xi32>
      %swap3A_287 = arith.constant 16 : index
      %swap3A_288 = tpu.vector_load %arg14[%swap3A_287] {strides = array<i32>} : memref<40xi32, #tpu.memory_space<vmem>>, vector<16xi32>,
      %swap3A_289 = vector.shape_cast %swap3A_288 : vector<16xi32> to vector<16xi32>
      %swap3A_290 = vector.shape_cast %get3A_286 : vector<16xi32> to vector<16xi32>
      tpu.vector_store %arg14[%swap3A_287], %swap3A_290 {strides = array<i32>} : memref<40xi32, #tpu.memory_space<vmem>>, vector<16xi32>,
      %get3A_291 = arith.constant 24 : index
      %get3A_292 = tpu.vector_load %arg12[%get3A_291] {strides = array<i32>} : memref<40xi32, #tpu.memory_space<vmem>>, vector<16xi32>,
      %get3A_293 = vector.shape_cast %get3A_292 : vector<16xi32> to vector<16xi32>
      %swap3A_294 = arith.constant 24 : index
      %swap3A_295 = tpu.vector_load %arg14[%swap3A_294] {strides = array<i32>} : memref<40xi32, #tpu.memory_space<vmem>>, vector<16xi32>,
      %swap3A_296 = vector.shape_cast %swap3A_295 : vector<16xi32> to vector<16xi32>
      %swap3A_297 = vector.shape_cast %get3A_293 : vector<16xi32> to vector<16xi32>
      tpu.vector_store %arg14[%swap3A_294], %swap3A_297 {strides = array<i32>} : memref<40xi32, #tpu.memory_space<vmem>>, vector<16xi32>,
      %dma_start3A_298 = arith.constant 0 : i32
      %dma_start3A_299 = arith.constant 0 : i32
      %dma_start3A_300 = tpu.memref_slice %arg22[%dma_start3A_298, %dma_start3A_299] : memref<10000x128xf32, #tpu.memory_space<vmem_shared>> -> memref<10000x128xf32, #tpu.memory_space<vmem_shared>>
      tpu.enqueue_indirect_dma source(%arg18 : memref<40x128xf32, #tpu.memory_space<vmem>>) target(%dma_start3A_300 : memref<10000x128xf32, #tpu.memory_space<vmem_shared>>) offsets(%arg14 : memref<40xi32, #tpu.memory_space<vmem>>) semaphore(%arg29 : memref<!tpu.dma_semaphore, #tpu.memory_space<semaphore_mem>>) {add = true}
      %dma_start3A_301 = arith.constant 0 : i32
      %dma_start3A_302 = arith.constant 0 : i32
      %dma_start3A_303 = tpu.memref_slice %arg23[%dma_start3A_301, %dma_start3A_302] : memref<10000x16xf32, #tpu.memory_space<vmem_shared>> -> memref<10000x16xf32, #tpu.memory_space<vmem_shared>>
      tpu.enqueue_indirect_dma source(%arg21 : memref<40x16xf32, #tpu.memory_space<vmem>>) target(%dma_start3A_303 : memref<10000x16xf32, #tpu.memory_space<vmem_shared>>) offsets(%arg14 : memref<40xi32, #tpu.memory_space<vmem>>) semaphore(%arg29 : memref<!tpu.dma_semaphore, #tpu.memory_space<semaphore_mem>>) {add = true}
      %lt3A_304 = arith.constant 124 : i32
      %lt3A_305 = arith.cmpi slt, %scan3A_159, %lt3A_304 : i32
      %convert_element_type3A_306 = arith.extui %lt3A_305 : i1 to i32
      %cond3A_307 = arith.constant 0 : i32
      %cond3A_308 = arith.cmpi ne, %convert_element_type3A_306, %cond3A_307 : i32
      scf.if %cond3A_308 {
        %add3A_310 = arith.constant 2 : i32
        %add3A_311 = arith.addi %add3A_253, %add3A_310 : i32
        %mul3A_312 = arith.constant 250 : i32
        %mul3A_313 = arith.muli %add3A, %mul3A_312 : i32
        %add3A_314 = arith.addi %mul3A_313, %add3A_311 : i32
        %mul3A_315 = arith.constant 40 : i32
        %mul3A_316 = arith.muli %add3A_314, %mul3A_315 : i32
        %dma_start3A_317 = tpu.memref_slice %arg5[%mul3A_316] : memref<320000xi32, #tpu.memory_space<hbm>> -> memref<40xi32, #tpu.memory_space<hbm>>
        %dma_start3A_318 = tpu.memref_slice %arg5[%mul3A_316] : memref<320000xi32, #tpu.memory_space<hbm>> -> memref<40xi32, #tpu.memory_space<hbm>>
        tpu.enqueue_dma source(%dma_start3A_318 : memref<40xi32, #tpu.memory_space<hbm>>) target(%arg11 : memref<40xi32, #tpu.memory_space<vmem>>) target_semaphore(%arg27 : memref<!tpu.dma_semaphore, #tpu.memory_space<semaphore_mem>>)
        %add3A_319 = arith.constant 2 : i32
        %add3A_320 = arith.addi %add3A_253, %add3A_319 : i32
        %mul3A_321 = arith.constant 250 : i32
        %mul3A_322 = arith.muli %add3A, %mul3A_321 : i32
        %add3A_323 = arith.addi %mul3A_322, %add3A_320 : i32
        %mul3A_324 = arith.constant 40 : i32
        %mul3A_325 = arith.muli %add3A_323, %mul3A_324 : i32
        %dma_start3A_326 = tpu.memref_slice %arg6[%mul3A_325] : memref<320000xi32, #tpu.memory_space<hbm>> -> memref<40xi32, #tpu.memory_space<hbm>>
        %dma_start3A_327 = tpu.memref_slice %arg6[%mul3A_325] : memref<320000xi32, #tpu.memory_space<hbm>> -> memref<40xi32, #tpu.memory_space<hbm>>
        tpu.enqueue_dma source(%dma_start3A_327 : memref<40xi32, #tpu.memory_space<hbm>>) target(%arg12 : memref<40xi32, #tpu.memory_space<vmem>>) target_semaphore(%arg27 : memref<!tpu.dma_semaphore, #tpu.memory_space<semaphore_mem>>)
      } else {
      }
      %scan3A_309 = arith.constant 0 : i32
      scf.yield %scan3A_309 : i32
    }
    %scan3A_141 = arith.constant 125 : i32
    %dma_wait3A = arith.constant 0 : i32
    %dma_wait3A_142 = arith.constant 0 : i32
    %dma_wait3A_143 = tpu.memref_slice %arg22[%dma_wait3A, %dma_wait3A_142] : memref<10000x128xf32, #tpu.memory_space<vmem_shared>> -> memref<10000x128xf32, #tpu.memory_space<vmem_shared>>
    tpu.wait_indirect_dma semaphore(%arg28 : memref<!tpu.dma_semaphore, #tpu.memory_space<semaphore_mem>>) src(%arg15 : memref<40x128xf32, #tpu.memory_space<vmem>>) dst(%dma_wait3A_143 : memref<10000x128xf32, #tpu.memory_space<vmem_shared>>)
    %dma_wait3A_144 = arith.constant 0 : i32
    %dma_wait3A_145 = arith.constant 0 : i32
    %dma_wait3A_146 = tpu.memref_slice %arg23[%dma_wait3A_144, %dma_wait3A_145] : memref<10000x16xf32, #tpu.memory_space<vmem_shared>> -> memref<10000x16xf32, #tpu.memory_space<vmem_shared>>
    tpu.wait_indirect_dma semaphore(%arg28 : memref<!tpu.dma_semaphore, #tpu.memory_space<semaphore_mem>>) src(%arg21 : memref<40x16xf32, #tpu.memory_space<vmem>>) dst(%dma_wait3A_146 : memref<10000x16xf32, #tpu.memory_space<vmem_shared>>)
    %dma_wait3A_147 = arith.constant 0 : i32
    %dma_wait3A_148 = arith.constant 0 : i32
    %dma_wait3A_149 = tpu.memref_slice %arg22[%dma_wait3A_147, %dma_wait3A_148] : memref<10000x128xf32, #tpu.memory_space<vmem_shared>> -> memref<10000x128xf32, #tpu.memory_space<vmem_shared>>
    tpu.wait_indirect_dma semaphore(%arg29 : memref<!tpu.dma_semaphore, #tpu.memory_space<semaphore_mem>>) src(%arg18 : memref<40x128xf32, #tpu.memory_space<vmem>>) dst(%dma_wait3A_149 : memref<10000x128xf32, #tpu.memory_space<vmem_shared>>)
    %dma_wait3A_150 = arith.constant 0 : i32
    %dma_wait3A_151 = arith.constant 0 : i32
    %dma_wait3A_152 = tpu.memref_slice %arg23[%dma_wait3A_150, %dma_wait3A_151] : memref<10000x16xf32, #tpu.memory_space<vmem_shared>> -> memref<10000x16xf32, #tpu.memory_space<vmem_shared>>
    tpu.wait_indirect_dma semaphore(%arg29 : memref<!tpu.dma_semaphore, #tpu.memory_space<semaphore_mem>>) src(%arg21 : memref<40x16xf32, #tpu.memory_space<vmem>>) dst(%dma_wait3A_152 : memref<10000x16xf32, #tpu.memory_space<vmem_shared>>)
    %barrier3A_153 = arith.constant 0 : index
    tpu.barrier barrier_id(%barrier3A_153)
    "tpu.region"() ({
      %run_scoped3A = tpu.sem_alloc : memref<!tpu.dma_semaphore, #tpu.memory_space<semaphore_mem>>
      %dma_start3A_159 = arith.constant 0 : i32
      %dma_start3A_160 = tpu.memref_slice %arg7[%arg0, %mul3A_14, %dma_start3A_159] : memref<2x10000x128xf32, #tpu.memory_space<hbm>> -> memref<1x624x128xf32, #tpu.memory_space<hbm>>
      %dma_start3A_161 = tpu.memref_squeeze %dma_start3A_160 : memref<1x624x128xf32, #tpu.memory_space<hbm>> -> memref<624x128xf32, #tpu.memory_space<hbm>>
      %dma_start3A_162 = arith.constant 0 : i32
      %dma_start3A_163 = tpu.memref_slice %arg22[%mul3A_14, %dma_start3A_162] : memref<10000x128xf32, #tpu.memory_space<vmem_shared>> -> memref<624x128xf32, #tpu.memory_space<vmem_shared>>
      tpu.enqueue_dma source(%dma_start3A_163 : memref<624x128xf32, #tpu.memory_space<vmem_shared>>) target(%dma_start3A_161 : memref<624x128xf32, #tpu.memory_space<hbm>>) target_semaphore(%run_scoped3A : memref<!tpu.dma_semaphore, #tpu.memory_space<semaphore_mem>>)
      %dma_wait3A_164 = arith.constant 0 : i32
      %dma_wait3A_165 = tpu.memref_slice %arg7[%arg0, %mul3A_14, %dma_wait3A_164] : memref<2x10000x128xf32, #tpu.memory_space<hbm>> -> memref<1x624x128xf32, #tpu.memory_space<hbm>>
      %dma_wait3A_166 = tpu.memref_squeeze %dma_wait3A_165 : memref<1x624x128xf32, #tpu.memory_space<hbm>> -> memref<624x128xf32, #tpu.memory_space<hbm>>
      %dma_wait3A_167 = arith.constant 0 : i32
      %dma_wait3A_168 = tpu.memref_slice %arg22[%mul3A_14, %dma_wait3A_167] : memref<10000x128xf32, #tpu.memory_space<vmem_shared>> -> memref<624x128xf32, #tpu.memory_space<vmem_shared>>
      tpu.wait_dma2 semaphore(%run_scoped3A : memref<!tpu.dma_semaphore, #tpu.memory_space<semaphore_mem>>) src(%dma_wait3A_168 : memref<624x128xf32, #tpu.memory_space<vmem_shared>>) dst(%dma_wait3A_166 : memref<624x128xf32, #tpu.memory_space<hbm>>)
      tpu.yield
    }) : () -> ()
    "tpu.region"() ({
      %run_scoped3A = tpu.sem_alloc : memref<!tpu.dma_semaphore, #tpu.memory_space<semaphore_mem>>
      %dma_start3A_159 = arith.constant 0 : i32
      %dma_start3A_160 = tpu.memref_slice %arg8[%arg0, %mul3A_14, %dma_start3A_159] : memref<2x10000x16xf32, #tpu.memory_space<hbm>> -> memref<1x624x16xf32, #tpu.memory_space<hbm>>
      %dma_start3A_161 = tpu.memref_squeeze %dma_start3A_160 : memref<1x624x16xf32, #tpu.memory_space<hbm>> -> memref<624x16xf32, #tpu.memory_space<hbm>>
      %dma_start3A_162 = arith.constant 0 : i32
      %dma_start3A_163 = tpu.memref_slice %arg23[%mul3A_14, %dma_start3A_162] : memref<10000x16xf32, #tpu.memory_space<vmem_shared>> -> memref<624x16xf32, #tpu.memory_space<vmem_shared>>
      tpu.enqueue_dma source(%dma_start3A_163 : memref<624x16xf32, #tpu.memory_space<vmem_shared>>) target(%dma_start3A_161 : memref<624x16xf32, #tpu.memory_space<hbm>>) target_semaphore(%run_scoped3A : memref<!tpu.dma_semaphore, #tpu.memory_space<semaphore_mem>>)
      %dma_wait3A_164 = arith.constant 0 : i32
      %dma_wait3A_165 = tpu.memref_slice %arg8[%arg0, %mul3A_14, %dma_wait3A_164] : memref<2x10000x16xf32, #tpu.memory_space<hbm>> -> memref<1x624x16xf32, #tpu.memory_space<hbm>>
      %dma_wait3A_166 = tpu.memref_squeeze %dma_wait3A_165 : memref<1x624x16xf32, #tpu.memory_space<hbm>> -> memref<624x16xf32, #tpu.memory_space<hbm>>
      %dma_wait3A_167 = arith.constant 0 : i32
      %dma_wait3A_168 = tpu.memref_slice %arg23[%mul3A_14, %dma_wait3A_167] : memref<10000x16xf32, #tpu.memory_space<vmem_shared>> -> memref<624x16xf32, #tpu.memory_space<vmem_shared>>
      tpu.wait_dma2 semaphore(%run_scoped3A : memref<!tpu.dma_semaphore, #tpu.memory_space<semaphore_mem>>) src(%dma_wait3A_168 : memref<624x16xf32, #tpu.memory_space<vmem_shared>>) dst(%dma_wait3A_166 : memref<624x16xf32, #tpu.memory_space<hbm>>)
      tpu.yield
    }) : () -> ()
    %eq3A_154 = arith.constant 15 : i32
    %eq3A_155 = arith.cmpi eq, %arg1, %eq3A_154 : i32
    %convert_element_type3A_156 = arith.extui %eq3A_155 : i1 to i32
    %cond3A_157 = arith.constant 0 : i32
    %cond3A_158 = arith.cmpi ne, %convert_element_type3A_156, %cond3A_157 : i32
    scf.if %cond3A_158 {
      "tpu.region"() ({
        %run_scoped3A = tpu.sem_alloc : memref<!tpu.dma_semaphore, #tpu.memory_space<semaphore_mem>>
        %dma_start3A_159 = arith.constant 9984 : i32
        %dma_start3A_160 = arith.constant 0 : i32
        %dma_start3A_161 = tpu.memref_slice %arg7[%arg0, %dma_start3A_159, %dma_start3A_160] : memref<2x10000x128xf32, #tpu.memory_space<hbm>> -> memref<1x16x128xf32, #tpu.memory_space<hbm>>
        %dma_start3A_162 = tpu.memref_squeeze %dma_start3A_161 : memref<1x16x128xf32, #tpu.memory_space<hbm>> -> memref<16x128xf32, #tpu.memory_space<hbm>>
        %dma_start3A_163 = arith.constant 9984 : i32
        %dma_start3A_164 = arith.constant 0 : i32
        %dma_start3A_165 = tpu.memref_slice %arg22[%dma_start3A_163, %dma_start3A_164] : memref<10000x128xf32, #tpu.memory_space<vmem_shared>> -> memref<16x128xf32, #tpu.memory_space<vmem_shared>>
        tpu.enqueue_dma source(%dma_start3A_165 : memref<16x128xf32, #tpu.memory_space<vmem_shared>>) target(%dma_start3A_162 : memref<16x128xf32, #tpu.memory_space<hbm>>) target_semaphore(%run_scoped3A : memref<!tpu.dma_semaphore, #tpu.memory_space<semaphore_mem>>)
        %dma_wait3A_166 = arith.constant 9984 : i32
        %dma_wait3A_167 = arith.constant 0 : i32
        %dma_wait3A_168 = tpu.memref_slice %arg7[%arg0, %dma_wait3A_166, %dma_wait3A_167] : memref<2x10000x128xf32, #tpu.memory_space<hbm>> -> memref<1x16x128xf32, #tpu.memory_space<hbm>>
        %dma_wait3A_169 = tpu.memref_squeeze %dma_wait3A_168 : memref<1x16x128xf32, #tpu.memory_space<hbm>> -> memref<16x128xf32, #tpu.memory_space<hbm>>
        %dma_wait3A_170 = arith.constant 9984 : i32
        %dma_wait3A_171 = arith.constant 0 : i32
        %dma_wait3A_172 = tpu.memref_slice %arg22[%dma_wait3A_170, %dma_wait3A_171] : memref<10000x128xf32, #tpu.memory_space<vmem_shared>> -> memref<16x128xf32, #tpu.memory_space<vmem_shared>>
        tpu.wait_dma2 semaphore(%run_scoped3A : memref<!tpu.dma_semaphore, #tpu.memory_space<semaphore_mem>>) src(%dma_wait3A_172 : memref<16x128xf32, #tpu.memory_space<vmem_shared>>) dst(%dma_wait3A_169 : memref<16x128xf32, #tpu.memory_space<hbm>>)
        tpu.yield
      }) : () -> ()
      "tpu.region"() ({
        %run_scoped3A = tpu.sem_alloc : memref<!tpu.dma_semaphore, #tpu.memory_space<semaphore_mem>>
        %dma_start3A_159 = arith.constant 9984 : i32
        %dma_start3A_160 = arith.constant 0 : i32
        %dma_start3A_161 = tpu.memref_slice %arg8[%arg0, %dma_start3A_159, %dma_start3A_160] : memref<2x10000x16xf32, #tpu.memory_space<hbm>> -> memref<1x16x16xf32, #tpu.memory_space<hbm>>
        %dma_start3A_162 = tpu.memref_squeeze %dma_start3A_161 : memref<1x16x16xf32, #tpu.memory_space<hbm>> -> memref<16x16xf32, #tpu.memory_space<hbm>>
        %dma_start3A_163 = arith.constant 9984 : i32
        %dma_start3A_164 = arith.constant 0 : i32
        %dma_start3A_165 = tpu.memref_slice %arg23[%dma_start3A_163, %dma_start3A_164] : memref<10000x16xf32, #tpu.memory_space<vmem_shared>> -> memref<16x16xf32, #tpu.memory_space<vmem_shared>>
        tpu.enqueue_dma source(%dma_start3A_165 : memref<16x16xf32, #tpu.memory_space<vmem_shared>>) target(%dma_start3A_162 : memref<16x16xf32, #tpu.memory_space<hbm>>) target_semaphore(%run_scoped3A : memref<!tpu.dma_semaphore, #tpu.memory_space<semaphore_mem>>)
        %dma_wait3A_166 = arith.constant 9984 : i32
        %dma_wait3A_167 = arith.constant 0 : i32
        %dma_wait3A_168 = tpu.memref_slice %arg8[%arg0, %dma_wait3A_166, %dma_wait3A_167] : memref<2x10000x16xf32, #tpu.memory_space<hbm>> -> memref<1x16x16xf32, #tpu.memory_space<hbm>>
        %dma_wait3A_169 = tpu.memref_squeeze %dma_wait3A_168 : memref<1x16x16xf32, #tpu.memory_space<hbm>> -> memref<16x16xf32, #tpu.memory_space<hbm>>
        %dma_wait3A_170 = arith.constant 9984 : i32
        %dma_wait3A_171 = arith.constant 0 : i32
        %dma_wait3A_172 = tpu.memref_slice %arg23[%dma_wait3A_170, %dma_wait3A_171] : memref<10000x16xf32, #tpu.memory_space<vmem_shared>> -> memref<16x16xf32, #tpu.memory_space<vmem_shared>>
        tpu.wait_dma2 semaphore(%run_scoped3A : memref<!tpu.dma_semaphore, #tpu.memory_space<semaphore_mem>>) src(%dma_wait3A_172 : memref<16x16xf32, #tpu.memory_space<vmem_shared>>) dst(%dma_wait3A_169 : memref<16x16xf32, #tpu.memory_space<hbm>>)
        tpu.yield
      }) : () -> ()
    } else {
    }
    return
  }
}

module attributes {stable_mosaic.version = 14 : i64} {
  func.func @_prep_body(%arg0: i32, %arg1: memref<400x128xf32, #tpu.memory_space<vmem>>, %arg2: memref<12800x16xf32, #tpu.memory_space<vmem>>, %arg3: memref<128x128xf32, #tpu.memory_space<vmem>>, %arg4: memref<128x128xf32, #tpu.memory_space<vmem>>, %arg5: memref<16x128xf32, #tpu.memory_space<vmem>>, %arg6: memref<1x128xf32, #tpu.memory_space<vmem>>, %arg7: memref<400x128xf32, #tpu.memory_space<vmem>>, %arg8: memref<400x128xf32, #tpu.memory_space<vmem>>, %arg9: memref<12800x128xf32, #tpu.memory_space<vmem>>) attributes {dimension_semantics = [#tpu.dimension_semantics<arbitrary>], iteration_bounds = array<i64: 25>, scalar_prefetch = 0 : i64, scratch_operands = 0 : i64, tpu.core_type = #tpu.core_type<tc>, window_params = [{transform_indices = @transform_0, window_bounds = array<i64: 400, 128>}, {transform_indices = @transform_1, window_bounds = array<i64: 12800, 16>}, {pipeline_mode = #tpu.pipeline_mode<synchronous>, transform_indices = @transform_2, window_bounds = array<i64: 128, 128>}, {pipeline_mode = #tpu.pipeline_mode<synchronous>, transform_indices = @transform_3, window_bounds = array<i64: 128, 128>}, {pipeline_mode = #tpu.pipeline_mode<synchronous>, transform_indices = @transform_4, window_bounds = array<i64: 16, 128>}, {pipeline_mode = #tpu.pipeline_mode<synchronous>, transform_indices = @transform_5, window_bounds = array<i64: 1, 128>}, {transform_indices = @transform_6, window_bounds = array<i64: 400, 128>}, {transform_indices = @transform_7, window_bounds = array<i64: 400, 128>}, {transform_indices = @transform_8, window_bounds = array<i64: 12800, 128>}]} {
    %get3A = arith.constant 0 : index
    %get3A_0 = arith.constant 0 : index
    %get3A_1 = vector.load %arg1[%get3A, %get3A_0] : memref<400x128xf32, #tpu.memory_space<vmem>>, vector<400x128xf32>
    %get3A_2 = arith.constant 0 : index
    %get3A_3 = arith.constant 0 : index
    %get3A_4 = vector.load %arg3[%get3A_2, %get3A_3] : memref<128x128xf32, #tpu.memory_space<vmem>>, vector<128x128xf32>
    %dot_general3A = arith.constant dense<0.000000e+00> : vector<400x128xf32>
    %dot_general3A_5 = tpu.matmul %get3A_1, %get3A_4, %dot_general3A {dimension_numbers = #tpu.dot_dimension_numbers<[1], [0], [0], [1], [0, 0, 1, 1], [], []>, transpose_lhs_hint = false} : vector<400x128xf32>, vector<128x128xf32>, vector<400x128xf32> -> vector<400x128xf32>
    %swap3A = arith.constant 0 : index
    %swap3A_6 = arith.constant 0 : index
    %swap3A_7 = vector.load %arg7[%swap3A, %swap3A_6] : memref<400x128xf32, #tpu.memory_space<vmem>>, vector<400x128xf32>
    tpu.vector_store %arg7[%swap3A, %swap3A_6], %dot_general3A_5 {strides = array<i32>} : memref<400x128xf32, #tpu.memory_space<vmem>>, vector<400x128xf32>,
    %get3A_8 = arith.constant 0 : index
    %get3A_9 = arith.constant 0 : index
    %get3A_10 = vector.load %arg4[%get3A_8, %get3A_9] : memref<128x128xf32, #tpu.memory_space<vmem>>, vector<128x128xf32>
    %dot_general3A_11 = arith.constant dense<0.000000e+00> : vector<400x128xf32>
    %dot_general3A_12 = tpu.matmul %get3A_1, %get3A_10, %dot_general3A_11 {dimension_numbers = #tpu.dot_dimension_numbers<[1], [0], [0], [1], [0, 0, 1, 1], [], []>, transpose_lhs_hint = false} : vector<400x128xf32>, vector<128x128xf32>, vector<400x128xf32> -> vector<400x128xf32>
    %swap3A_13 = arith.constant 0 : index
    %swap3A_14 = arith.constant 0 : index
    %swap3A_15 = vector.load %arg8[%swap3A_13, %swap3A_14] : memref<400x128xf32, #tpu.memory_space<vmem>>, vector<400x128xf32>
    tpu.vector_store %arg8[%swap3A_13, %swap3A_14], %dot_general3A_12 {strides = array<i32>} : memref<400x128xf32, #tpu.memory_space<vmem>>, vector<400x128xf32>,
    %get3A_16 = arith.constant 0 : index
    %get3A_17 = arith.constant 0 : index
    %get3A_18 = vector.load %arg2[%get3A_16, %get3A_17] : memref<12800x16xf32, #tpu.memory_space<vmem>>, vector<12800x16xf32>
    %get3A_19 = arith.constant 0 : index
    %get3A_20 = arith.constant 0 : index
    %get3A_21 = vector.load %arg5[%get3A_19, %get3A_20] : memref<16x128xf32, #tpu.memory_space<vmem>>, vector<16x128xf32>
    %dot_general3A_22 = arith.constant dense<0.000000e+00> : vector<12800x128xf32>
    %dot_general3A_23 = tpu.matmul %get3A_18, %get3A_21, %dot_general3A_22 {dimension_numbers = #tpu.dot_dimension_numbers<[1], [0], [0], [1], [0, 0, 1, 1], [], []>, transpose_lhs_hint = false} : vector<12800x16xf32>, vector<16x128xf32>, vector<12800x128xf32> -> vector<12800x128xf32>
    %get3A_24 = arith.constant 0 : index
    %get3A_25 = arith.constant 0 : index
    %get3A_26 = vector.load %arg6[%get3A_24, %get3A_25] : memref<1x128xf32, #tpu.memory_space<vmem>>, vector<1x128xf32>
    %add3A = vector.broadcast %get3A_26 : vector<1x128xf32> to vector<12800x128xf32>
    %add3A_27 = arith.addf %dot_general3A_23, %add3A : vector<12800x128xf32>
    %swap3A_28 = arith.constant 0 : index
    %swap3A_29 = arith.constant 0 : index
    %swap3A_30 = vector.load %arg9[%swap3A_28, %swap3A_29] : memref<12800x128xf32, #tpu.memory_space<vmem>>, vector<12800x128xf32>
    tpu.vector_store %arg9[%swap3A_28, %swap3A_29], %add3A_27 {strides = array<i32>} : memref<12800x128xf32, #tpu.memory_space<vmem>>, vector<12800x128xf32>,
    return
  }
  func.func @transform_0(%arg0: i32) -> (i32, i32) {
    %c0_i32 = arith.constant 0 : i32
    %c0_i32_0 = arith.constant 0 : i32
    return %arg0, %c0_i32 : i32, i32
  }
  func.func @transform_1(%arg0: i32) -> (i32, i32) {
    %c0_i32 = arith.constant 0 : i32
    %c0_i32_0 = arith.constant 0 : i32
    return %arg0, %c0_i32 : i32, i32
  }
  func.func @transform_2(%arg0: i32) -> (i32, i32) {
    %c0_i32 = arith.constant 0 : i32
    %c0_i32_0 = arith.constant 0 : i32
    %c0_i32_1 = arith.constant 0 : i32
    return %c0_i32, %c0_i32_0 : i32, i32
  }
  func.func @transform_3(%arg0: i32) -> (i32, i32) {
    %c0_i32 = arith.constant 0 : i32
    %c0_i32_0 = arith.constant 0 : i32
    %c0_i32_1 = arith.constant 0 : i32
    return %c0_i32, %c0_i32_0 : i32, i32
  }
  func.func @transform_4(%arg0: i32) -> (i32, i32) {
    %c0_i32 = arith.constant 0 : i32
    %c0_i32_0 = arith.constant 0 : i32
    %c0_i32_1 = arith.constant 0 : i32
    return %c0_i32, %c0_i32_0 : i32, i32
  }
  func.func @transform_5(%arg0: i32) -> (i32, i32) {
    %c0_i32 = arith.constant 0 : i32
    %c0_i32_0 = arith.constant 0 : i32
    %c0_i32_1 = arith.constant 0 : i32
    return %c0_i32, %c0_i32_0 : i32, i32
  }
  func.func @transform_6(%arg0: i32) -> (i32, i32) {
    %c0_i32 = arith.constant 0 : i32
    %c0_i32_0 = arith.constant 0 : i32
    return %arg0, %c0_i32 : i32, i32
  }
  func.func @transform_7(%arg0: i32) -> (i32, i32) {
    %c0_i32 = arith.constant 0 : i32
    %c0_i32_0 = arith.constant 0 : i32
    return %arg0, %c0_i32 : i32, i32
  }
  func.func @transform_8(%arg0: i32) -> (i32, i32) {
    %c0_i32 = arith.constant 0 : i32
    %c0_i32_0 = arith.constant 0 : i32
    return %arg0, %c0_i32 : i32, i32
  }
}

module attributes {stable_mosaic.version = 14 : i64} {
  func.func @_update_body(%arg0: i32, %arg1: memref<1000x128xf32, #tpu.memory_space<vmem>>, %arg2: memref<2x1000x128xf32, #tpu.memory_space<vmem>>, %arg3: memref<2x1000x16xf32, #tpu.memory_space<vmem>>, %arg4: memref<128x128xf32, #tpu.memory_space<vmem>>, %arg5: memref<1x128xf32, #tpu.memory_space<vmem>>, %arg6: memref<128x128xf32, #tpu.memory_space<vmem>>, %arg7: memref<128x128xf32, #tpu.memory_space<vmem>>, %arg8: memref<1x128xf32, #tpu.memory_space<vmem>>, %arg9: memref<128x128xf32, #tpu.memory_space<vmem>>, %arg10: memref<1x128xf32, #tpu.memory_space<vmem>>, %arg11: memref<1000x128xf32, #tpu.memory_space<vmem>>) attributes {dimension_semantics = [#tpu.dimension_semantics<arbitrary>], iteration_bounds = array<i64: 10>, scalar_prefetch = 0 : i64, scratch_operands = 0 : i64, tpu.core_type = #tpu.core_type<tc>, window_params = [{transform_indices = @transform_0, window_bounds = array<i64: 1000, 128>}, {transform_indices = @transform_1, window_bounds = array<i64: 2, 1000, 128>}, {transform_indices = @transform_2, window_bounds = array<i64: 2, 1000, 16>}, {pipeline_mode = #tpu.pipeline_mode<synchronous>, transform_indices = @transform_3, window_bounds = array<i64: 128, 128>}, {pipeline_mode = #tpu.pipeline_mode<synchronous>, transform_indices = @transform_4, window_bounds = array<i64: 1, 128>}, {pipeline_mode = #tpu.pipeline_mode<synchronous>, transform_indices = @transform_5, window_bounds = array<i64: 128, 128>}, {pipeline_mode = #tpu.pipeline_mode<synchronous>, transform_indices = @transform_6, window_bounds = array<i64: 128, 128>}, {pipeline_mode = #tpu.pipeline_mode<synchronous>, transform_indices = @transform_7, window_bounds = array<i64: 1, 128>}, {pipeline_mode = #tpu.pipeline_mode<synchronous>, transform_indices = @transform_8, window_bounds = array<i64: 128, 128>}, {pipeline_mode = #tpu.pipeline_mode<synchronous>, transform_indices = @transform_9, window_bounds = array<i64: 1, 128>}, {transform_indices = @transform_10, window_bounds = array<i64: 1000, 128>}]} {
    %get3A = arith.constant 0 : index
    %get3A_0 = arith.constant 0 : index
    %get3A_1 = arith.constant 0 : index
    %get3A_2 = vector.load %arg2[%get3A, %get3A_0, %get3A_1] : memref<2x1000x128xf32, #tpu.memory_space<vmem>>, vector<1x1000x128xf32>
    %get3A_3 = vector.shape_cast %get3A_2 : vector<1x1000x128xf32> to vector<1000x128xf32>
    %get3A_4 = arith.constant 1 : index
    %get3A_5 = arith.constant 0 : index
    %get3A_6 = arith.constant 0 : index
    %get3A_7 = vector.load %arg2[%get3A_4, %get3A_5, %get3A_6] : memref<2x1000x128xf32, #tpu.memory_space<vmem>>, vector<1x1000x128xf32>
    %get3A_8 = vector.shape_cast %get3A_7 : vector<1x1000x128xf32> to vector<1000x128xf32>
    %add3A = arith.addf %get3A_3, %get3A_8 : vector<1000x128xf32>
    %get3A_9 = arith.constant 0 : index
    %get3A_10 = arith.constant 0 : index
    %get3A_11 = arith.constant 0 : index
    %get3A_12 = vector.load %arg3[%get3A_9, %get3A_10, %get3A_11] : memref<2x1000x16xf32, #tpu.memory_space<vmem>>, vector<1x1000x1xf32>
    %get3A_13 = vector.shape_cast %get3A_12 : vector<1x1000x1xf32> to vector<1000x1xf32>
    %get3A_14 = arith.constant 1 : index
    %get3A_15 = arith.constant 0 : index
    %get3A_16 = arith.constant 0 : index
    %get3A_17 = vector.load %arg3[%get3A_14, %get3A_15, %get3A_16] : memref<2x1000x16xf32, #tpu.memory_space<vmem>>, vector<1x1000x1xf32>
    %get3A_18 = vector.shape_cast %get3A_17 : vector<1x1000x1xf32> to vector<1000x1xf32>
    %add3A_19 = arith.addf %get3A_13, %get3A_18 : vector<1000x1xf32>
    %get3A_20 = arith.constant 0 : index
    %get3A_21 = arith.constant 0 : index
    %get3A_22 = vector.load %arg4[%get3A_20, %get3A_21] : memref<128x128xf32, #tpu.memory_space<vmem>>, vector<128x128xf32>
    %dot_general3A = arith.constant dense<0.000000e+00> : vector<1000x128xf32>
    %dot_general3A_23 = tpu.matmul %add3A, %get3A_22, %dot_general3A {dimension_numbers = #tpu.dot_dimension_numbers<[1], [0], [0], [1], [0, 0, 1, 1], [], []>, transpose_lhs_hint = false} : vector<1000x128xf32>, vector<128x128xf32>, vector<1000x128xf32> -> vector<1000x128xf32>
    %get3A_24 = arith.constant 0 : index
    %get3A_25 = arith.constant 0 : index
    %get3A_26 = vector.load %arg5[%get3A_24, %get3A_25] : memref<1x128xf32, #tpu.memory_space<vmem>>, vector<1x128xf32>
    %mul3A = vector.broadcast %add3A_19 : vector<1000x1xf32> to vector<1000x128xf32>
    %mul3A_27 = vector.broadcast %get3A_26 : vector<1x128xf32> to vector<1000x128xf32>
    %mul3A_28 = arith.mulf %mul3A, %mul3A_27 : vector<1000x128xf32>
    %add3A_29 = arith.addf %dot_general3A_23, %mul3A_28 : vector<1000x128xf32>
    %get3A_30 = arith.constant 0 : index
    %get3A_31 = arith.constant 0 : index
    %get3A_32 = vector.load %arg1[%get3A_30, %get3A_31] : memref<1000x128xf32, #tpu.memory_space<vmem>>, vector<1000x128xf32>
    %get3A_33 = arith.constant 0 : index
    %get3A_34 = arith.constant 0 : index
    %get3A_35 = vector.load %arg6[%get3A_33, %get3A_34] : memref<128x128xf32, #tpu.memory_space<vmem>>, vector<128x128xf32>
    %dot_general3A_36 = arith.constant dense<0.000000e+00> : vector<1000x128xf32>
    %dot_general3A_37 = tpu.matmul %get3A_32, %get3A_35, %dot_general3A_36 {dimension_numbers = #tpu.dot_dimension_numbers<[1], [0], [0], [1], [0, 0, 1, 1], [], []>, transpose_lhs_hint = false} : vector<1000x128xf32>, vector<128x128xf32>, vector<1000x128xf32> -> vector<1000x128xf32>
    %get3A_38 = arith.constant 0 : index
    %get3A_39 = arith.constant 0 : index
    %get3A_40 = vector.load %arg7[%get3A_38, %get3A_39] : memref<128x128xf32, #tpu.memory_space<vmem>>, vector<128x128xf32>
    %dot_general3A_41 = arith.constant dense<0.000000e+00> : vector<1000x128xf32>
    %dot_general3A_42 = tpu.matmul %add3A_29, %get3A_40, %dot_general3A_41 {dimension_numbers = #tpu.dot_dimension_numbers<[1], [0], [0], [1], [0, 0, 1, 1], [], []>, transpose_lhs_hint = false} : vector<1000x128xf32>, vector<128x128xf32>, vector<1000x128xf32> -> vector<1000x128xf32>
    %add3A_43 = arith.addf %dot_general3A_37, %dot_general3A_42 : vector<1000x128xf32>
    %get3A_44 = arith.constant 0 : index
    %get3A_45 = arith.constant 0 : index
    %get3A_46 = vector.load %arg8[%get3A_44, %get3A_45] : memref<1x128xf32, #tpu.memory_space<vmem>>, vector<1x128xf32>
    %add3A_47 = vector.broadcast %get3A_46 : vector<1x128xf32> to vector<1000x128xf32>
    %add3A_48 = arith.addf %add3A_43, %add3A_47 : vector<1000x128xf32>
    %max3A = arith.constant 0.000000e+00 : f32
    %max3A_49 = vector.broadcast %max3A : f32 to vector<1000x128xf32>
    %max3A_50 = arith.maximumf %add3A_48, %max3A_49 : vector<1000x128xf32>
    %get3A_51 = arith.constant 0 : index
    %get3A_52 = arith.constant 0 : index
    %get3A_53 = vector.load %arg9[%get3A_51, %get3A_52] : memref<128x128xf32, #tpu.memory_space<vmem>>, vector<128x128xf32>
    %dot_general3A_54 = arith.constant dense<0.000000e+00> : vector<1000x128xf32>
    %dot_general3A_55 = tpu.matmul %max3A_50, %get3A_53, %dot_general3A_54 {dimension_numbers = #tpu.dot_dimension_numbers<[1], [0], [0], [1], [0, 0, 1, 1], [], []>, transpose_lhs_hint = false} : vector<1000x128xf32>, vector<128x128xf32>, vector<1000x128xf32> -> vector<1000x128xf32>
    %add3A_56 = arith.addf %get3A_32, %dot_general3A_55 : vector<1000x128xf32>
    %get3A_57 = arith.constant 0 : index
    %get3A_58 = arith.constant 0 : index
    %get3A_59 = vector.load %arg10[%get3A_57, %get3A_58] : memref<1x128xf32, #tpu.memory_space<vmem>>, vector<1x128xf32>
    %add3A_60 = vector.broadcast %get3A_59 : vector<1x128xf32> to vector<1000x128xf32>
    %add3A_61 = arith.addf %add3A_56, %add3A_60 : vector<1000x128xf32>
    %swap3A = arith.constant 0 : index
    %swap3A_62 = arith.constant 0 : index
    %swap3A_63 = vector.load %arg11[%swap3A, %swap3A_62] : memref<1000x128xf32, #tpu.memory_space<vmem>>, vector<1000x128xf32>
    tpu.vector_store %arg11[%swap3A, %swap3A_62], %add3A_61 {strides = array<i32>} : memref<1000x128xf32, #tpu.memory_space<vmem>>, vector<1000x128xf32>,
    return
  }
  func.func @transform_0(%arg0: i32) -> (i32, i32) {
    %c0_i32 = arith.constant 0 : i32
    %c0_i32_0 = arith.constant 0 : i32
    return %arg0, %c0_i32 : i32, i32
  }
  func.func @transform_1(%arg0: i32) -> (i32, i32, i32) {
    %c0_i32 = arith.constant 0 : i32
    %c0_i32_0 = arith.constant 0 : i32
    %c0_i32_1 = arith.constant 0 : i32
    return %c0_i32, %arg0, %c0_i32_0 : i32, i32, i32
  }
  func.func @transform_2(%arg0: i32) -> (i32, i32, i32) {
    %c0_i32 = arith.constant 0 : i32
    %c0_i32_0 = arith.constant 0 : i32
    %c0_i32_1 = arith.constant 0 : i32
    return %c0_i32, %arg0, %c0_i32_0 : i32, i32, i32
  }
  func.func @transform_3(%arg0: i32) -> (i32, i32) {
    %c0_i32 = arith.constant 0 : i32
    %c0_i32_0 = arith.constant 0 : i32
    %c0_i32_1 = arith.constant 0 : i32
    return %c0_i32, %c0_i32_0 : i32, i32
  }
  func.func @transform_4(%arg0: i32) -> (i32, i32) {
    %c0_i32 = arith.constant 0 : i32
    %c0_i32_0 = arith.constant 0 : i32
    %c0_i32_1 = arith.constant 0 : i32
    return %c0_i32, %c0_i32_0 : i32, i32
  }
  func.func @transform_5(%arg0: i32) -> (i32, i32) {
    %c0_i32 = arith.constant 0 : i32
    %c0_i32_0 = arith.constant 0 : i32
    %c0_i32_1 = arith.constant 0 : i32
    return %c0_i32, %c0_i32_0 : i32, i32
  }
  func.func @transform_6(%arg0: i32) -> (i32, i32) {
    %c0_i32 = arith.constant 0 : i32
    %c0_i32_0 = arith.constant 0 : i32
    %c0_i32_1 = arith.constant 0 : i32
    return %c0_i32, %c0_i32_0 : i32, i32
  }
  func.func @transform_7(%arg0: i32) -> (i32, i32) {
    %c0_i32 = arith.constant 0 : i32
    %c0_i32_0 = arith.constant 0 : i32
    %c0_i32_1 = arith.constant 0 : i32
    return %c0_i32, %c0_i32_0 : i32, i32
  }
  func.func @transform_8(%arg0: i32) -> (i32, i32) {
    %c0_i32 = arith.constant 0 : i32
    %c0_i32_0 = arith.constant 0 : i32
    %c0_i32_1 = arith.constant 0 : i32
    return %c0_i32, %c0_i32_0 : i32, i32
  }
  func.func @transform_9(%arg0: i32) -> (i32, i32) {
    %c0_i32 = arith.constant 0 : i32
    %c0_i32_0 = arith.constant 0 : i32
    %c0_i32_1 = arith.constant 0 : i32
    return %c0_i32, %c0_i32_0 : i32, i32
  }
  func.func @transform_10(%arg0: i32) -> (i32, i32) {
    %c0_i32 = arith.constant 0 : i32
    %c0_i32_0 = arith.constant 0 : i32
    return %arg0, %c0_i32 : i32, i32
  }
}

</mosaic_0001>

<sc_bundles>
// kernel: kernel.5.cloned.1.call-start
scs
__scs_entry_jumppad:
0x0: {  	(pc) =	sbr.rel $0x88, $3  }
0x1: {  	(tag) =	ssettag $0x0;
	lr =	simm.s32 $0x1  }
0x2: {  	[smem:$0x3F96] =	sst lr;
	_ =	strace $0xD0000000  }
0x3: {  	_ = 	snop  }
0x4: {  	_ = 	snop  }
0x5: {  	_ = 	snop  }
0x6: {  	_ = 	snop  }
0x7: {  	_ = 	snop  }
__scs_overlays_trampoline_lowered:
0x8: {  	[smem:$0x3FA5] =	sst s0  }
0x9: {  	[smem:$0x3FA6] =	sst s1  }
0xa: {  	[smem:$0x3FA7] =	sst s2  }
0xb: {  	[smem:$0x3FA8] =	sst s3  }
0xc: {  	[smem:$0x3FA9] =	sst s4  }
0xd: {  	[smem:$0x3FAA] =	sst s5  }
0xe: {  	[smem:$0x3FAB] =	sst s6  }
0xf: {  	[smem:$0x3FAC] =	sst s7  }
0x10: {  	[smem:$0x3FAD] =	sst s8  }
0x11: {  	[smem:$0x3FAE] =	sst s9;
	s0 =	simm.s32 @!p0 $0x0  }
0x12: {  	s1 =	sld [smem:$0x3F94];
	s0 =	simm.s32 @p0 $0x1  }
0x13: {  	[smem:$0x3FAF] =	sst s0;
	s0 =	simm.s32 @!p1 $0x0  }
0x14: {  	s2 =	sld [smem:$0x3F93];
	s0 =	simm.s32 @p1 $0x1  }
0x15: {  	[smem:$0x3FB0] =	sst s0;
	s0 =	simm.s32 @!p2 $0x0  }
0x16: {  	s3 =	sld [smem:$0x3FDB];
	s0 =	simm.s32 @p2 $0x1  }
0x17: {  	s4 =	simm.s32 $0x1BF5;
	[smem:$0x3FB2] =	sst s0  }
0x18: {  	s0 =	sld [smem:$0x3F95];
	_ =	swait.ge [sflag:s4], $0x0  }
0x19: {  	s7 =	sld [smem:$0x3F96]  }
0x1a: {  	s8 =	sadd.s32 $0xFFFFE003, lr  }
0x1b: {  	s9 =	sadd.s32 $0xFFFFFEF7, lr;
	s5 =	simm.s32 $0xFFFFFFFF;
	p2 =	slt.u32 s8, $0xFFFFF086  }
0x1c: {  	p1 =	slt.u32 s9, $0xF7A;
	s5 =	simm.s32 @!p2 $0x0  }
0x1d: {  	s5 =	simm.s32 @p1 $0x1;
	p0 =	seq.s32 s7, s2  }
0x1e: {  	s7 =	smul.u32 @!p0 $0xF7A, s2;
	p2 =	seq.s32 @!p0 s5, $0x0  }
0x1f: {  	s9 =	smul.u32 $0xF7A, s1;
	s8 =	simm.s32 @!p0 $0x1BF5;
	p2 =	por !p2, p0  }
0x20: {  	[sflag:s8] =	ssyncset.s32 @!p0 $0xFFFFF086;
	s6 =	sadd.s32 @!p0 s3, s7;
	s7 =	simm.s32 @!p0 $0x108  }
0x21: {  	s3 =	sadd.s32 s3, s9;
	s6 =	sadd.s32 @!p0 $0x88, s6;
	s7 =	simm.s32 @p2 $0x1082  }
0x22: {  	[simem:s7], [sflag:s8] =	dma.local @!p0 [hbm:s6], $0xF7A  }
0x23: {  	s9 =	sor.u32 $0xD0000000, s2;
	s6 =	simm.s32 $0x108;
	_ =	swait.ge @!p0 [sflag:s8], $0x0  }
0x24: {  	s3 =	sadd.s32 $0x88, s3;
	s6 =	simm.s32 @!p1 $0x1082;
	[sflag:s4] =	ssyncset.s32 $0xFFFFF086  }
0x25: {  	[simem:s6], [sflag:s4] =	dma.local [hbm:s3], $0xF7A  }
0x26: {  	[smem:$0x3F96] =	sst s1;
	(tag) =	ssettag s2;
	_ =	strace s9  }
0x27: {  	s1 =	sld [smem:$0x3FA6]  }
0x28: {  	s2 =	sld [smem:$0x3FA7]  }
0x29: {  	s4 =	sld [smem:$0x3FA9]  }
0x2a: {  	p0 =	seq.s32 s5, $0x0;
	s5 =	sld [smem:$0x3FAA]  }
0x2b: {  	s6 =	sld [smem:$0x3FAB]  }
0x2c: {  	s7 =	sld [smem:$0x3FAC]  }
0x2d: {  	s3 =	simm.s32 $0x108;
	s8 =	sld [smem:$0x3FAD]  }
0x2e: {  	s3 =	simm.s32 @!p0 $0x1082;
	s9 =	sld [smem:$0x3FAE]  }
0x2f: {  	lr =	sadd.s32 s0, s3;
	s0 =	sld [smem:$0x3FA5]  }
0x30: {  	s3 =	sld [smem:$0x3FA8]  }
0x31: {  	[smem:$0x3FB1] =	sst s10  }
0x32: {  	s10 =	sld [smem:$0x3FAF];
	_ =	sdelay $0x3  }
0x33: {  	p0 =	seq.s32 s10, $0x1;
	s10 =	sld [smem:$0x3FB1];
	_ =	sdelay $0x3  }
0x34: {  	[smem:$0x3FB1] =	sst s10  }
0x35: {  	s10 =	sld [smem:$0x3FB0];
	_ =	sdelay $0x3  }
0x36: {  	p1 =	seq.s32 s10, $0x1;
	s10 =	sld [smem:$0x3FB1];
	_ =	sdelay $0x3  }
0x37: {  	[smem:$0x3FB1] =	sst s10  }
0x38: {  	s10 =	sld [smem:$0x3FB2]  }
0x39: {  	_ = 	snop;
	(pc) =	sbr.ind lr, $3  }
0x3a: {  	_ = 	snop  }
0x3b: {  	_ = 	snop  }
0x3c: {  	p2 =	seq.s32 s10, $0x1;
	s10 =	sld [smem:$0x3FB1]  }
0x3d: {  	_ =	shalt  }
0x3e: {  	_ =	shalt  }
0x3f: {  	_ =	shalt  }
0x40: {  	_ =	shalt  }
0x41: {  	_ =	shalt  }
0x42: {  	_ =	shalt  }
0x43: {  	_ =	shalt  }
0x44: {  	_ =	shalt  }
0x45: {  	_ =	shalt  }
0x46: {  	_ =	shalt  }
0x47: {  	_ =	shalt  }
0x48: {  	_ =	shalt  }
0x49: {  	_ =	shalt  }
0x4a: {  	_ =	shalt  }
0x4b: {  	_ =	shalt  }
0x4c: {  	_ =	shalt  }
0x4d: {  	_ =	shalt  }
0x4e: {  	_ =	shalt  }
0x4f: {  	_ =	shalt  }
0x50: {  	_ =	shalt  }
0x51: {  	_ =	shalt  }
0x52: {  	_ =	shalt  }
0x53: {  	_ =	shalt  }
0x54: {  	_ =	shalt  }
0x55: {  	_ =	shalt  }
0x56: {  	_ =	shalt  }
0x57: {  	_ =	shalt  }
0x58: {  	_ =	shalt  }
0x59: {  	_ =	shalt  }
0x5a: {  	_ =	shalt  }
0x5b: {  	_ =	shalt  }
0x5c: {  	_ =	shalt  }
0x5d: {  	_ =	shalt  }
0x5e: {  	_ =	shalt  }
0x5f: {  	_ =	shalt  }
0x60: {  	_ =	shalt  }
0x61: {  	_ =	shalt  }
0x62: {  	_ =	shalt  }
0x63: {  	_ =	shalt  }
0x64: {  	_ =	shalt  }
0x65: {  	_ =	shalt  }
0x66: {  	_ =	shalt  }
0x67: {  	_ =	shalt  }
0x68: {  	_ =	shalt  }
0x69: {  	_ =	shalt  }
0x6a: {  	_ =	shalt  }
0x6b: {  	_ =	shalt  }
0x6c: {  	_ =	shalt  }
0x6d: {  	_ =	shalt  }
0x6e: {  	_ =	shalt  }
0x6f: {  	_ =	shalt  }
0x70: {  	_ =	shalt  }
0x71: {  	_ =	shalt  }
0x72: {  	_ =	shalt  }
0x73: {  	_ =	shalt  }
0x74: {  	_ =	shalt  }
0x75: {  	_ =	shalt  }
0x76: {  	_ =	shalt  }
0x77: {  	_ =	shalt  }
0x78: {  	_ =	shalt  }
0x79: {  	_ =	shalt  }
0x7a: {  	_ =	shalt  }
0x7b: {  	_ =	shalt  }
0x7c: {  	_ =	shalt  }
0x7d: {  	_ =	shalt  }
0x7e: {  	_ =	shalt  }
0x7f: {  	_ =	shalt  }
0x80: {  	_ =	shalt  }
0x81: {  	_ =	shalt  }
0x82: {  	_ =	shalt  }
0x83: {  	_ =	shalt  }
0x84: {  	_ =	shalt  }
0x85: {  	_ =	shalt  }
0x86: {  	_ =	shalt  }
0x87: {  	_ =	shalt  }
.Lfunc_end0:
.L_simem_size_0:
called_computation_lowered:
.L_overlay_start_0:
0x88: {  	s2 =	sld [smem:$0x3FD9]  }
0x89: {  	s3 =	sld [smem:$0x3FFE];
	_ =	sdelay $0x1  }
0x8a: {  	s1 =	srdreg.scid  }
0x8b: {  	s0 =	sand.u32 $0x1, s1  }
0x8c: {  	s17 =	sshll.u32 s0, $0xA;
	s2 =	sadd.s32 s3, s2  }
0x8d: {  	s2 =	sadd.s32 s2, s17  }
0x8e: {  	[smem:$0x3FBD] =	sst s2  }
0x8f: {  	_ = 	snop  }
0x90: {  	s2 =	sld [smem:$0x3FD0];
	(tm) =	ssettm $0x1  }
0x91: {  	s18 =	sld [smem:$0x3FFB];
	_ =	sdelay $0x3  }
0x92: {  	_ =	strace s18  }
0x93: {  	s3 =	sld [smem:$0x3FFC];
	_ =	sdelay $0x3  }
0x94: {  	_ =	strace s3  }
0x95: {  	s3 =	sld [smem:$0x3FFD];
	_ =	sdelay $0x3  }
0x96: {  	_ =	strace s3  }
0x97: {  	_ =	strace $0x8FFFFFFF  }
0x98: {  	s19 =	sld [smem:$0x3FDB];
	_ =	sdelay $0x1  }
0x99: {  	s4 =	simm.s32 $_scs_section_size  }
0x9a: {  	s5 =	simm.s32 $_size__tile_overlayer_lowered;
	s6 =	simm.s32 $_tile_overlayer_lowered  }
0x9b: {  	s22 =	simm.s32 $0x1BFF;
	s21 =	sshll.u32 s6, $0x1;
	s3 =	sadd.s32 s4, s19  }
0x9c: {  	s7 =	simm.s32 $0x0;
	s20 =	sshll.u32 s5, $0x1;
	s5 =	sadd.s32 s21, s3  }
0x9d: {  	[timem:s7], [sflag:s22] =	dma.local [hbm:s5], s20  }
0x9e: {  	_ =	swait.ge [sflag:s22], s20  }
0x9f: {  	s4 =	ssub.s32 $0x0, s20;
	[sflag:s22] =	ssyncset.done $0x0  }
0xa0: {  	[sflag:s22] =	ssyncadd.s32 s4;
	_ =	sdelay $0x1  }
0xa1: {  	s23 =	simm.s32 $0x1B8B  }
0xa2: {  	_ =	swait.ge [sflag:s23], $0x1  }
0xa3: {  	[sflag:s23] =	ssyncset.done $0x0  }
0xa4: {  	s25 =	simm.s32 $0x1B8E;
	s24 =	sld [smem:$0x3FFE];
	[sflag:s23] =	ssyncadd.s32 $0xFFFFFFFF  }
0xa5: {  	s26 =	simm.s32 $execute0_lowered;
	[smem:$0x3FD2] =	sst s25  }
0xa6: {  	s5 =	sshll.u32 s26, $0x1;
	_ =	strace $0x80000046;
	[dreg:$0x1] =	wrdreg $0xFFFFFFFF  }
0xa7: {  	s28 =	simm.s32 $_size_execute0_lowered;
	s3 =	sadd.s32 s3, s5;
	[dreg:$0x0] =	wrdreg $0x0  }
0xa8: {  	s5 =	sshll.u32 s28, $0x1;
	[dreg:$0x2] =	wrdreg s3  }
0xa9: {  	[dreg:$0x3] =	wrdreg s5  }
0xaa: {  	[dreg:$0x4] =	wrdreg $0xC0  }
0xab: {  	_ =	task [dreg:s7], $0x5FFFF  }
0xac: {  	[dreg:$0x1] =	wrdreg $0xFFFFFFFF  }
0xad: {  	[dreg:$0x0] =	wrdreg $0x60  }
0xae: {  	[dreg:$0x2] =	wrdreg s2  }
0xaf: {  	[dreg:$0x3] =	wrdreg s24  }
0xb0: {  	[dreg:$0x4] =	wrdreg $0x7B700  }
0xb1: {  	[dreg:$0x5] =	wrdreg $0x1B3F00  }
0xb2: {  	[dreg:$0x6] =	wrdreg $0x9  }
0xb3: {  	_ =	task.clear_ibuf [dreg:s7], $0x7FFFF;
	_ =	strace $0x90000046  }
0xb4: {  	s29 =	simm.s32 $0x9;
	_ =	strace $0x80000048  }
0xb5: {  	_ =	swait.ge [sflag:s29], $0x1  }
0xb6: {  	[sflag:s29] =	ssyncadd.s32 $0xFFFFFFFF  }
0xb7: {  	_ =	strace $0x90000048  }
0xb8: {  	_ =	sfence  }
0xb9: {  	s30 =	sld [smem:$0x0];
	_ =	sdelay $0x2  }
0xba: {  	s31 =	sshll.u32 s1, $0xD;
	s1 =	sshrl.u32 s1, $0x2  }
0xbb: {  	s3 =	sand.u32 $0x4000, s31;
	s1 =	sadd.s32 s1, s30  }
0xbc: {  	s0 =	sor.u32 s3, s0;
	s1 =	sshll.u32 s1, $0x11  }
0xbd: {  	s0 =	sor.u32 s1, s0  }
0xbe: {  	s0 =	sadd.s32 $0x8F2B, s0  }
0xbf: {  	[sflag:s0] =	ssyncadd.remote.s32 $0x1  }
0xc0: {  	_ =	sfence.sel $0xFFFF  }
0xc1: {  	[dreg:$0x0] =	wrdreg $0xFFFFFFFF;
	(pc) =	sbr.abs _section_cstart, $3  }
0xc2: {  	[dreg:$0x1] =	wrdreg $0xFFFFFFFF  }
0xc3: {  	_ =	task.clear_ibuf [dreg:s7], $0x2FFFF;
	_ =	strace $0x9FFFFFFF  }
0xc4: {  	(tm) =	ssettm $0x7FFFFFFF  }
0xc5: {  	_ =	shalt  }
tec
execute0_lowered:
.L_overlay_start_1:
0x0: {  	(tag) =	ssettag $0x1  }
0x1: {  	s1 =	rddreg [dreg:$0x0]  }
0x2: {  	s0 =	rddreg [dreg:$0x1]  }
0x3: {  	s2 =	rddreg [dreg:$0x2]  }
0x4: {  	s3 =	rddreg [dreg:$0x3]  }
0x5: {  	s4 =	simm.s32 $0x0;
	s6 =	srdreg.scid;
	s28 =	simm.s32 $0xC8  }
0x6: {  	[smem:$0x7FF] =	sst s4;
	s5 =	sadd.s32 $0x2400, s0;
	s7 =	sadd.s32 $0x4F8000, s0  }
0x7: {  	s20 =	stileid.u32;
	s8 =	sadd.s32 $0x4EE200, s0;
	s9 =	sadd.s32 $0x4E4400, s0  }
0x8: {  	s11 =	sadd.s32 $0x33400, s0;
	s12 =	sand.u32 $0x1, s6;
	s10 =	smul.u32 $0x270, s20  }
0x9: {  	s13 =	sadd.s32 $0x29600, s0;
	s14 =	smul.u32 $0x13800, s20;
	s15 =	sshll.u32 s20, $0x1  }
0xa: {  	s16 =	smul.u32 $0x2700, s20;
	p0 =	sne.s32 s20, $0xF;
	s20 =	simm.s32 $0x78  }
0xb: {  	_ =	strace $0x80000047;
	s24 =	ssub.s32 $0x2, s12;
	s19 =	smul.u32 $0x138800, s12  }
0xc: {  	s6 =	sor.u32 s12, s15;
	s12 =	smul.u32 $0x27100, s12;
	s25 =	sshrl.u32 s24, $0x1  }
0xd: {  	s26 =	sadd.s32 $0x28, s10;
	s18 =	sadd.s32 $0x50, s10;
	s21 =	sadd.s32 $0x78, s10  }
0xe: {  	s0 =	ssub.s32 s24, s25;
	s24 =	sadd.s32 s14, s2;
	s25 =	sadd.s32 s16, s3  }
0xf: {  	s17 =	sshll.u32 s26, $0x7;
	s15 =	sshll.u32 s26, $0x4;
	s14 =	sadd.s32 s14, s19  }
0x10: {  	s22 =	sshrl.u32 s19, $0x3;
	s23 =	sshll.u32 s21, $0x7;
	s16 =	sadd.s32 s16, s12  }
0x11: {  	s12 =	sshrl.u32 s12, $0x3;
	s26 =	sadd.s32 $0xA0, s10;
	[dreg:$0x5] =	wrdreg s24  }
0x12: {  	s17 =	sadd.s32 s17, s2;
	s15 =	sadd.s32 s15, s3;
	[dreg:$0x6] =	wrdreg s25  }
0x13: {  	s14 =	sshrl.u32 s14, $0x3;
	s16 =	sshrl.u32 s16, $0x3;
	[dreg:$0x7] =	wrdreg s17  }
0x14: {  	s12 =	sadd.s32 s13, s12;
	s0 =	smax.u32 s0, $0x1;
	[dreg:$0x8] =	wrdreg s15  }
0x15: {  	s17 =	sshll.u32 s18, $0x7;
	s18 =	sshll.u32 s18, $0x4;
	s14 =	sadd.s32 s11, s14  }
0x16: {  	s11 =	sadd.s32 s11, s22;
	s16 =	sadd.s32 s13, s16;
	[smem:$0x7FB] =	sst s0  }
0x17: {  	s13 =	sshll.u32 s26, $0x4;
	s22 =	sadd.s32 $0xF0, s10;
	[dreg:$0xb] =	wrdreg s14  }
0x18: {  	s15 =	sadd.s32 s17, s2;
	[dreg:$0xc] =	wrdreg s16;
	s14 =	sadd.s32 s23, s2  }
0x19: {  	s17 =	sshll.u32 s26, $0x7;
	s13 =	sadd.s32 s13, s3;
	[dreg:$0x9] =	wrdreg s15  }
0x1a: {  	s23 =	sshll.u32 s22, $0x7;
	s26 =	sadd.s32 $0x118, s10;
	[dreg:$0xd] =	wrdreg s14  }
0x1b: {  	s15 =	sadd.s32 s18, s3;
	s14 =	sadd.s32 s17, s2;
	[dreg:$0x10] =	wrdreg s13  }
0x1c: {  	s18 =	sadd.s32 $0xC8, s10;
	s17 =	sadd.s32 $0x140, s10;
	[dreg:$0xa] =	wrdreg s15  }
0x1d: {  	s15 =	sshll.u32 s21, $0x4;
	[dreg:$0xf] =	wrdreg s14;
	s19 =	sshll.u32 s18, $0x7  }
0x1e: {  	s14 =	sshll.u32 s18, $0x4;
	s18 =	sshll.u32 s17, $0x7;
	s16 =	sadd.s32 s15, s3  }
0x1f: {  	s13 =	sadd.s32 s19, s2;
	s21 =	sadd.s32 s14, s3;
	[dreg:$0xe] =	wrdreg s16  }
0x20: {  	s14 =	sadd.s32 s23, s2;
	s23 =	sadd.s32 $0x190, s10;
	[dreg:$0x11] =	wrdreg s13  }
0x21: {  	s15 =	sadd.s32 $0x1B8, s10;
	[dreg:$0x12] =	wrdreg s21;
	s13 =	sshll.u32 s22, $0x4  }
0x22: {  	[dreg:$0x13] =	wrdreg s14;
	s14 =	sshll.u32 s26, $0x7;
	s16 =	sshll.u32 s26, $0x4  }
0x23: {  	s21 =	sadd.s32 $0x168, s10;
	s26 =	sshll.u32 s23, $0x7;
	s13 =	sadd.s32 s13, s3  }
0x24: {  	s22 =	sshll.u32 s21, $0x7;
	[dreg:$0x14] =	wrdreg s13;
	s13 =	sadd.s32 s14, s2  }
0x25: {  	s14 =	sshll.u32 s17, $0x4;
	[dreg:$0x15] =	wrdreg s13;
	s13 =	sadd.s32 s16, s3  }
0x26: {  	s17 =	sadd.s32 $0x1E0, s10;
	s19 =	sadd.s32 s14, s3;
	[dreg:$0x16] =	wrdreg s13  }
0x27: {  	s14 =	sadd.s32 s22, s2;
	s16 =	sshll.u32 s15, $0x7;
	[dreg:$0x18] =	wrdreg s19  }
0x28: {  	s22 =	sshll.u32 s17, $0x4;
	s13 =	sadd.s32 s18, s2;
	[dreg:$0x19] =	wrdreg s14  }
0x29: {  	s14 =	sshll.u32 s23, $0x4;
	s19 =	sshll.u32 s17, $0x7;
	s23 =	sadd.s32 $0x208, s10  }
0x2a: {  	[dreg:$0x17] =	wrdreg s13;
	s13 =	sshll.u32 s21, $0x4;
	s21 =	sadd.s32 s19, s2  }
0x2b: {  	s17 =	sshll.u32 s23, $0x7;
	s13 =	sadd.s32 s13, s3;
	[dreg:$0x1f] =	wrdreg s21  }
0x2c: {  	s18 =	sshll.u32 s15, $0x4;
	s15 =	sadd.s32 s17, s2;
	[dreg:$0x1a] =	wrdreg s13  }
0x2d: {  	s13 =	sadd.s32 s26, s2;
	s26 =	sadd.s32 $0x230, s10;
	[smem:$0x7EE] =	sst s15  }
0x2e: {  	s10 =	sadd.s32 $0x258, s10;
	[dreg:$0x1b] =	wrdreg s13;
	s13 =	sadd.s32 s14, s3  }
0x2f: {  	s21 =	sshll.u32 s26, $0x4;
	[dreg:$0x1c] =	wrdreg s13;
	s13 =	sadd.s32 s16, s2  }
0x30: {  	s16 =	simm.s32 $0x7;
	[dreg:$0x1d] =	wrdreg s13;
	s13 =	sadd.s32 s18, s3  }
0x31: {  	s18 =	sshll.u32 s26, $0x7;
	[dreg:$0x1e] =	wrdreg s13;
	s13 =	sadd.s32 s22, s3  }
0x32: {  	s26 =	smul.u32 $0x2710, s6;
	s19 =	sadd.s32 s18, s2;
	[smem:$0x7ED] =	sst s13  }
0x33: {  	s22 =	smul.u32 $0x4E2, s6;
	s13 =	sshll.u32 s23, $0x4;
	[smem:$0x7F0] =	sst s19  }
0x34: {  	s23 =	sshll.u32 s10, $0x7;
	s17 =	sadd.s32 $0x28, s26;
	s26 =	sadd.s32 $0x4E00, s12  }
0x35: {  	s10 =	sshll.u32 s10, $0x4;
	s12 =	sadd.s32 $0x138000, s2;
	[smem:$0x7FA] =	sst s26  }
0x36: {  	s19 =	smul.u32 $0x27100, s6;
	s13 =	sadd.s32 s13, s3;
	[smem:$0x7FC] =	sst s12  }
0x37: {  	s6 =	smul.u32 $0xFA, s6;
	s15 =	sadd.s32 s23, s2;
	[smem:$0x7EF] =	sst s13  }
0x38: {  	s10 =	sadd.s32 s10, s3;
	s18 =	sadd.s32 s8, s22;
	[smem:$0x7F2] =	sst s15  }
0x39: {  	s14 =	sadd.s32 s9, s22;
	s23 =	sadd.s32 $0x27000, s11;
	[smem:$0x7F3] =	sst s10  }
0x3a: {  	s26 =	simm.s32 $0xA0;
	s13 =	sadd.s32 s21, s3;
	[smem:$0x7F4] =	sst s18  }
0x3b: {  	[smem:$0x7F5] =	sst s14;
	s10 =	sshrl.u32 s17, $0x3;
	s22 =	sadd.s32 s7, s19  }
0x3c: {  	s29 =	sor.u32 $0x1, s6;
	s30 =	sadd.s32 $0x2, s6;
	s31 =	sadd.s32 $0x3, s6  }
0x3d: {  	[smem:$0x7F9] =	sst s23;
	s15 =	simm.s32 $0xF0;
	s17 =	simm.s32 $0x78F0  }
.Ltmp0:
0x3e: {  	s18 =	simm.s32 $0x28;
	[smem:$0x7F1] =	sst s13;
	(pc) =	sbr.rel .LBB2_1-.Ltmp0, $4  }
0x3f: {  	s19 =	simm.s32 $0x50;
	s21 =	sadd.s32 s8, s10;
	[smem:$0x7F8] =	sst s22  }
0x40: {  	s23 =	simm.s32 $0x3CF0;
	s10 =	sadd.s32 s9, s10;
	[smem:$0x7F6] =	sst s21  }
0x41: {  	v0 =	vimm.f32 $0.0e+00;
	vm0 =	vcmask $0x300;
	s13 =	sadd.s32 $0x27000, s3;
	s22 =	simm.s32 $0x4;
	[smem:$0x7F7] =	sst s10  }
0x42: {  	v1 =	vsel vm0, $0x3F800000, v0;
	s21 =	simm.s32 $0x1;
	s10 =	simm.s32 $0x0;
	[smem:$0x7FD] =	sst s13  }
.LBB2_10:
0x43: {  	s0 =	simm.s32 $0x5  }
0x44: {  	_ =	swait.ge [sflag:s0], $0x1400  }
0x45: {  	[sflag:s0] =	ssyncset.done $0x0  }
0x46: {  	[sflag:s0] =	ssyncadd.s32 $0xFFFFEC00  }
0x47: {  	_ =	swait.ge [sflag:s0], $0x280  }
0x48: {  	[sflag:s0] =	ssyncset.done $0x0  }
0x49: {  	s11 =	simm.s32 $0x6;
	[sflag:s0] =	ssyncadd.s32 $0xFFFFFD80  }
0x4a: {  	_ =	swait.ge [sflag:s11], $0x1400  }
0x4b: {  	[sflag:s11] =	ssyncset.done $0x0  }
0x4c: {  	[sflag:s11] =	ssyncadd.s32 $0xFFFFEC00  }
0x4d: {  	_ =	swait.ge [sflag:s11], $0x280  }
0x4e: {  	[sflag:s11] =	ssyncset.done $0x0  }
0x4f: {  	[sflag:s11] =	ssyncadd.s32 $0xFFFFFD80  }
0x50: {  	s12 =	stileid.u32;
	[bflag:$0x0] =	sbarrier.arrive $0xFFFF  }
0x51: {  	s0 =	sshll.u32 s12, $0x6;
	s24 =	rddreg [dreg:$0x5]  }
0x52: {  	s0 =	sor.u32 $0x1C07, s0;
	s10 =	rddreg [dreg:$0xb];
	s6 =	sshrl.u32 s24, $0x3  }
0x53: {  	[hbm:s10], [sflag:s0] =	dma.local [spmem:s6], $0x2700  }
0x54: {  	_ =	swait.ge [sflag:s16], $0x2700  }
0x55: {  	[sflag:s16] =	ssyncset.done $0x0;
	s25 =	rddreg [dreg:$0x6]  }
0x56: {  	s14 =	rddreg [dreg:$0xc];
	[sflag:s16] =	ssyncadd.s32 $0xFFFFD900;
	s13 =	sshrl.u32 s25, $0x3  }
0x57: {  	[hbm:s14], [sflag:s0] =	dma.local [spmem:s13], $0x4E0  }
0x58: {  	_ =	swait.ge [sflag:s16], $0x4E0  }
0x59: {  	s12 =	sld [smem:$0x7FC]  }
0x5a: {  	s10 =	sld [smem:$0x7F9]  }
0x5b: {  	[sflag:s16] =	ssyncset.done $0x0  }
0x5c: {  	[sflag:s16] =	ssyncadd.s32 $0xFFFFFB20;
	s6 =	sshrl.u32 @!p0 s12, $0x3  }
0x5d: {  	[hbm:s10], [sflag:s0] =	dma.local @!p0 [spmem:s6], $0x100  }
0x5e: {  	s6 =	simm.s32 @!p0 $0x7  }
0x5f: {  	_ =	swait.ge @!p0 [sflag:s6], $0x100  }
0x60: {  	s13 =	sld [smem:$0x7FD]  }
0x61: {  	s11 =	sld [smem:$0x7FA]  }
0x62: {  	[sflag:s6] =	ssyncset.done @!p0 $0x0  }
0x63: {  	[sflag:s6] =	ssyncadd.s32 @!p0 $0xFFFFFF00;
	s10 =	sshrl.u32 @!p0 s13, $0x3  }
0x64: {  	[hbm:s11], [sflag:s0] =	dma.local @!p0 [spmem:s10], $0x20  }
0x65: {  	_ =	swait.ge @!p0 [sflag:s6], $0x20  }
0x66: {  	s11 =	sld [smem:$0x7EC]  }
0x67: {  	s14 =	sld [smem:$0x7FB];
	_ =	sdelay $0x1  }
0x68: {  	s10 =	sadd.s32 $0x1, s11  }
0x69: {  	p1 =	sne.s32 s10, s14  }
.Ltmp1:
0x6a: {  	_ = 	snop;
	(pc) =	sbr.rel @!p1 .LBB2_11-.Ltmp1, $3  }
0x6b: {  	_ =	sdelay $0x1  }
0x6c: {  	[sflag:s6] =	ssyncset.done @!p0 $0x0  }
0x6d: {  	[sflag:s6] =	ssyncadd.s32 @!p0 $0xFFFFFFE0  }
.LBB2_1:
0x6e: {  	s0 =	simm.s32 $0x130  }
0x6f: {  	[tilespmem:s0+$0xFFFFFFD0] =	vst v0  }
0x70: {  	[tilespmem:s0+$0xFFFFFFE0] =	vst v0  }
0x71: {  	[tilespmem:s0+$0xFFFFFFF0] =	vst v0  }
0x72: {  	[tilespmem:s0+$0x0] =	vst v0  }
0x73: {  	[tilespmem:s0+$0x10] =	vst v0  }
0x74: {  	[tilespmem:s0+$0x20] =	vst v0  }
0x75: {  	[tilespmem:s0+$0x30] =	vst v0  }
0x76: {  	[smem:$0x7EC] =	sst s10;
	s10 =	simm.s32 $0x0;
	s6 =	simm.s32 $0x40;
	[tilespmem:s0+$0xFFFFFFC0] =	vst v0  }
.LBB2_2:
0x77: {  	p1 =	sne.s32 s6, $0x9C0;
	[tilespmem:s10+$0x78F0] =	vst v0;
	s0 =	sadd.s32 $0x80, s0  }
0x78: {  	[tilespmem:s0+$0xFFFFFFD0] =	vst v0  }
0x79: {  	[tilespmem:s0+$0xFFFFFFE0] =	vst v0  }
0x7a: {  	[tilespmem:s0+$0xFFFFFFF0] =	vst v0  }
.Ltmp2:
0x7b: {  	[tilespmem:s0+$0x0] =	vst v0;
	(pc) =	sbr.rel @p1 .LBB2_2-.Ltmp2, $4  }
0x7c: {  	[tilespmem:s0+$0x10] =	vst v0  }
0x7d: {  	[tilespmem:s0+$0x20] =	vst v0  }
0x7e: {  	[tilespmem:s0+$0x30] =	vst v0  }
0x7f: {  	s10 =	sshra.s32 s6, $0x2;
	s6 =	sadd.s32 $0x40, s6;
	[tilespmem:s0+$0xFFFFFFC0] =	vst v0  }
0x80: {  	[tilespmem:s10+$0x78F0] =	vst v0  }
0x81: {  	[spmem:s24] =	stream.linear.scatter [tilespmem:s15], [sflag:$0x7], $0x1400, $0x38;
	[tilespmem:$0x1DB00] =	vst v63  }
0x82: {  	_ =	swait.ge [sflag:s16], $0x1400  }
0x83: {  	[sflag:s16] =	ssyncset.done $0x0  }
0x84: {  	[sflag:s16] =	ssyncadd.s32 $0xFFFFEC00  }
0x85: {  	[spmem:s25] =	stream.linear.scatter [tilespmem:s17], [sflag:$0x7], $0x280, $0x38;
	[tilespmem:$0x1DB00] =	vst v63  }
0x86: {  	_ =	swait.ge [sflag:s16], $0x280  }
0x87: {  	[sflag:s16] =	ssyncset.done $0x0  }
0x88: {  	s0 =	rddreg [dreg:$0x7];
	[sflag:s16] =	ssyncadd.s32 $0xFFFFFD80  }
0x89: {  	[spmem:s0] =	stream.linear.scatter [tilespmem:s15], [sflag:$0x7], $0x1400, $0x38;
	[tilespmem:$0x1DB00] =	vst v63  }
0x8a: {  	_ =	swait.ge [sflag:s16], $0x1400  }
0x8b: {  	[sflag:s16] =	ssyncset.done $0x0  }
0x8c: {  	s10 =	rddreg [dreg:$0x8];
	[sflag:s16] =	ssyncadd.s32 $0xFFFFEC00  }
0x8d: {  	[spmem:s10] =	stream.linear.scatter [tilespmem:s17], [sflag:$0x7], $0x280, $0x38;
	[tilespmem:$0x1DB00] =	vst v63  }
0x8e: {  	_ =	swait.ge [sflag:s16], $0x280  }
0x8f: {  	[sflag:s16] =	ssyncset.done $0x0  }
0x90: {  	s11 =	rddreg [dreg:$0x9];
	[sflag:s16] =	ssyncadd.s32 $0xFFFFFD80  }
0x91: {  	[spmem:s11] =	stream.linear.scatter [tilespmem:s15], [sflag:$0x7], $0x1400, $0x38;
	[tilespmem:$0x1DB00] =	vst v63  }
0x92: {  	_ =	swait.ge [sflag:s16], $0x1400  }
0x93: {  	[sflag:s16] =	ssyncset.done $0x0  }
0x94: {  	s14 =	rddreg [dreg:$0xa];
	[sflag:s16] =	ssyncadd.s32 $0xFFFFEC00  }
0x95: {  	[spmem:s14] =	stream.linear.scatter [tilespmem:s17], [sflag:$0x7], $0x280, $0x38;
	[tilespmem:$0x1DB00] =	vst v63  }
0x96: {  	_ =	swait.ge [sflag:s16], $0x280  }
0x97: {  	[sflag:s16] =	ssyncset.done $0x0  }
0x98: {  	s24 =	rddreg [dreg:$0xd];
	[sflag:s16] =	ssyncadd.s32 $0xFFFFFD80  }
0x99: {  	[spmem:s24] =	stream.linear.scatter [tilespmem:s15], [sflag:$0x7], $0x1400, $0x38;
	[tilespmem:$0x1DB00] =	vst v63  }
0x9a: {  	_ =	swait.ge [sflag:s16], $0x1400  }
0x9b: {  	[sflag:s16] =	ssyncset.done $0x0  }
0x9c: {  	s25 =	rddreg [dreg:$0xe];
	[sflag:s16] =	ssyncadd.s32 $0xFFFFEC00  }
0x9d: {  	[spmem:s25] =	stream.linear.scatter [tilespmem:s17], [sflag:$0x7], $0x280, $0x38;
	[tilespmem:$0x1DB00] =	vst v63  }
0x9e: {  	_ =	swait.ge [sflag:s16], $0x280  }
0x9f: {  	[sflag:s16] =	ssyncset.done $0x0  }
0xa0: {  	s6 =	rddreg [dreg:$0xf];
	[sflag:s16] =	ssyncadd.s32 $0xFFFFFD80  }
0xa1: {  	[spmem:s6] =	stream.linear.scatter [tilespmem:s15], [sflag:$0x7], $0x1400, $0x38;
	[tilespmem:$0x1DB00] =	vst v63  }
0xa2: {  	_ =	swait.ge [sflag:s16], $0x1400  }
0xa3: {  	[sflag:s16] =	ssyncset.done $0x0  }
0xa4: {  	s10 =	rddreg [dreg:$0x10];
	[sflag:s16] =	ssyncadd.s32 $0xFFFFEC00  }
0xa5: {  	[spmem:s10] =	stream.linear.scatter [tilespmem:s17], [sflag:$0x7], $0x280, $0x38;
	[tilespmem:$0x1DB00] =	vst v63  }
0xa6: {  	_ =	swait.ge [sflag:s16], $0x280  }
0xa7: {  	[sflag:s16] =	ssyncset.done $0x0  }
0xa8: {  	s11 =	rddreg [dreg:$0x11];
	[sflag:s16] =	ssyncadd.s32 $0xFFFFFD80  }
0xa9: {  	[spmem:s11] =	stream.linear.scatter [tilespmem:s15], [sflag:$0x7], $0x1400, $0x38;
	[tilespmem:$0x1DB00] =	vst v63  }
0xaa: {  	_ =	swait.ge [sflag:s16], $0x1400  }
0xab: {  	[sflag:s16] =	ssyncset.done $0x0  }
0xac: {  	s14 =	rddreg [dreg:$0x12];
	[sflag:s16] =	ssyncadd.s32 $0xFFFFEC00  }
0xad: {  	[spmem:s14] =	stream.linear.scatter [tilespmem:s17], [sflag:$0x7], $0x280, $0x38;
	[tilespmem:$0x1DB00] =	vst v63  }
0xae: {  	_ =	swait.ge [sflag:s16], $0x280  }
0xaf: {  	[sflag:s16] =	ssyncset.done $0x0  }
0xb0: {  	s24 =	rddreg [dreg:$0x13];
	[sflag:s16] =	ssyncadd.s32 $0xFFFFFD80  }
0xb1: {  	[spmem:s24] =	stream.linear.scatter [tilespmem:s15], [sflag:$0x7], $0x1400, $0x38;
	[tilespmem:$0x1DB00] =	vst v63  }
0xb2: {  	_ =	swait.ge [sflag:s16], $0x1400  }
0xb3: {  	[sflag:s16] =	ssyncset.done $0x0  }
0xb4: {  	s25 =	rddreg [dreg:$0x14];
	[sflag:s16] =	ssyncadd.s32 $0xFFFFEC00  }
0xb5: {  	[spmem:s25] =	stream.linear.scatter [tilespmem:s17], [sflag:$0x7], $0x280, $0x38;
	[tilespmem:$0x1DB00] =	vst v63  }
0xb6: {  	_ =	swait.ge [sflag:s16], $0x280  }
0xb7: {  	[sflag:s16] =	ssyncset.done $0x0  }
0xb8: {  	s6 =	rddreg [dreg:$0x15];
	[sflag:s16] =	ssyncadd.s32 $0xFFFFFD80  }
0xb9: {  	[spmem:s6] =	stream.linear.scatter [tilespmem:s15], [sflag:$0x7], $0x1400, $0x38;
	[tilespmem:$0x1DB00] =	vst v63  }
0xba: {  	_ =	swait.ge [sflag:s16], $0x1400  }
0xbb: {  	[sflag:s16] =	ssyncset.done $0x0  }
0xbc: {  	s10 =	rddreg [dreg:$0x16];
	[sflag:s16] =	ssyncadd.s32 $0xFFFFEC00  }
0xbd: {  	[spmem:s10] =	stream.linear.scatter [tilespmem:s17], [sflag:$0x7], $0x280, $0x38;
	[tilespmem:$0x1DB00] =	vst v63  }
0xbe: {  	_ =	swait.ge [sflag:s16], $0x280  }
0xbf: {  	[sflag:s16] =	ssyncset.done $0x0  }
0xc0: {  	s11 =	rddreg [dreg:$0x17];
	[sflag:s16] =	ssyncadd.s32 $0xFFFFFD80  }
0xc1: {  	[spmem:s11] =	stream.linear.scatter [tilespmem:s15], [sflag:$0x7], $0x1400, $0x38;
	[tilespmem:$0x1DB00] =	vst v63  }
0xc2: {  	_ =	swait.ge [sflag:s16], $0x1400  }
0xc3: {  	[sflag:s16] =	ssyncset.done $0x0  }
0xc4: {  	s14 =	rddreg [dreg:$0x18];
	[sflag:s16] =	ssyncadd.s32 $0xFFFFEC00  }
0xc5: {  	[spmem:s14] =	stream.linear.scatter [tilespmem:s17], [sflag:$0x7], $0x280, $0x38;
	[tilespmem:$0x1DB00] =	vst v63  }
0xc6: {  	_ =	swait.ge [sflag:s16], $0x280  }
0xc7: {  	[sflag:s16] =	ssyncset.done $0x0  }
0xc8: {  	s24 =	rddreg [dreg:$0x19];
	[sflag:s16] =	ssyncadd.s32 $0xFFFFFD80  }
0xc9: {  	[spmem:s24] =	stream.linear.scatter [tilespmem:s15], [sflag:$0x7], $0x1400, $0x38;
	[tilespmem:$0x1DB00] =	vst v63  }
0xca: {  	_ =	swait.ge [sflag:s16], $0x1400  }
0xcb: {  	[sflag:s16] =	ssyncset.done $0x0  }
0xcc: {  	s25 =	rddreg [dreg:$0x1a];
	[sflag:s16] =	ssyncadd.s32 $0xFFFFEC00  }
0xcd: {  	[spmem:s25] =	stream.linear.scatter [tilespmem:s17], [sflag:$0x7], $0x280, $0x38;
	[tilespmem:$0x1DB00] =	vst v63  }
0xce: {  	_ =	swait.ge [sflag:s16], $0x280  }
0xcf: {  	[sflag:s16] =	ssyncset.done $0x0  }
0xd0: {  	s6 =	rddreg [dreg:$0x1b];
	[sflag:s16] =	ssyncadd.s32 $0xFFFFFD80  }
0xd1: {  	[spmem:s6] =	stream.linear.scatter [tilespmem:s15], [sflag:$0x7], $0x1400, $0x38;
	[tilespmem:$0x1DB00] =	vst v63  }
0xd2: {  	_ =	swait.ge [sflag:s16], $0x1400  }
0xd3: {  	[sflag:s16] =	ssyncset.done $0x0  }
0xd4: {  	s10 =	rddreg [dreg:$0x1c];
	[sflag:s16] =	ssyncadd.s32 $0xFFFFEC00  }
0xd5: {  	[spmem:s10] =	stream.linear.scatter [tilespmem:s17], [sflag:$0x7], $0x280, $0x38;
	[tilespmem:$0x1DB00] =	vst v63  }
0xd6: {  	_ =	swait.ge [sflag:s16], $0x280  }
0xd7: {  	[sflag:s16] =	ssyncset.done $0x0  }
0xd8: {  	s11 =	rddreg [dreg:$0x1d];
	[sflag:s16] =	ssyncadd.s32 $0xFFFFFD80  }
0xd9: {  	[spmem:s11] =	stream.linear.scatter [tilespmem:s15], [sflag:$0x7], $0x1400, $0x38;
	[tilespmem:$0x1DB00] =	vst v63  }
0xda: {  	_ =	swait.ge [sflag:s16], $0x1400  }
0xdb: {  	[sflag:s16] =	ssyncset.done $0x0  }
0xdc: {  	s14 =	rddreg [dreg:$0x1e];
	[sflag:s16] =	ssyncadd.s32 $0xFFFFEC00  }
0xdd: {  	[spmem:s14] =	stream.linear.scatter [tilespmem:s17], [sflag:$0x7], $0x280, $0x38;
	[tilespmem:$0x1DB00] =	vst v63  }
0xde: {  	_ =	swait.ge [sflag:s16], $0x280  }
0xdf: {  	[sflag:s16] =	ssyncset.done $0x0  }
0xe0: {  	s24 =	rddreg [dreg:$0x1f];
	[sflag:s16] =	ssyncadd.s32 $0xFFFFFD80  }
0xe1: {  	[spmem:s24] =	stream.linear.scatter [tilespmem:s15], [sflag:$0x7], $0x1400, $0x38;
	[tilespmem:$0x1DB00] =	vst v63  }
0xe2: {  	_ =	swait.ge [sflag:s16], $0x1400  }
0xe3: {  	s25 =	sld [smem:$0x7ED]  }
0xe4: {  	[sflag:s16] =	ssyncset.done $0x0  }
0xe5: {  	[sflag:s16] =	ssyncadd.s32 $0xFFFFEC00  }
0xe6: {  	[spmem:s25] =	stream.linear.scatter [tilespmem:s17], [sflag:$0x7], $0x280, $0x38;
	[tilespmem:$0x1DB00] =	vst v63  }
0xe7: {  	_ =	swait.ge [sflag:s16], $0x280  }
0xe8: {  	s6 =	sld [smem:$0x7EE]  }
0xe9: {  	[sflag:s16] =	ssyncset.done $0x0  }
0xea: {  	[sflag:s16] =	ssyncadd.s32 $0xFFFFFD80  }
0xeb: {  	[spmem:s6] =	stream.linear.scatter [tilespmem:s15], [sflag:$0x7], $0x1400, $0x38;
	[tilespmem:$0x1DB00] =	vst v63  }
0xec: {  	_ =	swait.ge [sflag:s16], $0x1400  }
0xed: {  	s10 =	sld [smem:$0x7EF]  }
0xee: {  	[sflag:s16] =	ssyncset.done $0x0  }
0xef: {  	[sflag:s16] =	ssyncadd.s32 $0xFFFFEC00  }
0xf0: {  	[spmem:s10] =	stream.linear.scatter [tilespmem:s17], [sflag:$0x7], $0x280, $0x38;
	[tilespmem:$0x1DB00] =	vst v63  }
0xf1: {  	_ =	swait.ge [sflag:s16], $0x280  }
0xf2: {  	s11 =	sld [smem:$0x7F0]  }
0xf3: {  	[sflag:s16] =	ssyncset.done $0x0  }
0xf4: {  	[sflag:s16] =	ssyncadd.s32 $0xFFFFFD80  }
0xf5: {  	[spmem:s11] =	stream.linear.scatter [tilespmem:s15], [sflag:$0x7], $0x1400, $0x38;
	[tilespmem:$0x1DB00] =	vst v63  }
0xf6: {  	_ =	swait.ge [sflag:s16], $0x1400  }
0xf7: {  	s14 =	sld [smem:$0x7F1]  }
0xf8: {  	[sflag:s16] =	ssyncset.done $0x0  }
0xf9: {  	[sflag:s16] =	ssyncadd.s32 $0xFFFFEC00  }
0xfa: {  	[spmem:s14] =	stream.linear.scatter [tilespmem:s17], [sflag:$0x7], $0x280, $0x38;
	[tilespmem:$0x1DB00] =	vst v63  }
0xfb: {  	_ =	swait.ge [sflag:s16], $0x280  }
0xfc: {  	s24 =	sld [smem:$0x7F2]  }
0xfd: {  	[sflag:s16] =	ssyncset.done $0x0  }
0xfe: {  	[sflag:s16] =	ssyncadd.s32 $0xFFFFFD80  }
0xff: {  	[spmem:s24] =	stream.linear.scatter [tilespmem:s15], [sflag:$0x7], $0xC00, $0x38;
	[tilespmem:$0x1DB00] =	vst v63  }
0x100: {  	_ =	swait.ge [sflag:s16], $0xC00  }
0x101: {  	s25 =	sld [smem:$0x7F3]  }
0x102: {  	[sflag:s16] =	ssyncset.done $0x0  }
0x103: {  	[sflag:s16] =	ssyncadd.s32 $0xFFFFF400  }
0x104: {  	[spmem:s25] =	stream.linear.scatter [tilespmem:s17], [sflag:$0x7], $0x180, $0x38;
	[tilespmem:$0x1DB00] =	vst v63  }
0x105: {  	_ =	swait.ge [sflag:s16], $0x180  }
0x106: {  	[sflag:s16] =	ssyncset.done $0x0  }
0x107: {  	s0 =	simm.s32 @!p0 $0xF0;
	[sflag:s16] =	ssyncadd.s32 $0xFFFFFE80  }
0x108: {  	[spmem:s12] =	stream.linear.scatter @!p0 [tilespmem:s0], [sflag:$0x7], $0x800, $0x38;
	[tilespmem:$0x1DB00] =	vst v63  }
0x109: {  	s0 =	simm.s32 @!p0 $0x7  }
0x10a: {  	_ =	swait.ge @!p0 [sflag:s0], $0x800  }
0x10b: {  	[sflag:s0] =	ssyncset.done @!p0 $0x0  }
0x10c: {  	s6 =	simm.s32 @!p0 $0x78F0;
	[sflag:s0] =	ssyncadd.s32 @!p0 $0xFFFFF800  }
0x10d: {  	[spmem:s13] =	stream.linear.scatter @!p0 [tilespmem:s6], [sflag:$0x7], $0x100, $0x38;
	[tilespmem:$0x1DB00] =	vst v63  }
0x10e: {  	_ =	swait.ge @!p0 [sflag:s0], $0x100  }
0x10f: {  	[sflag:s0] =	ssyncset.done @!p0 $0x0  }
0x110: {  	[sflag:s0] =	ssyncadd.s32 @!p0 $0xFFFFFF00  }
0x111: {  	[tilespmem:$0x78F0] =	vst v1  }
0x112: {  	[tilespmem:$0x7900] =	vst v1  }
0x113: {  	[tilespmem:$0x7910] =	vst v1  }
0x114: {  	[tilespmem:$0x7920] =	vst v1  }
0x115: {  	[tilespmem:$0x7930] =	vst v1  }
0x116: {  	[tilespmem:$0x7940] =	vst v1  }
0x117: {  	[tilespmem:$0x7950] =	vst v1  }
0x118: {  	[tilespmem:$0x7960] =	vst v1  }
0x119: {  	[tilespmem:$0x7970] =	vst v1  }
0x11a: {  	[tilespmem:$0x7980] =	vst v1  }
0x11b: {  	[tilespmem:$0x7990] =	vst v1  }
0x11c: {  	[tilespmem:$0x79A0] =	vst v1  }
0x11d: {  	[tilespmem:$0x79B0] =	vst v1  }
0x11e: {  	[tilespmem:$0x79C0] =	vst v1  }
0x11f: {  	[tilespmem:$0x79D0] =	vst v1  }
0x120: {  	[tilespmem:$0x79E0] =	vst v1  }
0x121: {  	[tilespmem:$0x79F0] =	vst v1  }
0x122: {  	[tilespmem:$0x7A00] =	vst v1  }
0x123: {  	[tilespmem:$0x7A10] =	vst v1  }
0x124: {  	[tilespmem:$0x7A20] =	vst v1  }
0x125: {  	[tilespmem:$0x7A30] =	vst v1  }
0x126: {  	[tilespmem:$0x7A40] =	vst v1  }
0x127: {  	[tilespmem:$0x7A50] =	vst v1  }
0x128: {  	[tilespmem:$0x7A60] =	vst v1  }
0x129: {  	[tilespmem:$0x7A70] =	vst v1  }
0x12a: {  	[tilespmem:$0x7A80] =	vst v1  }
0x12b: {  	[tilespmem:$0x7A90] =	vst v1  }
0x12c: {  	[tilespmem:$0x7AA0] =	vst v1  }
0x12d: {  	[tilespmem:$0x7AB0] =	vst v1  }
0x12e: {  	[tilespmem:$0x7AC0] =	vst v1  }
0x12f: {  	[tilespmem:$0x7AD0] =	vst v1  }
0x130: {  	[tilespmem:$0x7AE0] =	vst v1  }
0x131: {  	[tilespmem:$0x7AF0] =	vst v1  }
0x132: {  	[tilespmem:$0x7B00] =	vst v1  }
0x133: {  	[tilespmem:$0x7B10] =	vst v1  }
0x134: {  	[tilespmem:$0x7B20] =	vst v1  }
0x135: {  	[tilespmem:$0x7B30] =	vst v1  }
0x136: {  	[tilespmem:$0x7B40] =	vst v1  }
0x137: {  	[tilespmem:$0x7B50] =	vst v1  }
0x138: {  	[tilespmem:$0x7B60] =	vst v1  }
0x139: {  	[bflag:$0x0] =	sbarrier.arrive $0xFFFF  }
0x13a: {  	s6 =	sld [smem:$0x7F4];
	_ =	sdelay $0x1  }
0x13b: {  	s10 =	simm.s32 $0x0  }
0x13c: {  	[tilespmem:s10], [sflag:$0x7] =	stream.linear.gather [hbm4b:s6+s10], $0x28, $0x38;
	[tilespmem:$0x1DB00] =	vst v63  }
0x13d: {  	_ =	swait.ge [sflag:s16], $0x28  }
0x13e: {  	s11 =	sld [smem:$0x7F5]  }
0x13f: {  	[sflag:s16] =	ssyncset.done $0x0  }
0x140: {  	[sflag:s16] =	ssyncadd.s32 $0xFFFFFFD8  }
0x141: {  	[tilespmem:s18], [sflag:$0x7] =	stream.linear.gather [hbm4b:s11+s10], $0x28, $0x38;
	[tilespmem:$0x1DB00] =	vst v63  }
0x142: {  	_ =	swait.ge [sflag:s16], $0x28  }
0x143: {  	s12 =	sld [smem:$0x7F6]  }
0x144: {  	[sflag:s16] =	ssyncset.done $0x0  }
0x145: {  	s13 =	sld [smem:$0x7F7];
	[sflag:s16] =	ssyncadd.s32 $0xFFFFFFD8  }
0x146: {  	[tilespmem:s19], [sflag:$0x4] =	stream.linear.gather [hbm4b:s12+s10], $0x28, $0x38;
	[tilespmem:$0x1DB00] =	vst v63  }
0x147: {  	_ = 	snop  }
0x148: {  	[tilespmem:s20], [sflag:$0x4] =	stream.linear.gather [hbm4b:s13+s10], $0x28, $0x38;
	[tilespmem:$0x1DB00] =	vst v63  }
0x149: {  	_ = 	snop  }
0x14a: {  	[tilespmem:s15], [sflag:$0x1] =	stream.indirect.gather [hbm4b:s1+s18], $0x80, s10, s18, $0xb8;
	[tilespmem:$0x1DB00] =	vst v63  }
0x14b: {  	s14 =	simm.s32 $0x14F0;
	s24 =	sld [smem:$0x7F8]  }
0x14c: {  	[tilespmem:s14], [sflag:$0x1] =	stream.indirect.gather [hbm4b:s5+s18], $0x80, s18, s18, $0xb8;
	[tilespmem:$0x1DB00] =	vst v63  }
0x14d: {  	s25 =	simm.s32 $0x28F0  }
0x14e: {  	[tilespmem:s25], [sflag:$0x1] =	stream.linear.gather [hbm4b:s24+s10], $0x1400, $0x38;
	[tilespmem:$0x1DB00] =	vst v63  }
.LBB2_4:
0x14f: {  	_ =	swait.ge [sflag:s21], $0x1400  }
0x150: {  	[sflag:s21] =	ssyncset.done $0x0  }
0x151: {  	[sflag:s21] =	ssyncadd.s32 $0xFFFFEC00  }
0x152: {  	_ =	swait.ge [sflag:s21], $0x1400  }
0x153: {  	[sflag:s21] =	ssyncset.done $0x0  }
0x154: {  	[sflag:s21] =	ssyncadd.s32 $0xFFFFEC00  }
0x155: {  	_ =	swait.ge [sflag:s21], $0x1400  }
0x156: {  	p1 =	seq.s32 s10, $0x0;
	[sflag:s21] =	ssyncset.done $0x0  }
0x157: {  	s0 =	simm.s32 @!p1 $0x6;
	[sflag:s21] =	ssyncadd.s32 $0xFFFFEC00  }
0x158: {  	_ =	swait.ge @!p1 [sflag:s0], $0x1400  }
0x159: {  	[sflag:s0] =	ssyncset.done @!p1 $0x0  }
0x15a: {  	[sflag:s0] =	ssyncadd.s32 @!p1 $0xFFFFEC00  }
0x15b: {  	_ =	swait.ge @!p1 [sflag:s0], $0x280  }
0x15c: {  	[sflag:s0] =	ssyncset.done @!p1 $0x0  }
0x15d: {  	[sflag:s0] =	ssyncadd.s32 @!p1 $0xFFFFFD80  }
0x15e: {  	_ =	swait.ge [sflag:s22], $0x28  }
0x15f: {  	[sflag:s22] =	ssyncset.done $0x0  }
0x160: {  	[sflag:s22] =	ssyncadd.s32 $0xFFFFFFD8  }
0x161: {  	_ =	swait.ge [sflag:s22], $0x28  }
0x162: {  	s11 =	sshll.u32 s10, $0x1;
	[sflag:s22] =	ssyncset.done $0x0  }
0x163: {  	s24 =	sadd.s32 s11, s29;
	[sflag:s22] =	ssyncadd.s32 $0xFFFFFFD8  }
0x164: {  	[tilespmem:s23], [sflag:$0x2] =	stream.indirect.gather [hbm4b:s1+s18], $0x80, s19, s18, $0xb8;
	[tilespmem:$0x1DB00] =	vst v63  }
0x165: {  	s6 =	simm.s32 $0x50F0;
	s0 =	smul.u32 $0x280, s24  }
0x166: {  	[tilespmem:s6], [sflag:$0x2] =	stream.indirect.gather [hbm4b:s5+s18], $0x80, s20, s18, $0xb8;
	[tilespmem:$0x1DB00] =	vst v63  }
0x167: {  	s25 =	simm.s32 $0x64F0;
	s13 =	simm.s32 $0x1F0;
	s0 =	sadd.s32 s7, s0  }
0x168: {  	[tilespmem:s25], [sflag:$0x2] =	stream.linear.gather [hbm4b:s0+s4], $0x1400, $0x38;
	[tilespmem:$0x1DB00] =	vst v63  }
0x169: {  	s24 =	simm.s32 $0x15F0;
	v2 =	vld [tilespmem:s13+$0x80]  }
0x16a: {  	s12 =	simm.s32 $0x29F0;
	v3 =	vld [tilespmem:s24+$0x80]  }
0x16b: {  	v4 =	vld [tilespmem:s12+$0x80]  }
0x16c: {  	v5 =	vld [tilespmem:s12+$0xFFFFFF00]  }
0x16d: {  	v7 =	vld [tilespmem:s13+$0xFFFFFF80]  }
0x16e: {  	v9 =	vld [tilespmem:s24+$0xFFFFFF80]  }
0x16f: {  	s14 =	simm.s32 $0x3F0;
	v10 =	vld [tilespmem:s24+$0x0]  }
0x170: {  	s0 =	simm.s32 $0x17F0;
	v14 =	vld [tilespmem:s14+$0x80]  }
0x171: {  	v15 =	vld [tilespmem:s0+$0x80]  }
0x172: {  	v17 =	vld [tilespmem:s14+$0xFFFFFF80];
	v2 =	vadd.f32 v3, v2  }
0x173: {  	v18 =	vld [tilespmem:s0+$0xFFFFFF80]  }
0x174: {  	v3 =	vld [tilespmem:s24+$0xFFFFFF00];
	v2 =	vadd.f32 v4, v2  }
0x175: {  	v4 =	vld [tilespmem:s13+$0xFFFFFF00]  }
0x176: {  	v27 =	vld [tilespmem:s14+$0xFFFFFF10];
	v2 =	vmax.f32 v2, $0.0e+00  }
0x177: {  	[tilespmem:s13+$0x80] =	vst v2;
	v2 =	vld [tilespmem:s13+$0x90]  }
0x178: {  	v6 =	vld [tilespmem:s24+$0x90]  }
0x179: {  	v8 =	vld [tilespmem:s12+$0x90]  }
0x17a: {  	s6 =	simm.s32 $0x2BF0;
	v3 =	vadd.f32 v3, v4;
	v4 =	vld [tilespmem:s13+$0x0]  }
0x17b: {  	v19 =	vld [tilespmem:s6+$0x0]  }
0x17c: {  	v20 =	vld [tilespmem:s14+$0xFFFFFF90]  }
0x17d: {  	v3 =	vadd.f32 v5, v3;
	v5 =	vld [tilespmem:s12+$0xFFFFFF80];
	v2 =	vadd.f32 v6, v2  }
0x17e: {  	v6 =	vld [tilespmem:s13+$0xFFFFFF10]  }
0x17f: {  	v3 =	vmax.f32 v3, $0.0e+00;
	v4 =	vadd.f32 v10, v4;
	v10 =	vld [tilespmem:s13+$0x10];
	v2 =	vadd.f32 v8, v2  }
0x180: {  	[tilespmem:s13+$0xFFFFFF00] =	vst v3;
	v8 =	vld [tilespmem:s12+$0x0]  }
0x181: {  	v3 =	vld [tilespmem:s24+$0xFFFFFF10];
	v2 =	vmax.f32 v2, $0.0e+00  }
0x182: {  	v11 =	vld [tilespmem:s12+$0xFFFFFF10];
	[tilespmem:s13+$0x90] =	vst v2;
	v2 =	vadd.f32 v9, v7  }
0x183: {  	v7 =	vld [tilespmem:s13+$0xA0]  }
0x184: {  	v9 =	vld [tilespmem:s24+$0xA0];
	v2 =	vadd.f32 v5, v2  }
0x185: {  	v5 =	vld [tilespmem:s13+$0xFFFFFF90];
	v4 =	vadd.f32 v8, v4  }
0x186: {  	v8 =	vld [tilespmem:s12+$0xA0];
	v3 =	vadd.f32 v3, v6;
	v2 =	vmax.f32 v2, $0.0e+00  }
0x187: {  	v6 =	vld [tilespmem:s13+$0xFFFFFF20];
	[tilespmem:s13+$0xFFFFFF80] =	vst v2;
	v2 =	vmax.f32 v4, $0.0e+00  }
0x188: {  	v4 =	vld [tilespmem:s24+$0xFFFFFF90];
	[tilespmem:s13+$0x0] =	vst v2;
	v2 =	vadd.f32 v11, v3  }
0x189: {  	v3 =	vadd.f32 v9, v7;
	v9 =	vld [tilespmem:s12+$0xFFFFFF90]  }
0x18a: {  	v7 =	vld [tilespmem:s24+$0x10];
	v2 =	vmax.f32 v2, $0.0e+00  }
0x18b: {  	v3 =	vadd.f32 v8, v3;
	v8 =	vld [tilespmem:s12+$0x10];
	[tilespmem:s13+$0xFFFFFF10] =	vst v2  }
0x18c: {  	v2 =	vld [tilespmem:s24+$0xFFFFFF20]  }
0x18d: {  	v3 =	vmax.f32 v3, $0.0e+00;
	v11 =	vld [tilespmem:s12+$0xFFFFFF20]  }
0x18e: {  	[tilespmem:s13+$0xA0] =	vst v3;
	v3 =	vadd.f32 v4, v5;
	v4 =	vld [tilespmem:s13+$0xB0]  }
0x18f: {  	v5 =	vadd.f32 v7, v10;
	v7 =	vld [tilespmem:s24+$0xB0]  }
0x190: {  	v10 =	vld [tilespmem:s13+$0xFFFFFFA0];
	v3 =	vadd.f32 v9, v3  }
0x191: {  	v9 =	vld [tilespmem:s13+$0x20]  }
0x192: {  	v5 =	vadd.f32 v8, v5;
	v8 =	vld [tilespmem:s12+$0xB0];
	v3 =	vmax.f32 v3, $0.0e+00;
	v2 =	vadd.f32 v2, v6  }
0x193: {  	v6 =	vld [tilespmem:s13+$0xFFFFFF30];
	[tilespmem:s13+$0xFFFFFF90] =	vst v3  }
0x194: {  	v3 =	vmax.f32 v5, $0.0e+00;
	v5 =	vld [tilespmem:s24+$0xFFFFFFA0];
	v2 =	vadd.f32 v11, v2  }
0x195: {  	[tilespmem:s13+$0x10] =	vst v3;
	v3 =	vadd.f32 v7, v4;
	v7 =	vld [tilespmem:s12+$0xFFFFFFA0]  }
0x196: {  	v4 =	vld [tilespmem:s24+$0x20];
	v2 =	vmax.f32 v2, $0.0e+00  }
0x197: {  	v3 =	vadd.f32 v8, v3;
	v8 =	vld [tilespmem:s12+$0x20];
	[tilespmem:s13+$0xFFFFFF20] =	vst v2  }
0x198: {  	v2 =	vld [tilespmem:s24+$0xFFFFFF30]  }
0x199: {  	v3 =	vmax.f32 v3, $0.0e+00;
	v11 =	vld [tilespmem:s12+$0xFFFFFF30]  }
0x19a: {  	[tilespmem:s13+$0xB0] =	vst v3;
	v3 =	vadd.f32 v5, v10;
	v5 =	vld [tilespmem:s13+$0xC0]  }
0x19b: {  	v10 =	vld [tilespmem:s13+$0xFFFFFFB0];
	v4 =	vadd.f32 v4, v9  }
0x19c: {  	v9 =	vld [tilespmem:s24+$0xC0];
	v3 =	vadd.f32 v7, v3  }
0x19d: {  	v7 =	vld [tilespmem:s12+$0xC0];
	v4 =	vadd.f32 v8, v4  }
0x19e: {  	v8 =	vld [tilespmem:s13+$0x30];
	v3 =	vmax.f32 v3, $0.0e+00;
	v2 =	vadd.f32 v2, v6  }
0x19f: {  	v6 =	vld [tilespmem:s13+$0xFFFFFF40];
	[tilespmem:s13+$0xFFFFFFA0] =	vst v3;
	v3 =	vmax.f32 v4, $0.0e+00  }
0x1a0: {  	[tilespmem:s13+$0x20] =	vst v3;
	v2 =	vadd.f32 v11, v2;
	v3 =	vld [tilespmem:s24+$0xFFFFFFB0]  }
0x1a1: {  	v4 =	vadd.f32 v9, v5;
	v5 =	vld [tilespmem:s24+$0x30]  }
0x1a2: {  	v9 =	vld [tilespmem:s12+$0xFFFFFFB0];
	v2 =	vmax.f32 v2, $0.0e+00  }
0x1a3: {  	v4 =	vadd.f32 v7, v4;
	[tilespmem:s13+$0xFFFFFF30] =	vst v2;
	v2 =	vld [tilespmem:s12+$0x30]  }
0x1a4: {  	v7 =	vld [tilespmem:s24+$0xFFFFFF40]  }
0x1a5: {  	v4 =	vmax.f32 v4, $0.0e+00;
	v11 =	vld [tilespmem:s12+$0xFFFFFF40];
	v3 =	vadd.f32 v3, v10  }
0x1a6: {  	[tilespmem:s13+$0xC0] =	vst v4;
	v4 =	vadd.f32 v5, v8;
	v5 =	vld [tilespmem:s13+$0xD0]  }
0x1a7: {  	v8 =	vld [tilespmem:s24+$0xD0];
	v3 =	vadd.f32 v9, v3  }
0x1a8: {  	v10 =	vld [tilespmem:s13+$0xFFFFFFC0]  }
0x1a9: {  	v2 =	vadd.f32 v2, v4;
	v4 =	vld [tilespmem:s12+$0xD0];
	v3 =	vmax.f32 v3, $0.0e+00  }
0x1aa: {  	v9 =	vld [tilespmem:s13+$0x40];
	[tilespmem:s13+$0xFFFFFFB0] =	vst v3  }
0x1ab: {  	v2 =	vmax.f32 v2, $0.0e+00;
	v3 =	vld [tilespmem:s24+$0xFFFFFFC0]  }
0x1ac: {  	[tilespmem:s13+$0x30] =	vst v2;
	v5 =	vadd.f32 v8, v5;
	v8 =	vld [tilespmem:s12+$0xFFFFFFC0]  }
0x1ad: {  	v6 =	vadd.f32 v7, v6;
	v2 =	vld [tilespmem:s24+$0x40]  }
0x1ae: {  	v7 =	vld [tilespmem:s12+$0x40];
	v4 =	vadd.f32 v4, v5  }
0x1af: {  	v6 =	vadd.f32 v11, v6;
	v5 =	vld [tilespmem:s13+$0xFFFFFF50]  }
0x1b0: {  	v4 =	vmax.f32 v4, $0.0e+00;
	v3 =	vadd.f32 v3, v10;
	v10 =	vld [tilespmem:s13+$0xFFFFFFD0]  }
0x1b1: {  	[tilespmem:s13+$0xD0] =	vst v4;
	v4 =	vmax.f32 v6, $0.0e+00;
	v6 =	vld [tilespmem:s13+$0xE0]  }
0x1b2: {  	v2 =	vadd.f32 v2, v9;
	v9 =	vld [tilespmem:s13+$0x50];
	v3 =	vadd.f32 v8, v3  }
0x1b3: {  	[tilespmem:s13+$0xFFFFFF40] =	vst v4;
	v4 =	vld [tilespmem:s24+$0xE0]  }
0x1b4: {  	v2 =	vadd.f32 v7, v2;
	v7 =	vld [tilespmem:s24+$0xFFFFFF50];
	v3 =	vmax.f32 v3, $0.0e+00  }
0x1b5: {  	[tilespmem:s13+$0xFFFFFFC0] =	vst v3;
	v3 =	vld [tilespmem:s12+$0xE0]  }
0x1b6: {  	v11 =	vld [tilespmem:s12+$0xFFFFFF50];
	v2 =	vmax.f32 v2, $0.0e+00  }
0x1b7: {  	v8 =	vld [tilespmem:s24+$0xFFFFFFD0];
	[tilespmem:s13+$0x40] =	vst v2  }
0x1b8: {  	v4 =	vadd.f32 v4, v6;
	v2 =	vld [tilespmem:s24+$0x50]  }
0x1b9: {  	v6 =	vld [tilespmem:s12+$0xFFFFFFD0]  }
0x1ba: {  	v12 =	vld [tilespmem:s12+$0x50];
	v3 =	vadd.f32 v3, v4;
	v4 =	vadd.f32 v7, v5  }
0x1bb: {  	v30 =	vld [tilespmem:s14+$0x10]  }
0x1bc: {  	v31 =	vld [tilespmem:s14+$0xFFFFFF20];
	v7 =	vadd.f32 v8, v10;
	v4 =	vadd.f32 v11, v4  }
0x1bd: {  	v5 =	vld [tilespmem:s13+$0xFFFFFF60];
	v9 =	vadd.f32 v2, v9  }
0x1be: {  	v8 =	vld [tilespmem:s13+$0xFFFFFFE0];
	v6 =	vadd.f32 v6, v7;
	v4 =	vmax.f32 v4, $0.0e+00  }
0x1bf: {  	v7 =	vadd.f32 v12, v9;
	v9 =	vld [tilespmem:s13+$0x60];
	[tilespmem:s13+$0xFFFFFF50] =	vst v4  }
0x1c0: {  	v4 =	vmax.f32 v6, $0.0e+00;
	v6 =	vld [tilespmem:s24+$0xFFFFFF60]  }
0x1c1: {  	[tilespmem:s13+$0xFFFFFFD0] =	vst v4;
	v4 =	vmax.f32 v7, $0.0e+00;
	v11 =	vld [tilespmem:s12+$0xFFFFFF60]  }
0x1c2: {  	v7 =	vld [tilespmem:s24+$0xFFFFFFE0];
	[tilespmem:s13+$0x50] =	vst v4  }
0x1c3: {  	v4 =	vld [tilespmem:s24+$0x60]  }
0x1c4: {  	v12 =	vld [tilespmem:s12+$0xFFFFFFE0]  }
0x1c5: {  	v13 =	vld [tilespmem:s12+$0x60];
	v5 =	vadd.f32 v6, v5  }
0x1c6: {  	v35 =	vld [tilespmem:s14+$0xFFFFFFA0]  }
0x1c7: {  	v7 =	vadd.f32 v7, v8;
	v8 =	vadd.f32 v11, v5;
	v11 =	vld [tilespmem:s6+$0x80]  }
0x1c8: {  	v36 =	vld [tilespmem:s14+$0x20];
	v4 =	vadd.f32 v4, v9  }
0x1c9: {  	v37 =	vld [tilespmem:s14+$0xFFFFFF30];
	v7 =	vadd.f32 v12, v7  }
0x1ca: {  	v41 =	vld [tilespmem:s14+$0xFFFFFFB0];
	v12 =	vadd.f32 v13, v4;
	v13 =	vadd.f32 v15, v14  }
0x1cb: {  	v42 =	vld [tilespmem:s14+$0x30]  }
0x1cc: {  	v15 =	vld [tilespmem:s6+$0xFFFFFF00];
	v7 =	vmax.f32 v7, $0.0e+00;
	v11 =	vadd.f32 v11, v13  }
0x1cd: {  	[tilespmem:s13+$0xFFFFFFE0] =	vst v7;
	v7 =	vmax.f32 v12, $0.0e+00;
	v12 =	vld [tilespmem:s0+$0xFFFFFF00]  }
0x1ce: {  	v13 =	vld [tilespmem:s14+$0xFFFFFF00];
	v11 =	vmax.f32 v11, $0.0e+00  }
0x1cf: {  	[tilespmem:s14+$0x80] =	vst v11;
	v11 =	vld [tilespmem:s14+$0x90]  }
0x1d0: {  	v14 =	vld [tilespmem:s0+$0x90]  }
0x1d1: {  	v43 =	vld [tilespmem:s14+$0xFFFFFF40]  }
0x1d2: {  	v16 =	vld [tilespmem:s6+$0x90]  }
0x1d3: {  	v46 =	vld [tilespmem:s14+$0xFFFFFFC0];
	v12 =	vadd.f32 v12, v13  }
0x1d4: {  	v49 =	vld [tilespmem:s14+$0xFFFFFF50]  }
0x1d5: {  	v13 =	vld [tilespmem:s14+$0x0];
	v12 =	vadd.f32 v15, v12;
	v11 =	vadd.f32 v14, v11  }
0x1d6: {  	v14 =	vld [tilespmem:s0+$0x0]  }
0x1d7: {  	v15 =	vld [tilespmem:s6+$0xFFFFFF80];
	v12 =	vmax.f32 v12, $0.0e+00;
	v11 =	vadd.f32 v16, v11  }
0x1d8: {  	v50 =	vld [tilespmem:s14+$0xFFFFFFD0];
	[tilespmem:s14+$0xFFFFFF00] =	vst v12  }
0x1d9: {  	v12 =	vld [tilespmem:s0+$0xFFFFFF10];
	v11 =	vmax.f32 v11, $0.0e+00  }
0x1da: {  	v17 =	vadd.f32 v18, v17;
	[tilespmem:s14+$0x90] =	vst v11;
	v11 =	vld [tilespmem:s14+$0xA0]  }
0x1db: {  	v13 =	vadd.f32 v14, v13;
	v14 =	vld [tilespmem:s6+$0xFFFFFF10]  }
0x1dc: {  	v15 =	vadd.f32 v15, v17;
	v28 =	vld [tilespmem:s0+$0xA0]  }
0x1dd: {  	v52 =	vld [tilespmem:s14+$0x50];
	v13 =	vadd.f32 v19, v13  }
0x1de: {  	v15 =	vmax.f32 v15, $0.0e+00;
	v29 =	vld [tilespmem:s6+$0xA0];
	v12 =	vadd.f32 v12, v27  }
0x1df: {  	v55 =	vld [tilespmem:s14+$0xFFFFFF60];
	[tilespmem:s14+$0xFFFFFF80] =	vst v15;
	v13 =	vmax.f32 v13, $0.0e+00  }
0x1e0: {  	v15 =	vld [tilespmem:s0+$0xFFFFFF90];
	[tilespmem:s14+$0x0] =	vst v13;
	v12 =	vadd.f32 v14, v12  }
0x1e1: {  	v11 =	vadd.f32 v28, v11;
	v13 =	vld [tilespmem:s0+$0x10]  }
0x1e2: {  	v14 =	vld [tilespmem:s6+$0xFFFFFF90];
	v12 =	vmax.f32 v12, $0.0e+00  }
0x1e3: {  	v32 =	vld [tilespmem:s6+$0x10];
	v11 =	vadd.f32 v29, v11;
	[tilespmem:s14+$0xFFFFFF10] =	vst v12  }
0x1e4: {  	v12 =	vld [tilespmem:s0+$0xFFFFFF20]  }
0x1e5: {  	v15 =	vadd.f32 v15, v20;
	v34 =	vld [tilespmem:s6+$0xFFFFFF20];
	v11 =	vmax.f32 v11, $0.0e+00  }
0x1e6: {  	[tilespmem:s14+$0xA0] =	vst v11;
	v11 =	vld [tilespmem:s14+$0xB0];
	v13 =	vadd.f32 v13, v30  }
0x1e7: {  	v14 =	vadd.f32 v14, v15;
	v33 =	vld [tilespmem:s0+$0xB0]  }
0x1e8: {  	v56 =	vld [tilespmem:s14+$0xFFFFFFE0];
	v13 =	vadd.f32 v32, v13  }
0x1e9: {  	v15 =	vld [tilespmem:s6+$0xB0];
	v14 =	vmax.f32 v14, $0.0e+00;
	v12 =	vadd.f32 v12, v31  }
0x1ea: {  	v2 =	vld [tilespmem:s13+$0xF0];
	[tilespmem:s14+$0xFFFFFF90] =	vst v14;
	v13 =	vmax.f32 v13, $0.0e+00  }
0x1eb: {  	v14 =	vld [tilespmem:s0+$0xFFFFFFA0];
	[tilespmem:s14+$0x10] =	vst v13;
	v12 =	vadd.f32 v34, v12  }
0x1ec: {  	v11 =	vadd.f32 v33, v11;
	v13 =	vld [tilespmem:s0+$0x20]  }
0x1ed: {  	v38 =	vld [tilespmem:s6+$0x20];
	v12 =	vmax.f32 v12, $0.0e+00  }
0x1ee: {  	v11 =	vadd.f32 v15, v11;
	v15 =	vld [tilespmem:s6+$0xFFFFFFA0];
	[tilespmem:s14+$0xFFFFFF20] =	vst v12  }
0x1ef: {  	v12 =	vld [tilespmem:s0+$0xFFFFFF30]  }
0x1f0: {  	v40 =	vld [tilespmem:s6+$0xFFFFFF30];
	v11 =	vmax.f32 v11, $0.0e+00  }
0x1f1: {  	v3 =	vmax.f32 v3, $0.0e+00;
	v14 =	vadd.f32 v14, v35;
	[tilespmem:s14+$0xB0] =	vst v11;
	v11 =	vld [tilespmem:s14+$0xC0]  }
0x1f2: {  	[tilespmem:s13+$0xE0] =	vst v3;
	v13 =	vadd.f32 v13, v36;
	v39 =	vld [tilespmem:s0+$0xC0]  }
0x1f3: {  	v3 =	vld [tilespmem:s24+$0xF0];
	v14 =	vadd.f32 v15, v14  }
0x1f4: {  	v15 =	vld [tilespmem:s6+$0xC0];
	v13 =	vadd.f32 v38, v13  }
0x1f5: {  	v10 =	vld [tilespmem:s12+$0xF0];
	v12 =	vadd.f32 v12, v37;
	v14 =	vmax.f32 v14, $0.0e+00  }
0x1f6: {  	v6 =	vld [tilespmem:s13+$0xFFFFFF70];
	v13 =	vmax.f32 v13, $0.0e+00;
	[tilespmem:s14+$0xFFFFFFA0] =	vst v14  }
0x1f7: {  	[tilespmem:s14+$0x20] =	vst v13;
	v12 =	vadd.f32 v40, v12;
	v11 =	vadd.f32 v39, v11;
	v13 =	vld [tilespmem:s0+$0xFFFFFFB0]  }
0x1f8: {  	v14 =	vld [tilespmem:s0+$0x30]  }
0x1f9: {  	v2 =	vadd.f32 v3, v2;
	v12 =	vmax.f32 v12, $0.0e+00;
	v11 =	vadd.f32 v15, v11;
	v15 =	vld [tilespmem:s6+$0xFFFFFFB0]  }
0x1fa: {  	[tilespmem:s14+$0xFFFFFF30] =	vst v12;
	v12 =	vld [tilespmem:s6+$0x30]  }
0x1fb: {  	v2 =	vadd.f32 v10, v2;
	v10 =	vld [tilespmem:s14+$0xFFFFFFF0];
	v11 =	vmax.f32 v11, $0.0e+00  }
0x1fc: {  	v44 =	vld [tilespmem:s0+$0xFFFFFF40];
	[tilespmem:s14+$0xC0] =	vst v11;
	v11 =	vadd.f32 v13, v41  }
0x1fd: {  	v13 =	vld [tilespmem:s14+$0xD0];
	v14 =	vadd.f32 v14, v42  }
0x1fe: {  	v45 =	vld [tilespmem:s0+$0xD0];
	v11 =	vadd.f32 v15, v11  }
0x1ff: {  	v47 =	vld [tilespmem:s6+$0xFFFFFF40];
	v12 =	vadd.f32 v12, v14  }
0x200: {  	v14 =	vld [tilespmem:s6+$0xD0];
	v11 =	vmax.f32 v11, $0.0e+00  }
0x201: {  	v15 =	vld [tilespmem:s14+$0x40];
	[tilespmem:s14+$0xFFFFFFB0] =	vst v11;
	v11 =	vmax.f32 v12, $0.0e+00  }
0x202: {  	v12 =	vld [tilespmem:s0+$0xFFFFFFC0];
	[tilespmem:s14+$0x30] =	vst v11  }
0x203: {  	v11 =	vadd.f32 v45, v13;
	v13 =	vld [tilespmem:s0+$0x40]  }
0x204: {  	v48 =	vld [tilespmem:s6+$0xFFFFFFC0]  }
0x205: {  	v5 =	vld [tilespmem:s13+$0xFFFFFFF0];
	v11 =	vadd.f32 v14, v11  }
0x206: {  	v16 =	vadd.f32 v44, v43;
	v14 =	vld [tilespmem:s6+$0x40]  }
0x207: {  	v4 =	vld [tilespmem:s13+$0x70];
	v11 =	vmax.f32 v11, $0.0e+00;
	v12 =	vadd.f32 v12, v46  }
0x208: {  	v8 =	vmax.f32 v8, $0.0e+00;
	[tilespmem:s14+$0xD0] =	vst v11;
	v11 =	vadd.f32 v47, v16;
	v13 =	vadd.f32 v13, v15;
	v15 =	vld [tilespmem:s14+$0xE0]  }
0x209: {  	[tilespmem:s13+$0xFFFFFF60] =	vst v8;
	v51 =	vld [tilespmem:s0+$0xE0];
	v12 =	vadd.f32 v48, v12  }
0x20a: {  	v9 =	vld [tilespmem:s24+$0xFFFFFF70];
	v11 =	vmax.f32 v11, $0.0e+00  }
0x20b: {  	v13 =	vadd.f32 v14, v13;
	[tilespmem:s14+$0xFFFFFF40] =	vst v11;
	v11 =	vmax.f32 v12, $0.0e+00;
	v12 =	vld [tilespmem:s6+$0xE0]  }
0x20c: {  	v14 =	vld [tilespmem:s0+$0xFFFFFF50]  }
0x20d: {  	v53 =	vld [tilespmem:s6+$0xFFFFFF50];
	[tilespmem:s14+$0xFFFFFFC0] =	vst v11;
	v11 =	vmax.f32 v13, $0.0e+00  }
0x20e: {  	v13 =	vld [tilespmem:s0+$0xFFFFFFD0];
	[tilespmem:s14+$0x40] =	vst v11;
	v15 =	vadd.f32 v51, v15  }
0x20f: {  	v11 =	vld [tilespmem:s0+$0x50]  }
0x210: {  	v54 =	vld [tilespmem:s6+$0xFFFFFFD0];
	v12 =	vadd.f32 v12, v15  }
0x211: {  	v15 =	vld [tilespmem:s6+$0x50];
	v14 =	vadd.f32 v14, v49  }
0x212: {  	v62 =	vld [tilespmem:s12+$0xFFFFFF70];
	v12 =	vmax.f32 v12, $0.0e+00  }
0x213: {  	v8 =	vld [tilespmem:s24+$0xFFFFFFF0];
	v13 =	vadd.f32 v13, v50;
	[tilespmem:s14+$0xE0] =	vst v12;
	v12 =	vadd.f32 v53, v14  }
0x214: {  	v11 =	vadd.f32 v11, v52;
	v14 =	vld [tilespmem:s14+$0xF0]  }
0x215: {  	v13 =	vadd.f32 v54, v13;
	v57 =	vld [tilespmem:s0+$0xF0];
	v12 =	vmax.f32 v12, $0.0e+00  }
0x216: {  	v11 =	vadd.f32 v15, v11;
	v15 =	vld [tilespmem:s14+$0x60];
	[tilespmem:s14+$0xFFFFFF50] =	vst v12  }
0x217: {  	v12 =	vmax.f32 v13, $0.0e+00;
	v13 =	vld [tilespmem:s0+$0xFFFFFF60]  }
0x218: {  	[tilespmem:s14+$0xFFFFFFD0] =	vst v12;
	v11 =	vmax.f32 v11, $0.0e+00;
	v21 =	vld [tilespmem:s6+$0xFFFFFF60]  }
0x219: {  	v59 =	vld [tilespmem:s0+$0xFFFFFFE0];
	[tilespmem:s14+$0x50] =	vst v11  }
0x21a: {  	v11 =	vld [tilespmem:s0+$0x60]  }
0x21b: {  	v22 =	vld [tilespmem:s6+$0xFFFFFFE0]  }
0x21c: {  	v3 =	vld [tilespmem:s6+$0x60]  }
0x21d: {  	[tilespmem:s13+$0x60] =	vst v7;
	v58 =	vld [tilespmem:s6+$0xF0];
	v13 =	vadd.f32 v13, v55  }
0x21e: {  	v7 =	vld [tilespmem:s24+$0x70];
	v60 =	vadd.f32 v59, v56  }
0x21f: {  	v12 =	vld [tilespmem:s14+$0xFFFFFF70];
	v15 =	vadd.f32 v11, v15;
	v13 =	vadd.f32 v21, v13  }
0x220: {  	v2 =	vmax.f32 v2, $0.0e+00;
	v14 =	vadd.f32 v57, v14;
	v11 =	vld [tilespmem:s14+$0x70];
	v61 =	vadd.f32 v22, v60  }
0x221: {  	[tilespmem:s13+$0xF0] =	vst v2;
	v2 =	vmax.f32 v13, $0.0e+00;
	v3 =	vadd.f32 v3, v15;
	v13 =	vld [tilespmem:s12+$0xFFFFFFF0]  }
0x222: {  	v15 =	vadd.f32 v58, v14;
	v14 =	vld [tilespmem:s12+$0x70];
	[tilespmem:s14+$0xFFFFFF60] =	vst v2;
	v2 =	vmax.f32 v61, $0.0e+00  }
0x223: {  	v63 =	vadd.f32 v9, v6;
	[tilespmem:s14+$0xFFFFFFE0] =	vst v2;
	v9 =	vld [tilespmem:s0+$0xFFFFFF70];
	v3 =	vmax.f32 v3, $0.0e+00  }
0x224: {  	v2 =	vadd.f32 v8, v5;
	v6 =	vmax.f32 v15, $0.0e+00;
	v5 =	vld [tilespmem:s0+$0xFFFFFFF0];
	[tilespmem:s14+$0x60] =	vst v3  }
0x225: {  	s25 =	simm.s32 $0x5F0;
	s24 =	simm.s32 $0x2BF0;
	s12 =	simm.s32 $0x4;
	v3 =	vadd.f32 v7, v4;
	[tilespmem:s14+$0xF0] =	vst v6;
	v4 =	vadd.f32 v62, v63;
	v6 =	vld [tilespmem:s0+$0x70]  }
.LBB2_5:
0x226: {  	v7 =	vld [tilespmem:s25+$0x80];
	s0 =	sadd.s32 $0x200, s0;
	v2 =	vadd.f32 v13, v2  }
0x227: {  	s12 =	sadd.s32 $0x4, s12;
	v8 =	vld [tilespmem:s0+$0x80];
	v13 =	vmax.f32 v4, $0.0e+00;
	v3 =	vadd.f32 v14, v3  }
0x228: {  	s6 =	sadd.s32 $0x200, s6;
	p1 =	slt.u32 s12, $0x24;
	v14 =	vld [tilespmem:s0+$0xFFFFFF00];
	v4 =	vadd.f32 v9, v12;
	[tilespmem:s13+$0xFFFFFF70] =	vst v13;
	v9 =	vmax.f32 v2, $0.0e+00  }
0x229: {  	v12 =	vld [tilespmem:s6+$0x80];
	v2 =	vadd.f32 v5, v10;
	[tilespmem:s13+$0xFFFFFFF0] =	vst v9;
	v5 =	vmax.f32 v3, $0.0e+00  }
0x22a: {  	v9 =	vld [tilespmem:s25+$0xFFFFFF80];
	v3 =	vadd.f32 v6, v11;
	[tilespmem:s13+$0x70] =	vst v5;
	s13 =	smov.u32 s14;
	s14 =	smov.u32 s25  }
0x22b: {  	v5 =	vld [tilespmem:s0+$0xFFFFFF80]  }
0x22c: {  	v6 =	vld [tilespmem:s25+$0x0];
	v7 =	vadd.f32 v8, v7  }
0x22d: {  	v8 =	vld [tilespmem:s0+$0x0]  }
0x22e: {  	v10 =	vld [tilespmem:s25+$0xFFFFFF00];
	v7 =	vadd.f32 v12, v7  }
0x22f: {  	v11 =	vld [tilespmem:s6+$0xFFFFFF00]  }
0x230: {  	v5 =	vadd.f32 v5, v9;
	v9 =	vld [tilespmem:s6+$0xFFFFFF80];
	v7 =	vmax.f32 v7, $0.0e+00  }
0x231: {  	[tilespmem:s25+$0x80] =	vst v7;
	v7 =	vld [tilespmem:s25+$0x90]  }
0x232: {  	v6 =	vadd.f32 v8, v6;
	v8 =	vld [tilespmem:s0+$0x90]  }
0x233: {  	v10 =	vadd.f32 v14, v10;
	v12 =	vld [tilespmem:s6+$0x0]  }
0x234: {  	v13 =	vld [tilespmem:s6+$0x90]  }
0x235: {  	v10 =	vadd.f32 v11, v10;
	v11 =	vld [tilespmem:s25+$0xFFFFFF10];
	v5 =	vadd.f32 v9, v5  }
0x236: {  	v9 =	vld [tilespmem:s25+$0xFFFFFF90]  }
0x237: {  	v10 =	vmax.f32 v10, $0.0e+00;
	v5 =	vmax.f32 v5, $0.0e+00;
	v14 =	vld [tilespmem:s25+$0x10];
	v7 =	vadd.f32 v8, v7  }
0x238: {  	[tilespmem:s25+$0xFFFFFF00] =	vst v10;
	v8 =	vld [tilespmem:s25+$0xFFFFFF20];
	v6 =	vadd.f32 v12, v6  }
0x239: {  	v10 =	vld [tilespmem:s0+$0xFFFFFF10];
	[tilespmem:s25+$0xFFFFFF80] =	vst v5;
	v5 =	vadd.f32 v13, v7  }
0x23a: {  	v7 =	vld [tilespmem:s0+$0xFFFFFF90];
	v6 =	vmax.f32 v6, $0.0e+00  }
0x23b: {  	v12 =	vld [tilespmem:s6+$0xFFFFFF10];
	[tilespmem:s25+$0x0] =	vst v6;
	v5 =	vmax.f32 v5, $0.0e+00  }
0x23c: {  	[tilespmem:s25+$0x90] =	vst v5;
	v5 =	vld [tilespmem:s25+$0xA0]  }
0x23d: {  	v6 =	vld [tilespmem:s0+$0xA0]  }
0x23e: {  	v10 =	vadd.f32 v10, v11;
	v11 =	vld [tilespmem:s0+$0x10]  }
0x23f: {  	v7 =	vadd.f32 v7, v9;
	v9 =	vld [tilespmem:s6+$0xA0]  }
0x240: {  	v10 =	vadd.f32 v12, v10;
	v12 =	vld [tilespmem:s6+$0xFFFFFF90]  }
0x241: {  	v13 =	vld [tilespmem:s6+$0x10]  }
0x242: {  	v10 =	vmax.f32 v10, $0.0e+00;
	v15 =	vld [tilespmem:s25+$0xFFFFFFA0];
	v5 =	vadd.f32 v6, v5  }
0x243: {  	[tilespmem:s25+$0xFFFFFF10] =	vst v10;
	v6 =	vadd.f32 v11, v14;
	v10 =	vld [tilespmem:s25+$0x20]  }
0x244: {  	v11 =	vld [tilespmem:s0+$0xFFFFFF20];
	v5 =	vadd.f32 v9, v5  }
0x245: {  	v9 =	vld [tilespmem:s6+$0xFFFFFF20];
	v7 =	vadd.f32 v12, v7  }
0x246: {  	v12 =	vld [tilespmem:s25+$0xFFFFFF30];
	v6 =	vadd.f32 v13, v6;
	v5 =	vmax.f32 v5, $0.0e+00  }
0x247: {  	v7 =	vmax.f32 v7, $0.0e+00;
	[tilespmem:s25+$0xA0] =	vst v5;
	v5 =	vld [tilespmem:s25+$0xB0]  }
0x248: {  	[tilespmem:s25+$0xFFFFFF90] =	vst v7;
	v6 =	vmax.f32 v6, $0.0e+00;
	v7 =	vld [tilespmem:s0+$0xB0]  }
0x249: {  	v8 =	vadd.f32 v11, v8;
	v11 =	vld [tilespmem:s0+$0xFFFFFFA0];
	[tilespmem:s25+$0x10] =	vst v6  }
0x24a: {  	v6 =	vld [tilespmem:s6+$0xB0]  }
0x24b: {  	v8 =	vadd.f32 v9, v8;
	v9 =	vld [tilespmem:s0+$0x20]  }
0x24c: {  	v13 =	vld [tilespmem:s6+$0xFFFFFFA0]  }
0x24d: {  	v8 =	vmax.f32 v8, $0.0e+00;
	v14 =	vld [tilespmem:s6+$0x20];
	v5 =	vadd.f32 v7, v5  }
0x24e: {  	[tilespmem:s25+$0xFFFFFF20] =	vst v8;
	v7 =	vadd.f32 v11, v15;
	v8 =	vld [tilespmem:s25+$0xFFFFFFB0]  }
0x24f: {  	v11 =	vld [tilespmem:s0+$0xFFFFFF30];
	v5 =	vadd.f32 v6, v5  }
0x250: {  	v6 =	vadd.f32 v9, v10;
	v9 =	vld [tilespmem:s25+$0x30]  }
0x251: {  	v10 =	vld [tilespmem:s6+$0xFFFFFF30];
	v7 =	vadd.f32 v13, v7;
	v5 =	vmax.f32 v5, $0.0e+00  }
0x252: {  	v6 =	vadd.f32 v14, v6;
	[tilespmem:s25+$0xB0] =	vst v5;
	v5 =	vld [tilespmem:s25+$0xC0]  }
0x253: {  	v7 =	vmax.f32 v7, $0.0e+00;
	v13 =	vld [tilespmem:s0+$0xC0]  }
0x254: {  	v11 =	vadd.f32 v11, v12;
	v12 =	vld [tilespmem:s25+$0xFFFFFF40];
	[tilespmem:s25+$0xFFFFFFA0] =	vst v7;
	v6 =	vmax.f32 v6, $0.0e+00  }
0x255: {  	[tilespmem:s25+$0x20] =	vst v6;
	v6 =	vld [tilespmem:s6+$0xC0]  }
0x256: {  	v7 =	vadd.f32 v10, v11;
	v10 =	vld [tilespmem:s0+$0xFFFFFFB0]  }
0x257: {  	v11 =	vld [tilespmem:s0+$0x30]  }
0x258: {  	v7 =	vmax.f32 v7, $0.0e+00;
	v14 =	vld [tilespmem:s6+$0xFFFFFFB0];
	v5 =	vadd.f32 v13, v5  }
0x259: {  	[tilespmem:s25+$0xFFFFFF30] =	vst v7;
	v7 =	vld [tilespmem:s6+$0x30]  }
0x25a: {  	v13 =	vld [tilespmem:s0+$0xFFFFFF40];
	v5 =	vadd.f32 v6, v5  }
0x25b: {  	v6 =	vadd.f32 v10, v8;
	v8 =	vld [tilespmem:s25+$0xFFFFFFC0]  }
0x25c: {  	v9 =	vadd.f32 v11, v9;
	v10 =	vld [tilespmem:s25+$0x40];
	v5 =	vmax.f32 v5, $0.0e+00  }
0x25d: {  	v6 =	vadd.f32 v14, v6;
	[tilespmem:s25+$0xC0] =	vst v5;
	v5 =	vld [tilespmem:s25+$0xD0]  }
0x25e: {  	v7 =	vadd.f32 v7, v9;
	v9 =	vld [tilespmem:s0+$0xD0]  }
0x25f: {  	v11 =	vadd.f32 v13, v12;
	v12 =	vld [tilespmem:s6+$0xFFFFFF40];
	v6 =	vmax.f32 v6, $0.0e+00  }
0x260: {  	[tilespmem:s25+$0xFFFFFFB0] =	vst v6;
	v6 =	vmax.f32 v7, $0.0e+00;
	v7 =	vld [tilespmem:s6+$0xD0]  }
0x261: {  	v13 =	vld [tilespmem:s0+$0xFFFFFFC0];
	[tilespmem:s25+$0x30] =	vst v6  }
0x262: {  	v6 =	vld [tilespmem:s0+$0x40]  }
0x263: {  	v14 =	vld [tilespmem:s6+$0xFFFFFFC0];
	v5 =	vadd.f32 v9, v5  }
0x264: {  	v9 =	vadd.f32 v12, v11;
	v11 =	vld [tilespmem:s6+$0x40]  }
0x265: {  	v12 =	vld [tilespmem:s25+$0xFFFFFF50];
	v5 =	vadd.f32 v7, v5  }
0x266: {  	v7 =	vmax.f32 v9, $0.0e+00;
	v8 =	vadd.f32 v13, v8;
	v9 =	vld [tilespmem:s25+$0xFFFFFFD0]  }
0x267: {  	[tilespmem:s25+$0xFFFFFF40] =	vst v7;
	v6 =	vadd.f32 v6, v10;
	v7 =	vld [tilespmem:s25+$0x50];
	v5 =	vmax.f32 v5, $0.0e+00  }
0x268: {  	v8 =	vadd.f32 v14, v8;
	[tilespmem:s25+$0xD0] =	vst v5;
	v5 =	vld [tilespmem:s25+$0xE0]  }
0x269: {  	v6 =	vadd.f32 v11, v6;
	v10 =	vld [tilespmem:s0+$0xE0]  }
0x26a: {  	v11 =	vld [tilespmem:s0+$0xFFFFFF50];
	v8 =	vmax.f32 v8, $0.0e+00  }
0x26b: {  	[tilespmem:s25+$0xFFFFFFC0] =	vst v8;
	v6 =	vmax.f32 v6, $0.0e+00;
	v8 =	vld [tilespmem:s6+$0xE0]  }
0x26c: {  	v13 =	vld [tilespmem:s0+$0xFFFFFFD0];
	[tilespmem:s25+$0x40] =	vst v6  }
0x26d: {  	v6 =	vld [tilespmem:s0+$0x50]  }
0x26e: {  	v14 =	vld [tilespmem:s6+$0xFFFFFF50];
	v5 =	vadd.f32 v10, v5  }
0x26f: {  	v10 =	vadd.f32 v11, v12;
	v11 =	vld [tilespmem:s6+$0xFFFFFFD0]  }
0x270: {  	v12 =	vld [tilespmem:s6+$0x50];
	v5 =	vadd.f32 v8, v5  }
0x271: {  	v8 =	vld [tilespmem:s25+$0xFFFFFF60];
	v9 =	vadd.f32 v13, v9  }
0x272: {  	v13 =	vld [tilespmem:s25+$0xFFFFFFE0];
	v6 =	vadd.f32 v6, v7;
	v5 =	vmax.f32 v5, $0.0e+00  }
0x273: {  	v7 =	vadd.f32 v14, v10;
	[tilespmem:s25+$0xE0] =	vst v5;
	v5 =	vld [tilespmem:s25+$0xF0]  }
0x274: {  	v9 =	vadd.f32 v11, v9;
	v10 =	vld [tilespmem:s0+$0xF0]  }
0x275: {  	v7 =	vmax.f32 v7, $0.0e+00;
	v6 =	vadd.f32 v12, v6;
	v11 =	vld [tilespmem:s25+$0x60]  }
0x276: {  	[tilespmem:s25+$0xFFFFFF50] =	vst v7;
	v7 =	vmax.f32 v9, $0.0e+00;
	v9 =	vld [tilespmem:s6+$0xF0]  }
0x277: {  	v12 =	vld [tilespmem:s0+$0xFFFFFF60];
	[tilespmem:s25+$0xFFFFFFD0] =	vst v7;
	v6 =	vmax.f32 v6, $0.0e+00  }
0x278: {  	v7 =	vld [tilespmem:s0+$0xFFFFFFE0];
	[tilespmem:s25+$0x50] =	vst v6  }
0x279: {  	v6 =	vld [tilespmem:s0+$0x60];
	v5 =	vadd.f32 v10, v5  }
0x27a: {  	v14 =	vld [tilespmem:s6+$0xFFFFFF60]  }
0x27b: {  	v15 =	vld [tilespmem:s6+$0xFFFFFFE0];
	v5 =	vadd.f32 v9, v5  }
0x27c: {  	v8 =	vadd.f32 v12, v8;
	v9 =	vld [tilespmem:s6+$0x60]  }
0x27d: {  	v12 =	vld [tilespmem:s25+$0xFFFFFF70];
	v7 =	vadd.f32 v7, v13;
	v5 =	vmax.f32 v5, $0.0e+00  }
0x27e: {  	v10 =	vld [tilespmem:s25+$0xFFFFFFF0];
	v6 =	vadd.f32 v6, v11;
	[tilespmem:s25+$0xF0] =	vst v5  }
0x27f: {  	v5 =	vadd.f32 v14, v8;
	v11 =	vld [tilespmem:s25+$0x70]  }
0x280: {  	v7 =	vadd.f32 v15, v7;
	v8 =	vld [tilespmem:s24+$0xFFFFFF70]  }
.Ltmp3:
0x281: {  	v5 =	vmax.f32 v5, $0.0e+00;
	v6 =	vadd.f32 v9, v6;
	v13 =	vld [tilespmem:s24+$0xFFFFFFF0];
	(pc) =	sbr.rel @p1 .LBB2_5-.Ltmp3, $4  }
0x282: {  	[tilespmem:s25+$0xFFFFFF60] =	vst v5;
	v5 =	vmax.f32 v7, $0.0e+00;
	v14 =	vld [tilespmem:s24+$0x70];
	s24 =	smov.u32 s6  }
0x283: {  	v9 =	vld [tilespmem:s0+$0xFFFFFF70];
	[tilespmem:s25+$0xFFFFFFE0] =	vst v5;
	v6 =	vmax.f32 v6, $0.0e+00  }
0x284: {  	v5 =	vld [tilespmem:s0+$0xFFFFFFF0];
	[tilespmem:s25+$0x60] =	vst v6  }
0x285: {  	s25 =	sadd.s32 $0x200, s25;
	v6 =	vld [tilespmem:s0+$0x70];
	v4 =	vadd.f32 v8, v4  }
0x286: {  	v7 =	vld [tilespmem:s24+$0xFFFFFF70]  }
0x287: {  	v8 =	vld [tilespmem:s24+$0xFFFFFFF0]  }
0x288: {  	v15 =	vld [tilespmem:s24+$0x70]  }
0x289: {  	v2 =	vadd.f32 v13, v2;
	v9 =	vadd.f32 v9, v12  }
0x28a: {  	v4 =	vmax.f32 v4, $0.0e+00;
	v3 =	vadd.f32 v14, v3;
	v5 =	vadd.f32 v5, v10  }
0x28b: {  	[tilespmem:s13+$0xFFFFFF70] =	vst v4;
	v2 =	vmax.f32 v2, $0.0e+00;
	v4 =	vadd.f32 v6, v11;
	v6 =	vadd.f32 v7, v9  }
0x28c: {  	[tilespmem:s13+$0xFFFFFFF0] =	vst v2;
	v2 =	vmax.f32 v3, $0.0e+00;
	v3 =	vadd.f32 v8, v5  }
0x28d: {  	[tilespmem:s13+$0x70] =	vst v2;
	v4 =	vadd.f32 v15, v4;
	v2 =	vmax.f32 v6, $0.0e+00  }
0x28e: {  	[tilespmem:s14+$0xFFFFFF70] =	vst v2;
	v2 =	vmax.f32 v3, $0.0e+00  }
0x28f: {  	[tilespmem:s14+$0xFFFFFFF0] =	vst v2;
	v2 =	vmax.f32 v4, $0.0e+00  }
0x290: {  	[tilespmem:s14+$0x70] =	vst v2  }
0x291: {  	v2 =	vld [tilespmem:$0x28]  }
0x292: {  	v3 =	vld [tilespmem:$0x38]  }
0x293: {  	v4 =	vld [tilespmem:$0x40];
	_ =	sdelay $0x2  }
0x294: {  	[tilespmem:$0xA0] =	vst v2  }
0x295: {  	[tilespmem:$0xB0] =	vst v3  }
0x296: {  	p1 =	seq.s32 s10, $0x7C;
	[tilespmem:$0xB8] =	vst v4  }
0x297: {  	[spmem:s2] =	stream.indirect.scatter.add.f32 [tilespmem:s15], [sflag:$0x5], $0x80, s26, s18, $0xb8;
	[tilespmem:$0x1DB00] =	vst v63  }
0x298: {  	s0 =	simm.s32 @p1 $0x2  }
0x299: {  	[spmem:s3] =	stream.indirect.scatter.add.f32 [tilespmem:s17], [sflag:$0x5], $0x10, s26, s18, $0xb8;
	[tilespmem:$0x1DB00] =	vst v63  }
0x29a: {  	_ =	swait.ge @p1 [sflag:s0], $0x1400  }
0x29b: {  	[sflag:s0] =	ssyncset.done @p1 $0x0  }
0x29c: {  	[sflag:s0] =	ssyncadd.s32 @p1 $0xFFFFEC00  }
0x29d: {  	_ =	swait.ge @p1 [sflag:s0], $0x1400  }
0x29e: {  	[sflag:s0] =	ssyncset.done @p1 $0x0  }
0x29f: {  	s6 =	sadd.s32 @!p1 s11, s30;
	[sflag:s0] =	ssyncadd.s32 @p1 $0xFFFFEC00  }
0x2a0: {  	s12 =	smul.u32 @!p1 $0x5, s6;
	_ =	swait.ge @p1 [sflag:s0], $0x1400  }
0x2a1: {  	[sflag:s0] =	ssyncset.done @p1 $0x0  }
0x2a2: {  	s13 =	simm.s32 @!p1 $0x0;
	[sflag:s0] =	ssyncadd.s32 @p1 $0xFFFFEC00;
	s0 =	sadd.s32 @!p1 s8, s12  }
0x2a3: {  	[tilespmem:s13], [sflag:$0x3] =	stream.linear.gather @!p1 [hbm4b:s0+s13], $0x28, $0x38;
	[tilespmem:$0x1DB00] =	vst v63  }
0x2a4: {  	s0 =	sadd.s32 @!p1 s9, s12;
	s12 =	simm.s32 @!p1 $0x28  }
0x2a5: {  	[tilespmem:s12], [sflag:$0x3] =	stream.linear.gather @!p1 [hbm4b:s0+s13], $0x28, $0x38;
	[tilespmem:$0x1DB00] =	vst v63  }
0x2a6: {  	s0 =	simm.s32 @!p1 $0x2  }
0x2a7: {  	_ =	swait.ge @!p1 [sflag:s0], $0x1400  }
0x2a8: {  	[sflag:s0] =	ssyncset.done @!p1 $0x0  }
0x2a9: {  	[sflag:s0] =	ssyncadd.s32 @!p1 $0xFFFFEC00  }
0x2aa: {  	_ =	swait.ge @!p1 [sflag:s0], $0x1400  }
0x2ab: {  	[sflag:s0] =	ssyncset.done @!p1 $0x0  }
0x2ac: {  	[sflag:s0] =	ssyncadd.s32 @!p1 $0xFFFFEC00  }
0x2ad: {  	_ =	swait.ge @!p1 [sflag:s0], $0x1400  }
0x2ae: {  	[sflag:s0] =	ssyncset.done @!p1 $0x0  }
0x2af: {  	[sflag:s0] =	ssyncadd.s32 @!p1 $0xFFFFEC00;
	s0 =	simm.s32 @!p1 $0x5  }
0x2b0: {  	_ =	swait.ge @!p1 [sflag:s0], $0x1400  }
0x2b1: {  	[sflag:s0] =	ssyncset.done @!p1 $0x0  }
0x2b2: {  	[sflag:s0] =	ssyncadd.s32 @!p1 $0xFFFFEC00  }
0x2b3: {  	_ =	swait.ge @!p1 [sflag:s0], $0x280  }
0x2b4: {  	[sflag:s0] =	ssyncset.done @!p1 $0x0  }
0x2b5: {  	[sflag:s0] =	ssyncadd.s32 @!p1 $0xFFFFFD80;
	s0 =	simm.s32 @!p1 $0x3  }
0x2b6: {  	_ =	swait.ge @!p1 [sflag:s0], $0x28  }
0x2b7: {  	[sflag:s0] =	ssyncset.done @!p1 $0x0  }
0x2b8: {  	[sflag:s0] =	ssyncadd.s32 @!p1 $0xFFFFFFD8  }
0x2b9: {  	_ =	swait.ge @!p1 [sflag:s0], $0x28  }
0x2ba: {  	[sflag:s0] =	ssyncset.done @!p1 $0x0  }
0x2bb: {  	[sflag:s0] =	ssyncadd.s32 @!p1 $0xFFFFFFD8;
	s0 =	simm.s32 @!p1 $0xF0  }
0x2bc: {  	[tilespmem:s0], [sflag:$0x1] =	stream.indirect.gather @!p1 [hbm4b:s1+s12], $0x80, s13, s12, $0xb8;
	[tilespmem:$0x1DB00] =	vst v63  }
0x2bd: {  	s6 =	smul.u32 @!p1 $0x280, s6;
	s0 =	simm.s32 @!p1 $0x14F0  }
0x2be: {  	[tilespmem:s0], [sflag:$0x1] =	stream.indirect.gather @!p1 [hbm4b:s5+s12], $0x80, s12, s12, $0xb8;
	[tilespmem:$0x1DB00] =	vst v63  }
0x2bf: {  	s0 =	sadd.s32 @!p1 s7, s6;
	s6 =	simm.s32 @!p1 $0x28F0  }
0x2c0: {  	[tilespmem:s6], [sflag:$0x1] =	stream.linear.gather @!p1 [hbm4b:s0+s13], $0x1400, $0x38;
	[tilespmem:$0x1DB00] =	vst v63  }
0x2c1: {  	s13 =	simm.s32 $0x3DF0  }
0x2c2: {  	s12 =	simm.s32 $0x51F0;
	v2 =	vld [tilespmem:s13+$0x80]  }
0x2c3: {  	s25 =	simm.s32 $0x65F0;
	v3 =	vld [tilespmem:s12+$0x80]  }
0x2c4: {  	v4 =	vld [tilespmem:s25+$0x80]  }
0x2c5: {  	v5 =	vld [tilespmem:s25+$0xFFFFFF00]  }
0x2c6: {  	v7 =	vld [tilespmem:s13+$0xFFFFFF80]  }
0x2c7: {  	v9 =	vld [tilespmem:s12+$0xFFFFFF80]  }
0x2c8: {  	s14 =	simm.s32 $0x3FF0;
	v10 =	vld [tilespmem:s12+$0x0]  }
0x2c9: {  	s0 =	simm.s32 $0x53F0;
	v14 =	vld [tilespmem:s14+$0x80]  }
0x2ca: {  	v15 =	vld [tilespmem:s0+$0x80]  }
0x2cb: {  	v17 =	vld [tilespmem:s14+$0xFFFFFF80];
	v2 =	vadd.f32 v3, v2  }
0x2cc: {  	v18 =	vld [tilespmem:s0+$0xFFFFFF80]  }
0x2cd: {  	v3 =	vld [tilespmem:s12+$0xFFFFFF00];
	v2 =	vadd.f32 v4, v2  }
0x2ce: {  	v4 =	vld [tilespmem:s13+$0xFFFFFF00]  }
0x2cf: {  	v27 =	vld [tilespmem:s14+$0xFFFFFF10];
	v2 =	vmax.f32 v2, $0.0e+00  }
0x2d0: {  	[tilespmem:s13+$0x80] =	vst v2;
	v2 =	vld [tilespmem:s13+$0x90]  }
0x2d1: {  	v6 =	vld [tilespmem:s12+$0x90]  }
0x2d2: {  	v8 =	vld [tilespmem:s25+$0x90]  }
0x2d3: {  	s6 =	simm.s32 $0x67F0;
	v3 =	vadd.f32 v3, v4;
	v4 =	vld [tilespmem:s13+$0x0]  }
0x2d4: {  	v19 =	vld [tilespmem:s6+$0x0]  }
0x2d5: {  	v20 =	vld [tilespmem:s14+$0xFFFFFF90]  }
0x2d6: {  	v3 =	vadd.f32 v5, v3;
	v5 =	vld [tilespmem:s25+$0xFFFFFF80];
	v2 =	vadd.f32 v6, v2  }
0x2d7: {  	v6 =	vld [tilespmem:s13+$0xFFFFFF10]  }
0x2d8: {  	v3 =	vmax.f32 v3, $0.0e+00;
	v4 =	vadd.f32 v10, v4;
	v10 =	vld [tilespmem:s13+$0x10];
	v2 =	vadd.f32 v8, v2  }
0x2d9: {  	[tilespmem:s13+$0xFFFFFF00] =	vst v3;
	v8 =	vld [tilespmem:s25+$0x0]  }
0x2da: {  	v3 =	vld [tilespmem:s12+$0xFFFFFF10];
	v2 =	vmax.f32 v2, $0.0e+00  }
0x2db: {  	v11 =	vld [tilespmem:s25+$0xFFFFFF10];
	[tilespmem:s13+$0x90] =	vst v2;
	v2 =	vadd.f32 v9, v7  }
0x2dc: {  	v7 =	vld [tilespmem:s13+$0xA0]  }
0x2dd: {  	v9 =	vld [tilespmem:s12+$0xA0];
	v2 =	vadd.f32 v5, v2  }
0x2de: {  	v5 =	vld [tilespmem:s13+$0xFFFFFF90];
	v4 =	vadd.f32 v8, v4  }
0x2df: {  	v8 =	vld [tilespmem:s25+$0xA0];
	v3 =	vadd.f32 v3, v6;
	v2 =	vmax.f32 v2, $0.0e+00  }
0x2e0: {  	v6 =	vld [tilespmem:s13+$0xFFFFFF20];
	[tilespmem:s13+$0xFFFFFF80] =	vst v2;
	v2 =	vmax.f32 v4, $0.0e+00  }
0x2e1: {  	v4 =	vld [tilespmem:s12+$0xFFFFFF90];
	[tilespmem:s13+$0x0] =	vst v2;
	v2 =	vadd.f32 v11, v3  }
0x2e2: {  	v3 =	vadd.f32 v9, v7;
	v9 =	vld [tilespmem:s25+$0xFFFFFF90]  }
0x2e3: {  	v7 =	vld [tilespmem:s12+$0x10];
	v2 =	vmax.f32 v2, $0.0e+00  }
0x2e4: {  	v3 =	vadd.f32 v8, v3;
	v8 =	vld [tilespmem:s25+$0x10];
	[tilespmem:s13+$0xFFFFFF10] =	vst v2  }
0x2e5: {  	v2 =	vld [tilespmem:s12+$0xFFFFFF20]  }
0x2e6: {  	v3 =	vmax.f32 v3, $0.0e+00;
	v11 =	vld [tilespmem:s25+$0xFFFFFF20]  }
0x2e7: {  	[tilespmem:s13+$0xA0] =	vst v3;
	v3 =	vadd.f32 v4, v5;
	v4 =	vld [tilespmem:s13+$0xB0]  }
0x2e8: {  	v5 =	vadd.f32 v7, v10;
	v7 =	vld [tilespmem:s12+$0xB0]  }
0x2e9: {  	v10 =	vld [tilespmem:s13+$0xFFFFFFA0];
	v3 =	vadd.f32 v9, v3  }
0x2ea: {  	v9 =	vld [tilespmem:s13+$0x20]  }
0x2eb: {  	v5 =	vadd.f32 v8, v5;
	v8 =	vld [tilespmem:s25+$0xB0];
	v3 =	vmax.f32 v3, $0.0e+00;
	v2 =	vadd.f32 v2, v6  }
0x2ec: {  	v6 =	vld [tilespmem:s13+$0xFFFFFF30];
	[tilespmem:s13+$0xFFFFFF90] =	vst v3  }
0x2ed: {  	v3 =	vmax.f32 v5, $0.0e+00;
	v5 =	vld [tilespmem:s12+$0xFFFFFFA0];
	v2 =	vadd.f32 v11, v2  }
0x2ee: {  	[tilespmem:s13+$0x10] =	vst v3;
	v3 =	vadd.f32 v7, v4;
	v7 =	vld [tilespmem:s25+$0xFFFFFFA0]  }
0x2ef: {  	v4 =	vld [tilespmem:s12+$0x20];
	v2 =	vmax.f32 v2, $0.0e+00  }
0x2f0: {  	v3 =	vadd.f32 v8, v3;
	v8 =	vld [tilespmem:s25+$0x20];
	[tilespmem:s13+$0xFFFFFF20] =	vst v2  }
0x2f1: {  	v2 =	vld [tilespmem:s12+$0xFFFFFF30]  }
0x2f2: {  	v3 =	vmax.f32 v3, $0.0e+00;
	v11 =	vld [tilespmem:s25+$0xFFFFFF30]  }
0x2f3: {  	[tilespmem:s13+$0xB0] =	vst v3;
	v3 =	vadd.f32 v5, v10;
	v5 =	vld [tilespmem:s13+$0xC0]  }
0x2f4: {  	v10 =	vld [tilespmem:s13+$0xFFFFFFB0];
	v4 =	vadd.f32 v4, v9  }
0x2f5: {  	v9 =	vld [tilespmem:s12+$0xC0];
	v3 =	vadd.f32 v7, v3  }
0x2f6: {  	v7 =	vld [tilespmem:s25+$0xC0];
	v4 =	vadd.f32 v8, v4  }
0x2f7: {  	v8 =	vld [tilespmem:s13+$0x30];
	v3 =	vmax.f32 v3, $0.0e+00;
	v2 =	vadd.f32 v2, v6  }
0x2f8: {  	v6 =	vld [tilespmem:s13+$0xFFFFFF40];
	[tilespmem:s13+$0xFFFFFFA0] =	vst v3;
	v3 =	vmax.f32 v4, $0.0e+00  }
0x2f9: {  	[tilespmem:s13+$0x20] =	vst v3;
	v2 =	vadd.f32 v11, v2;
	v3 =	vld [tilespmem:s12+$0xFFFFFFB0]  }
0x2fa: {  	v4 =	vadd.f32 v9, v5;
	v5 =	vld [tilespmem:s12+$0x30]  }
0x2fb: {  	v9 =	vld [tilespmem:s25+$0xFFFFFFB0];
	v2 =	vmax.f32 v2, $0.0e+00  }
0x2fc: {  	v4 =	vadd.f32 v7, v4;
	[tilespmem:s13+$0xFFFFFF30] =	vst v2;
	v2 =	vld [tilespmem:s25+$0x30]  }
0x2fd: {  	v7 =	vld [tilespmem:s12+$0xFFFFFF40]  }
0x2fe: {  	v4 =	vmax.f32 v4, $0.0e+00;
	v11 =	vld [tilespmem:s25+$0xFFFFFF40];
	v3 =	vadd.f32 v3, v10  }
0x2ff: {  	[tilespmem:s13+$0xC0] =	vst v4;
	v4 =	vadd.f32 v5, v8;
	v5 =	vld [tilespmem:s13+$0xD0]  }
0x300: {  	v8 =	vld [tilespmem:s12+$0xD0];
	v3 =	vadd.f32 v9, v3  }
0x301: {  	v10 =	vld [tilespmem:s13+$0xFFFFFFC0]  }
0x302: {  	v2 =	vadd.f32 v2, v4;
	v4 =	vld [tilespmem:s25+$0xD0];
	v3 =	vmax.f32 v3, $0.0e+00  }
0x303: {  	v9 =	vld [tilespmem:s13+$0x40];
	[tilespmem:s13+$0xFFFFFFB0] =	vst v3  }
0x304: {  	v2 =	vmax.f32 v2, $0.0e+00;
	v3 =	vld [tilespmem:s12+$0xFFFFFFC0]  }
0x305: {  	[tilespmem:s13+$0x30] =	vst v2;
	v5 =	vadd.f32 v8, v5;
	v8 =	vld [tilespmem:s25+$0xFFFFFFC0]  }
0x306: {  	v6 =	vadd.f32 v7, v6;
	v2 =	vld [tilespmem:s12+$0x40]  }
0x307: {  	v7 =	vld [tilespmem:s25+$0x40];
	v4 =	vadd.f32 v4, v5  }
0x308: {  	v6 =	vadd.f32 v11, v6;
	v5 =	vld [tilespmem:s13+$0xFFFFFF50]  }
0x309: {  	v4 =	vmax.f32 v4, $0.0e+00;
	v3 =	vadd.f32 v3, v10;
	v10 =	vld [tilespmem:s13+$0xFFFFFFD0]  }
0x30a: {  	[tilespmem:s13+$0xD0] =	vst v4;
	v4 =	vmax.f32 v6, $0.0e+00;
	v6 =	vld [tilespmem:s13+$0xE0]  }
0x30b: {  	v2 =	vadd.f32 v2, v9;
	v9 =	vld [tilespmem:s13+$0x50];
	v3 =	vadd.f32 v8, v3  }
0x30c: {  	[tilespmem:s13+$0xFFFFFF40] =	vst v4;
	v4 =	vld [tilespmem:s12+$0xE0]  }
0x30d: {  	v2 =	vadd.f32 v7, v2;
	v7 =	vld [tilespmem:s12+$0xFFFFFF50];
	v3 =	vmax.f32 v3, $0.0e+00  }
0x30e: {  	[tilespmem:s13+$0xFFFFFFC0] =	vst v3;
	v3 =	vld [tilespmem:s25+$0xE0]  }
0x30f: {  	v11 =	vld [tilespmem:s25+$0xFFFFFF50];
	v2 =	vmax.f32 v2, $0.0e+00  }
0x310: {  	v8 =	vld [tilespmem:s12+$0xFFFFFFD0];
	[tilespmem:s13+$0x40] =	vst v2  }
0x311: {  	v4 =	vadd.f32 v4, v6;
	v2 =	vld [tilespmem:s12+$0x50]  }
0x312: {  	v6 =	vld [tilespmem:s25+$0xFFFFFFD0]  }
0x313: {  	v12 =	vld [tilespmem:s25+$0x50];
	v3 =	vadd.f32 v3, v4;
	v4 =	vadd.f32 v7, v5  }
0x314: {  	v30 =	vld [tilespmem:s14+$0x10]  }
0x315: {  	v31 =	vld [tilespmem:s14+$0xFFFFFF20];
	v7 =	vadd.f32 v8, v10;
	v4 =	vadd.f32 v11, v4  }
0x316: {  	v5 =	vld [tilespmem:s13+$0xFFFFFF60];
	v9 =	vadd.f32 v2, v9  }
0x317: {  	v8 =	vld [tilespmem:s13+$0xFFFFFFE0];
	v6 =	vadd.f32 v6, v7;
	v4 =	vmax.f32 v4, $0.0e+00  }
0x318: {  	v7 =	vadd.f32 v12, v9;
	v9 =	vld [tilespmem:s13+$0x60];
	[tilespmem:s13+$0xFFFFFF50] =	vst v4  }
0x319: {  	v4 =	vmax.f32 v6, $0.0e+00;
	v6 =	vld [tilespmem:s12+$0xFFFFFF60]  }
0x31a: {  	[tilespmem:s13+$0xFFFFFFD0] =	vst v4;
	v4 =	vmax.f32 v7, $0.0e+00;
	v11 =	vld [tilespmem:s25+$0xFFFFFF60]  }
0x31b: {  	v7 =	vld [tilespmem:s12+$0xFFFFFFE0];
	[tilespmem:s13+$0x50] =	vst v4  }
0x31c: {  	v4 =	vld [tilespmem:s12+$0x60]  }
0x31d: {  	v12 =	vld [tilespmem:s25+$0xFFFFFFE0]  }
0x31e: {  	v13 =	vld [tilespmem:s25+$0x60];
	v5 =	vadd.f32 v6, v5  }
0x31f: {  	v35 =	vld [tilespmem:s14+$0xFFFFFFA0]  }
0x320: {  	v7 =	vadd.f32 v7, v8;
	v8 =	vadd.f32 v11, v5;
	v11 =	vld [tilespmem:s6+$0x80]  }
0x321: {  	v36 =	vld [tilespmem:s14+$0x20];
	v4 =	vadd.f32 v4, v9  }
0x322: {  	v37 =	vld [tilespmem:s14+$0xFFFFFF30];
	v7 =	vadd.f32 v12, v7  }
0x323: {  	v41 =	vld [tilespmem:s14+$0xFFFFFFB0];
	v12 =	vadd.f32 v13, v4;
	v13 =	vadd.f32 v15, v14  }
0x324: {  	v42 =	vld [tilespmem:s14+$0x30]  }
0x325: {  	v15 =	vld [tilespmem:s6+$0xFFFFFF00];
	v7 =	vmax.f32 v7, $0.0e+00;
	v11 =	vadd.f32 v11, v13  }
0x326: {  	[tilespmem:s13+$0xFFFFFFE0] =	vst v7;
	v7 =	vmax.f32 v12, $0.0e+00;
	v12 =	vld [tilespmem:s0+$0xFFFFFF00]  }
0x327: {  	v13 =	vld [tilespmem:s14+$0xFFFFFF00];
	v11 =	vmax.f32 v11, $0.0e+00  }
0x328: {  	[tilespmem:s14+$0x80] =	vst v11;
	v11 =	vld [tilespmem:s14+$0x90]  }
0x329: {  	v14 =	vld [tilespmem:s0+$0x90]  }
0x32a: {  	v43 =	vld [tilespmem:s14+$0xFFFFFF40]  }
0x32b: {  	v16 =	vld [tilespmem:s6+$0x90]  }
0x32c: {  	v46 =	vld [tilespmem:s14+$0xFFFFFFC0];
	v12 =	vadd.f32 v12, v13  }
0x32d: {  	v49 =	vld [tilespmem:s14+$0xFFFFFF50]  }
0x32e: {  	v13 =	vld [tilespmem:s14+$0x0];
	v12 =	vadd.f32 v15, v12;
	v11 =	vadd.f32 v14, v11  }
0x32f: {  	v14 =	vld [tilespmem:s0+$0x0]  }
0x330: {  	v15 =	vld [tilespmem:s6+$0xFFFFFF80];
	v12 =	vmax.f32 v12, $0.0e+00;
	v11 =	vadd.f32 v16, v11  }
0x331: {  	v50 =	vld [tilespmem:s14+$0xFFFFFFD0];
	[tilespmem:s14+$0xFFFFFF00] =	vst v12  }
0x332: {  	v12 =	vld [tilespmem:s0+$0xFFFFFF10];
	v11 =	vmax.f32 v11, $0.0e+00  }
0x333: {  	v17 =	vadd.f32 v18, v17;
	[tilespmem:s14+$0x90] =	vst v11;
	v11 =	vld [tilespmem:s14+$0xA0]  }
0x334: {  	v13 =	vadd.f32 v14, v13;
	v14 =	vld [tilespmem:s6+$0xFFFFFF10]  }
0x335: {  	v15 =	vadd.f32 v15, v17;
	v28 =	vld [tilespmem:s0+$0xA0]  }
0x336: {  	v52 =	vld [tilespmem:s14+$0x50];
	v13 =	vadd.f32 v19, v13  }
0x337: {  	v15 =	vmax.f32 v15, $0.0e+00;
	v29 =	vld [tilespmem:s6+$0xA0];
	v12 =	vadd.f32 v12, v27  }
0x338: {  	v55 =	vld [tilespmem:s14+$0xFFFFFF60];
	[tilespmem:s14+$0xFFFFFF80] =	vst v15;
	v13 =	vmax.f32 v13, $0.0e+00  }
0x339: {  	v15 =	vld [tilespmem:s0+$0xFFFFFF90];
	[tilespmem:s14+$0x0] =	vst v13;
	v12 =	vadd.f32 v14, v12  }
0x33a: {  	v11 =	vadd.f32 v28, v11;
	v13 =	vld [tilespmem:s0+$0x10]  }
0x33b: {  	v14 =	vld [tilespmem:s6+$0xFFFFFF90];
	v12 =	vmax.f32 v12, $0.0e+00  }
0x33c: {  	v32 =	vld [tilespmem:s6+$0x10];
	v11 =	vadd.f32 v29, v11;
	[tilespmem:s14+$0xFFFFFF10] =	vst v12  }
0x33d: {  	v12 =	vld [tilespmem:s0+$0xFFFFFF20]  }
0x33e: {  	v15 =	vadd.f32 v15, v20;
	v34 =	vld [tilespmem:s6+$0xFFFFFF20];
	v11 =	vmax.f32 v11, $0.0e+00  }
0x33f: {  	[tilespmem:s14+$0xA0] =	vst v11;
	v11 =	vld [tilespmem:s14+$0xB0];
	v13 =	vadd.f32 v13, v30  }
0x340: {  	v14 =	vadd.f32 v14, v15;
	v33 =	vld [tilespmem:s0+$0xB0]  }
0x341: {  	v56 =	vld [tilespmem:s14+$0xFFFFFFE0];
	v13 =	vadd.f32 v32, v13  }
0x342: {  	v15 =	vld [tilespmem:s6+$0xB0];
	v14 =	vmax.f32 v14, $0.0e+00;
	v12 =	vadd.f32 v12, v31  }
0x343: {  	v2 =	vld [tilespmem:s13+$0xF0];
	[tilespmem:s14+$0xFFFFFF90] =	vst v14;
	v13 =	vmax.f32 v13, $0.0e+00  }
0x344: {  	v14 =	vld [tilespmem:s0+$0xFFFFFFA0];
	[tilespmem:s14+$0x10] =	vst v13;
	v12 =	vadd.f32 v34, v12  }
0x345: {  	v11 =	vadd.f32 v33, v11;
	v13 =	vld [tilespmem:s0+$0x20]  }
0x346: {  	v38 =	vld [tilespmem:s6+$0x20];
	v12 =	vmax.f32 v12, $0.0e+00  }
0x347: {  	v11 =	vadd.f32 v15, v11;
	v15 =	vld [tilespmem:s6+$0xFFFFFFA0];
	[tilespmem:s14+$0xFFFFFF20] =	vst v12  }
0x348: {  	v12 =	vld [tilespmem:s0+$0xFFFFFF30]  }
0x349: {  	v40 =	vld [tilespmem:s6+$0xFFFFFF30];
	v11 =	vmax.f32 v11, $0.0e+00  }
0x34a: {  	v3 =	vmax.f32 v3, $0.0e+00;
	v14 =	vadd.f32 v14, v35;
	[tilespmem:s14+$0xB0] =	vst v11;
	v11 =	vld [tilespmem:s14+$0xC0]  }
0x34b: {  	[tilespmem:s13+$0xE0] =	vst v3;
	v13 =	vadd.f32 v13, v36;
	v39 =	vld [tilespmem:s0+$0xC0]  }
0x34c: {  	v3 =	vld [tilespmem:s12+$0xF0];
	v14 =	vadd.f32 v15, v14  }
0x34d: {  	v15 =	vld [tilespmem:s6+$0xC0];
	v13 =	vadd.f32 v38, v13  }
0x34e: {  	v10 =	vld [tilespmem:s25+$0xF0];
	v12 =	vadd.f32 v12, v37;
	v14 =	vmax.f32 v14, $0.0e+00  }
0x34f: {  	v6 =	vld [tilespmem:s13+$0xFFFFFF70];
	v13 =	vmax.f32 v13, $0.0e+00;
	[tilespmem:s14+$0xFFFFFFA0] =	vst v14  }
0x350: {  	[tilespmem:s14+$0x20] =	vst v13;
	v12 =	vadd.f32 v40, v12;
	v11 =	vadd.f32 v39, v11;
	v13 =	vld [tilespmem:s0+$0xFFFFFFB0]  }
0x351: {  	v14 =	vld [tilespmem:s0+$0x30]  }
0x352: {  	v2 =	vadd.f32 v3, v2;
	v12 =	vmax.f32 v12, $0.0e+00;
	v11 =	vadd.f32 v15, v11;
	v15 =	vld [tilespmem:s6+$0xFFFFFFB0]  }
0x353: {  	[tilespmem:s14+$0xFFFFFF30] =	vst v12;
	v12 =	vld [tilespmem:s6+$0x30]  }
0x354: {  	v2 =	vadd.f32 v10, v2;
	v10 =	vld [tilespmem:s14+$0xFFFFFFF0];
	v11 =	vmax.f32 v11, $0.0e+00  }
0x355: {  	v44 =	vld [tilespmem:s0+$0xFFFFFF40];
	[tilespmem:s14+$0xC0] =	vst v11;
	v11 =	vadd.f32 v13, v41  }
0x356: {  	v13 =	vld [tilespmem:s14+$0xD0];
	v14 =	vadd.f32 v14, v42  }
0x357: {  	v45 =	vld [tilespmem:s0+$0xD0];
	v11 =	vadd.f32 v15, v11  }
0x358: {  	v47 =	vld [tilespmem:s6+$0xFFFFFF40];
	v12 =	vadd.f32 v12, v14  }
0x359: {  	v14 =	vld [tilespmem:s6+$0xD0];
	v11 =	vmax.f32 v11, $0.0e+00  }
0x35a: {  	v15 =	vld [tilespmem:s14+$0x40];
	[tilespmem:s14+$0xFFFFFFB0] =	vst v11;
	v11 =	vmax.f32 v12, $0.0e+00  }
0x35b: {  	v12 =	vld [tilespmem:s0+$0xFFFFFFC0];
	[tilespmem:s14+$0x30] =	vst v11  }
0x35c: {  	v11 =	vadd.f32 v45, v13;
	v13 =	vld [tilespmem:s0+$0x40]  }
0x35d: {  	v48 =	vld [tilespmem:s6+$0xFFFFFFC0]  }
0x35e: {  	v5 =	vld [tilespmem:s13+$0xFFFFFFF0];
	v11 =	vadd.f32 v14, v11  }
0x35f: {  	v16 =	vadd.f32 v44, v43;
	v14 =	vld [tilespmem:s6+$0x40]  }
0x360: {  	v4 =	vld [tilespmem:s13+$0x70];
	v11 =	vmax.f32 v11, $0.0e+00;
	v12 =	vadd.f32 v12, v46  }
0x361: {  	v8 =	vmax.f32 v8, $0.0e+00;
	[tilespmem:s14+$0xD0] =	vst v11;
	v11 =	vadd.f32 v47, v16;
	v13 =	vadd.f32 v13, v15;
	v15 =	vld [tilespmem:s14+$0xE0]  }
0x362: {  	[tilespmem:s13+$0xFFFFFF60] =	vst v8;
	v51 =	vld [tilespmem:s0+$0xE0];
	v12 =	vadd.f32 v48, v12  }
0x363: {  	v9 =	vld [tilespmem:s12+$0xFFFFFF70];
	v11 =	vmax.f32 v11, $0.0e+00  }
0x364: {  	v13 =	vadd.f32 v14, v13;
	[tilespmem:s14+$0xFFFFFF40] =	vst v11;
	v11 =	vmax.f32 v12, $0.0e+00;
	v12 =	vld [tilespmem:s6+$0xE0]  }
0x365: {  	v14 =	vld [tilespmem:s0+$0xFFFFFF50]  }
0x366: {  	v53 =	vld [tilespmem:s6+$0xFFFFFF50];
	[tilespmem:s14+$0xFFFFFFC0] =	vst v11;
	v11 =	vmax.f32 v13, $0.0e+00  }
0x367: {  	v13 =	vld [tilespmem:s0+$0xFFFFFFD0];
	[tilespmem:s14+$0x40] =	vst v11;
	v15 =	vadd.f32 v51, v15  }
0x368: {  	v11 =	vld [tilespmem:s0+$0x50]  }
0x369: {  	v54 =	vld [tilespmem:s6+$0xFFFFFFD0];
	v12 =	vadd.f32 v12, v15  }
0x36a: {  	v15 =	vld [tilespmem:s6+$0x50];
	v14 =	vadd.f32 v14, v49  }
0x36b: {  	v62 =	vld [tilespmem:s25+$0xFFFFFF70];
	v12 =	vmax.f32 v12, $0.0e+00  }
0x36c: {  	v8 =	vld [tilespmem:s12+$0xFFFFFFF0];
	v13 =	vadd.f32 v13, v50;
	[tilespmem:s14+$0xE0] =	vst v12;
	v12 =	vadd.f32 v53, v14  }
0x36d: {  	v11 =	vadd.f32 v11, v52;
	v14 =	vld [tilespmem:s14+$0xF0]  }
0x36e: {  	v13 =	vadd.f32 v54, v13;
	v57 =	vld [tilespmem:s0+$0xF0];
	v12 =	vmax.f32 v12, $0.0e+00  }
0x36f: {  	v11 =	vadd.f32 v15, v11;
	v15 =	vld [tilespmem:s14+$0x60];
	[tilespmem:s14+$0xFFFFFF50] =	vst v12  }
0x370: {  	v12 =	vmax.f32 v13, $0.0e+00;
	v13 =	vld [tilespmem:s0+$0xFFFFFF60]  }
0x371: {  	[tilespmem:s14+$0xFFFFFFD0] =	vst v12;
	v11 =	vmax.f32 v11, $0.0e+00;
	v21 =	vld [tilespmem:s6+$0xFFFFFF60]  }
0x372: {  	v59 =	vld [tilespmem:s0+$0xFFFFFFE0];
	[tilespmem:s14+$0x50] =	vst v11  }
0x373: {  	v11 =	vld [tilespmem:s0+$0x60]  }
0x374: {  	v22 =	vld [tilespmem:s6+$0xFFFFFFE0]  }
0x375: {  	v3 =	vld [tilespmem:s6+$0x60]  }
0x376: {  	[tilespmem:s13+$0x60] =	vst v7;
	v58 =	vld [tilespmem:s6+$0xF0];
	v13 =	vadd.f32 v13, v55  }
0x377: {  	v7 =	vld [tilespmem:s12+$0x70];
	v60 =	vadd.f32 v59, v56  }
0x378: {  	v12 =	vld [tilespmem:s14+$0xFFFFFF70];
	v15 =	vadd.f32 v11, v15;
	v13 =	vadd.f32 v21, v13  }
0x379: {  	v2 =	vmax.f32 v2, $0.0e+00;
	v14 =	vadd.f32 v57, v14;
	v11 =	vld [tilespmem:s14+$0x70];
	v61 =	vadd.f32 v22, v60  }
0x37a: {  	[tilespmem:s13+$0xF0] =	vst v2;
	v2 =	vmax.f32 v13, $0.0e+00;
	v3 =	vadd.f32 v3, v15;
	v13 =	vld [tilespmem:s25+$0xFFFFFFF0]  }
0x37b: {  	v15 =	vadd.f32 v58, v14;
	v14 =	vld [tilespmem:s25+$0x70];
	[tilespmem:s14+$0xFFFFFF60] =	vst v2;
	v2 =	vmax.f32 v61, $0.0e+00  }
0x37c: {  	v63 =	vadd.f32 v9, v6;
	[tilespmem:s14+$0xFFFFFFE0] =	vst v2;
	v9 =	vld [tilespmem:s0+$0xFFFFFF70];
	v3 =	vmax.f32 v3, $0.0e+00  }
0x37d: {  	v2 =	vadd.f32 v8, v5;
	v6 =	vmax.f32 v15, $0.0e+00;
	v5 =	vld [tilespmem:s0+$0xFFFFFFF0];
	[tilespmem:s14+$0x60] =	vst v3  }
0x37e: {  	s24 =	simm.s32 $0x67F0;
	s12 =	simm.s32 $0x4;
	s25 =	simm.s32 $0x41F0;
	v3 =	vadd.f32 v7, v4;
	[tilespmem:s14+$0xF0] =	vst v6;
	v4 =	vadd.f32 v62, v63;
	v6 =	vld [tilespmem:s0+$0x70]  }
.LBB2_7:
0x37f: {  	v7 =	vld [tilespmem:s25+$0x80];
	s0 =	sadd.s32 $0x200, s0;
	v2 =	vadd.f32 v13, v2  }
0x380: {  	s12 =	sadd.s32 $0x4, s12;
	v8 =	vld [tilespmem:s0+$0x80];
	v13 =	vmax.f32 v4, $0.0e+00;
	v3 =	vadd.f32 v14, v3  }
0x381: {  	s6 =	sadd.s32 $0x200, s6;
	p2 =	slt.u32 s12, $0x24;
	v14 =	vld [tilespmem:s0+$0xFFFFFF00];
	v4 =	vadd.f32 v9, v12;
	[tilespmem:s13+$0xFFFFFF70] =	vst v13;
	v9 =	vmax.f32 v2, $0.0e+00  }
0x382: {  	v12 =	vld [tilespmem:s6+$0x80];
	v2 =	vadd.f32 v5, v10;
	[tilespmem:s13+$0xFFFFFFF0] =	vst v9;
	v5 =	vmax.f32 v3, $0.0e+00  }
0x383: {  	v9 =	vld [tilespmem:s25+$0xFFFFFF80];
	v3 =	vadd.f32 v6, v11;
	[tilespmem:s13+$0x70] =	vst v5;
	s13 =	smov.u32 s14;
	s14 =	smov.u32 s25  }
0x384: {  	v5 =	vld [tilespmem:s0+$0xFFFFFF80]  }
0x385: {  	v6 =	vld [tilespmem:s25+$0x0];
	v7 =	vadd.f32 v8, v7  }
0x386: {  	v8 =	vld [tilespmem:s0+$0x0]  }
0x387: {  	v10 =	vld [tilespmem:s25+$0xFFFFFF00];
	v7 =	vadd.f32 v12, v7  }
0x388: {  	v11 =	vld [tilespmem:s6+$0xFFFFFF00]  }
0x389: {  	v5 =	vadd.f32 v5, v9;
	v9 =	vld [tilespmem:s6+$0xFFFFFF80];
	v7 =	vmax.f32 v7, $0.0e+00  }
0x38a: {  	[tilespmem:s25+$0x80] =	vst v7;
	v7 =	vld [tilespmem:s25+$0x90]  }
0x38b: {  	v6 =	vadd.f32 v8, v6;
	v8 =	vld [tilespmem:s0+$0x90]  }
0x38c: {  	v10 =	vadd.f32 v14, v10;
	v12 =	vld [tilespmem:s6+$0x0]  }
0x38d: {  	v13 =	vld [tilespmem:s6+$0x90]  }
0x38e: {  	v10 =	vadd.f32 v11, v10;
	v11 =	vld [tilespmem:s25+$0xFFFFFF10];
	v5 =	vadd.f32 v9, v5  }
0x38f: {  	v9 =	vld [tilespmem:s25+$0xFFFFFF90]  }
0x390: {  	v10 =	vmax.f32 v10, $0.0e+00;
	v5 =	vmax.f32 v5, $0.0e+00;
	v14 =	vld [tilespmem:s25+$0x10];
	v7 =	vadd.f32 v8, v7  }
0x391: {  	[tilespmem:s25+$0xFFFFFF00] =	vst v10;
	v8 =	vld [tilespmem:s25+$0xFFFFFF20];
	v6 =	vadd.f32 v12, v6  }
0x392: {  	v10 =	vld [tilespmem:s0+$0xFFFFFF10];
	[tilespmem:s25+$0xFFFFFF80] =	vst v5;
	v5 =	vadd.f32 v13, v7  }
0x393: {  	v7 =	vld [tilespmem:s0+$0xFFFFFF90];
	v6 =	vmax.f32 v6, $0.0e+00  }
0x394: {  	v12 =	vld [tilespmem:s6+$0xFFFFFF10];
	[tilespmem:s25+$0x0] =	vst v6;
	v5 =	vmax.f32 v5, $0.0e+00  }
0x395: {  	[tilespmem:s25+$0x90] =	vst v5;
	v5 =	vld [tilespmem:s25+$0xA0]  }
0x396: {  	v6 =	vld [tilespmem:s0+$0xA0]  }
0x397: {  	v10 =	vadd.f32 v10, v11;
	v11 =	vld [tilespmem:s0+$0x10]  }
0x398: {  	v7 =	vadd.f32 v7, v9;
	v9 =	vld [tilespmem:s6+$0xA0]  }
0x399: {  	v10 =	vadd.f32 v12, v10;
	v12 =	vld [tilespmem:s6+$0xFFFFFF90]  }
0x39a: {  	v13 =	vld [tilespmem:s6+$0x10]  }
0x39b: {  	v10 =	vmax.f32 v10, $0.0e+00;
	v15 =	vld [tilespmem:s25+$0xFFFFFFA0];
	v5 =	vadd.f32 v6, v5  }
0x39c: {  	[tilespmem:s25+$0xFFFFFF10] =	vst v10;
	v6 =	vadd.f32 v11, v14;
	v10 =	vld [tilespmem:s25+$0x20]  }
0x39d: {  	v11 =	vld [tilespmem:s0+$0xFFFFFF20];
	v5 =	vadd.f32 v9, v5  }
0x39e: {  	v9 =	vld [tilespmem:s6+$0xFFFFFF20];
	v7 =	vadd.f32 v12, v7  }
0x39f: {  	v12 =	vld [tilespmem:s25+$0xFFFFFF30];
	v6 =	vadd.f32 v13, v6;
	v5 =	vmax.f32 v5, $0.0e+00  }
0x3a0: {  	v7 =	vmax.f32 v7, $0.0e+00;
	[tilespmem:s25+$0xA0] =	vst v5;
	v5 =	vld [tilespmem:s25+$0xB0]  }
0x3a1: {  	[tilespmem:s25+$0xFFFFFF90] =	vst v7;
	v6 =	vmax.f32 v6, $0.0e+00;
	v7 =	vld [tilespmem:s0+$0xB0]  }
0x3a2: {  	v8 =	vadd.f32 v11, v8;
	v11 =	vld [tilespmem:s0+$0xFFFFFFA0];
	[tilespmem:s25+$0x10] =	vst v6  }
0x3a3: {  	v6 =	vld [tilespmem:s6+$0xB0]  }
0x3a4: {  	v8 =	vadd.f32 v9, v8;
	v9 =	vld [tilespmem:s0+$0x20]  }
0x3a5: {  	v13 =	vld [tilespmem:s6+$0xFFFFFFA0]  }
0x3a6: {  	v8 =	vmax.f32 v8, $0.0e+00;
	v14 =	vld [tilespmem:s6+$0x20];
	v5 =	vadd.f32 v7, v5  }
0x3a7: {  	[tilespmem:s25+$0xFFFFFF20] =	vst v8;
	v7 =	vadd.f32 v11, v15;
	v8 =	vld [tilespmem:s25+$0xFFFFFFB0]  }
0x3a8: {  	v11 =	vld [tilespmem:s0+$0xFFFFFF30];
	v5 =	vadd.f32 v6, v5  }
0x3a9: {  	v6 =	vadd.f32 v9, v10;
	v9 =	vld [tilespmem:s25+$0x30]  }
0x3aa: {  	v10 =	vld [tilespmem:s6+$0xFFFFFF30];
	v7 =	vadd.f32 v13, v7;
	v5 =	vmax.f32 v5, $0.0e+00  }
0x3ab: {  	v6 =	vadd.f32 v14, v6;
	[tilespmem:s25+$0xB0] =	vst v5;
	v5 =	vld [tilespmem:s25+$0xC0]  }
0x3ac: {  	v7 =	vmax.f32 v7, $0.0e+00;
	v13 =	vld [tilespmem:s0+$0xC0]  }
0x3ad: {  	v11 =	vadd.f32 v11, v12;
	v12 =	vld [tilespmem:s25+$0xFFFFFF40];
	[tilespmem:s25+$0xFFFFFFA0] =	vst v7;
	v6 =	vmax.f32 v6, $0.0e+00  }
0x3ae: {  	[tilespmem:s25+$0x20] =	vst v6;
	v6 =	vld [tilespmem:s6+$0xC0]  }
0x3af: {  	v7 =	vadd.f32 v10, v11;
	v10 =	vld [tilespmem:s0+$0xFFFFFFB0]  }
0x3b0: {  	v11 =	vld [tilespmem:s0+$0x30]  }
0x3b1: {  	v7 =	vmax.f32 v7, $0.0e+00;
	v14 =	vld [tilespmem:s6+$0xFFFFFFB0];
	v5 =	vadd.f32 v13, v5  }
0x3b2: {  	[tilespmem:s25+$0xFFFFFF30] =	vst v7;
	v7 =	vld [tilespmem:s6+$0x30]  }
0x3b3: {  	v13 =	vld [tilespmem:s0+$0xFFFFFF40];
	v5 =	vadd.f32 v6, v5  }
0x3b4: {  	v6 =	vadd.f32 v10, v8;
	v8 =	vld [tilespmem:s25+$0xFFFFFFC0]  }
0x3b5: {  	v9 =	vadd.f32 v11, v9;
	v10 =	vld [tilespmem:s25+$0x40];
	v5 =	vmax.f32 v5, $0.0e+00  }
0x3b6: {  	v6 =	vadd.f32 v14, v6;
	[tilespmem:s25+$0xC0] =	vst v5;
	v5 =	vld [tilespmem:s25+$0xD0]  }
0x3b7: {  	v7 =	vadd.f32 v7, v9;
	v9 =	vld [tilespmem:s0+$0xD0]  }
0x3b8: {  	v11 =	vadd.f32 v13, v12;
	v12 =	vld [tilespmem:s6+$0xFFFFFF40];
	v6 =	vmax.f32 v6, $0.0e+00  }
0x3b9: {  	[tilespmem:s25+$0xFFFFFFB0] =	vst v6;
	v6 =	vmax.f32 v7, $0.0e+00;
	v7 =	vld [tilespmem:s6+$0xD0]  }
0x3ba: {  	v13 =	vld [tilespmem:s0+$0xFFFFFFC0];
	[tilespmem:s25+$0x30] =	vst v6  }
0x3bb: {  	v6 =	vld [tilespmem:s0+$0x40]  }
0x3bc: {  	v14 =	vld [tilespmem:s6+$0xFFFFFFC0];
	v5 =	vadd.f32 v9, v5  }
0x3bd: {  	v9 =	vadd.f32 v12, v11;
	v11 =	vld [tilespmem:s6+$0x40]  }
0x3be: {  	v12 =	vld [tilespmem:s25+$0xFFFFFF50];
	v5 =	vadd.f32 v7, v5  }
0x3bf: {  	v7 =	vmax.f32 v9, $0.0e+00;
	v8 =	vadd.f32 v13, v8;
	v9 =	vld [tilespmem:s25+$0xFFFFFFD0]  }
0x3c0: {  	[tilespmem:s25+$0xFFFFFF40] =	vst v7;
	v6 =	vadd.f32 v6, v10;
	v7 =	vld [tilespmem:s25+$0x50];
	v5 =	vmax.f32 v5, $0.0e+00  }
0x3c1: {  	v8 =	vadd.f32 v14, v8;
	[tilespmem:s25+$0xD0] =	vst v5;
	v5 =	vld [tilespmem:s25+$0xE0]  }
0x3c2: {  	v6 =	vadd.f32 v11, v6;
	v10 =	vld [tilespmem:s0+$0xE0]  }
0x3c3: {  	v11 =	vld [tilespmem:s0+$0xFFFFFF50];
	v8 =	vmax.f32 v8, $0.0e+00  }
0x3c4: {  	[tilespmem:s25+$0xFFFFFFC0] =	vst v8;
	v6 =	vmax.f32 v6, $0.0e+00;
	v8 =	vld [tilespmem:s6+$0xE0]  }
0x3c5: {  	v13 =	vld [tilespmem:s0+$0xFFFFFFD0];
	[tilespmem:s25+$0x40] =	vst v6  }
0x3c6: {  	v6 =	vld [tilespmem:s0+$0x50]  }
0x3c7: {  	v14 =	vld [tilespmem:s6+$0xFFFFFF50];
	v5 =	vadd.f32 v10, v5  }
0x3c8: {  	v10 =	vadd.f32 v11, v12;
	v11 =	vld [tilespmem:s6+$0xFFFFFFD0]  }
0x3c9: {  	v12 =	vld [tilespmem:s6+$0x50];
	v5 =	vadd.f32 v8, v5  }
0x3ca: {  	v8 =	vld [tilespmem:s25+$0xFFFFFF60];
	v9 =	vadd.f32 v13, v9  }
0x3cb: {  	v13 =	vld [tilespmem:s25+$0xFFFFFFE0];
	v6 =	vadd.f32 v6, v7;
	v5 =	vmax.f32 v5, $0.0e+00  }
0x3cc: {  	v7 =	vadd.f32 v14, v10;
	[tilespmem:s25+$0xE0] =	vst v5;
	v5 =	vld [tilespmem:s25+$0xF0]  }
0x3cd: {  	v9 =	vadd.f32 v11, v9;
	v10 =	vld [tilespmem:s0+$0xF0]  }
0x3ce: {  	v7 =	vmax.f32 v7, $0.0e+00;
	v6 =	vadd.f32 v12, v6;
	v11 =	vld [tilespmem:s25+$0x60]  }
0x3cf: {  	[tilespmem:s25+$0xFFFFFF50] =	vst v7;
	v7 =	vmax.f32 v9, $0.0e+00;
	v9 =	vld [tilespmem:s6+$0xF0]  }
0x3d0: {  	v12 =	vld [tilespmem:s0+$0xFFFFFF60];
	[tilespmem:s25+$0xFFFFFFD0] =	vst v7;
	v6 =	vmax.f32 v6, $0.0e+00  }
0x3d1: {  	v7 =	vld [tilespmem:s0+$0xFFFFFFE0];
	[tilespmem:s25+$0x50] =	vst v6  }
0x3d2: {  	v6 =	vld [tilespmem:s0+$0x60];
	v5 =	vadd.f32 v10, v5  }
0x3d3: {  	v14 =	vld [tilespmem:s6+$0xFFFFFF60]  }
0x3d4: {  	v15 =	vld [tilespmem:s6+$0xFFFFFFE0];
	v5 =	vadd.f32 v9, v5  }
0x3d5: {  	v8 =	vadd.f32 v12, v8;
	v9 =	vld [tilespmem:s6+$0x60]  }
0x3d6: {  	v12 =	vld [tilespmem:s25+$0xFFFFFF70];
	v7 =	vadd.f32 v7, v13;
	v5 =	vmax.f32 v5, $0.0e+00  }
0x3d7: {  	v10 =	vld [tilespmem:s25+$0xFFFFFFF0];
	v6 =	vadd.f32 v6, v11;
	[tilespmem:s25+$0xF0] =	vst v5  }
0x3d8: {  	v5 =	vadd.f32 v14, v8;
	v11 =	vld [tilespmem:s25+$0x70]  }
0x3d9: {  	v7 =	vadd.f32 v15, v7;
	v8 =	vld [tilespmem:s24+$0xFFFFFF70]  }
.Ltmp4:
0x3da: {  	v5 =	vmax.f32 v5, $0.0e+00;
	v6 =	vadd.f32 v9, v6;
	v13 =	vld [tilespmem:s24+$0xFFFFFFF0];
	(pc) =	sbr.rel @p2 .LBB2_7-.Ltmp4, $4  }
0x3db: {  	[tilespmem:s25+$0xFFFFFF60] =	vst v5;
	v5 =	vmax.f32 v7, $0.0e+00;
	v14 =	vld [tilespmem:s24+$0x70];
	s24 =	smov.u32 s6  }
0x3dc: {  	v9 =	vld [tilespmem:s0+$0xFFFFFF70];
	[tilespmem:s25+$0xFFFFFFE0] =	vst v5;
	v6 =	vmax.f32 v6, $0.0e+00  }
0x3dd: {  	v5 =	vld [tilespmem:s0+$0xFFFFFFF0];
	[tilespmem:s25+$0x60] =	vst v6  }
0x3de: {  	s25 =	sadd.s32 $0x200, s25;
	v6 =	vld [tilespmem:s0+$0x70];
	v4 =	vadd.f32 v8, v4  }
0x3df: {  	v7 =	vld [tilespmem:s24+$0xFFFFFF70]  }
0x3e0: {  	v8 =	vld [tilespmem:s24+$0xFFFFFFF0]  }
0x3e1: {  	v15 =	vld [tilespmem:s24+$0x70]  }
0x3e2: {  	v2 =	vadd.f32 v13, v2;
	v9 =	vadd.f32 v9, v12  }
0x3e3: {  	v3 =	vadd.f32 v14, v3;
	v4 =	vmax.f32 v4, $0.0e+00;
	v5 =	vadd.f32 v5, v10  }
0x3e4: {  	[tilespmem:s13+$0xFFFFFF70] =	vst v4;
	v2 =	vmax.f32 v2, $0.0e+00;
	v61 =	vadd.f32 v6, v11;
	v62 =	vadd.f32 v7, v9  }
0x3e5: {  	[tilespmem:s13+$0xFFFFFFF0] =	vst v2;
	v2 =	vmax.f32 v3, $0.0e+00;
	v3 =	vadd.f32 v8, v5  }
0x3e6: {  	[tilespmem:s13+$0x70] =	vst v2;
	v4 =	vadd.f32 v15, v61;
	v2 =	vmax.f32 v62, $0.0e+00  }
0x3e7: {  	[tilespmem:s14+$0xFFFFFF70] =	vst v2;
	v2 =	vmax.f32 v3, $0.0e+00  }
0x3e8: {  	[tilespmem:s14+$0xFFFFFFF0] =	vst v2;
	v2 =	vmax.f32 v4, $0.0e+00  }
0x3e9: {  	[tilespmem:s14+$0x70] =	vst v2  }
0x3ea: {  	v2 =	vld [tilespmem:$0x78]  }
0x3eb: {  	v3 =	vld [tilespmem:$0x88]  }
0x3ec: {  	v63 =	vld [tilespmem:$0x90];
	_ =	sdelay $0x2  }
0x3ed: {  	[tilespmem:$0xC8] =	vst v2  }
.Ltmp5:
0x3ee: {  	[tilespmem:$0xD8] =	vst v3;
	(pc) =	sbr.rel @p1 .LBB2_10-.Ltmp5, $4  }
0x3ef: {  	[tilespmem:$0xE0] =	vst v63  }
0x3f0: {  	[spmem:s2] =	stream.indirect.scatter.add.f32 [tilespmem:s23], [sflag:$0x6], $0x80, s28, s18, $0xb8;
	[tilespmem:$0x1DB00] =	vst v63  }
0x3f1: {  	_ = 	snop  }
0x3f2: {  	[spmem:s3] =	stream.indirect.scatter.add.f32 [tilespmem:s17], [sflag:$0x6], $0x10, s28, s18, $0xb8;
	[tilespmem:$0x1DB00] =	vst v63  }
0x3f3: {  	s0 =	sadd.s32 s11, s31  }
0x3f4: {  	s0 =	smul.u32 $0x5, s0  }
.Ltmp6:
0x3f5: {  	_ = 	snop;
	(pc) =	sbr.rel .LBB2_4-.Ltmp6, $4  }
0x3f6: {  	s6 =	sadd.s32 s8, s0  }
0x3f7: {  	[tilespmem:s19], [sflag:$0x4] =	stream.linear.gather [hbm4b:s6+s4], $0x28, $0x38;
	[tilespmem:$0x1DB00] =	vst v63  }
0x3f8: {  	s10 =	sadd.s32 $0x1, s10;
	s0 =	sadd.s32 s9, s0  }
0x3f9: {  	[tilespmem:s20], [sflag:$0x4] =	stream.linear.gather [hbm4b:s0+s4], $0x28, $0x38;
	[tilespmem:$0x1DB00] =	vst v63  }
.LBB2_11:
0x3fa: {  	_ =	sfence.sel $0x180000  }
0x3fb: {  	[bflag:$0x0] =	sbarrier.arrive $0xFFFF  }
0x3fc: {  	_ =	strace $0x90000047  }
0x3fd: {  	s0 =	stileid.u32;
	[bflag:$0x2] =	sbarrier.arrive $0xFFFF  }
0x3fe: {  	p0 =	sne.s32 s0, $0x0;
	s0 =	rddreg [dreg:$0x4]  }
0x3ff: {  	s0 =	sadd.s32 @!p0 $0x100000, s0  }
0x400: {  	[sflag:s0] =	ssyncadd.tile.s32 @!p0 $0x1;
	_ =	shalt  }
.Lfunc_end2:
_tile_overlayer_lowered:
.L_overlay_start_2:
0x401: {  	(tag) =	ssettag $0x2  }
0x402: {  	s0 =	rddreg [dreg:$0x0];
	s2 =	stileid.u32  }
0x403: {  	s1 =	rddreg [dreg:$0x1];
	p0 =	sne.s32 s2, $0x0  }
0x404: {  	s3 =	rddreg [dreg:$0x2];
	[bflag:$0x3] =	sbarrier.arrive $0xFFFF;
	s2 =	simm.s32 @!p0 $0x1C07  }
0x405: {  	[timem:s3], [sflag:s2] =	dma.local @!p0 [hbm:s0], s1  }
0x406: {  	s0 =	simm.s32 @!p0 $0x7  }
0x407: {  	_ =	swait.ge @!p0 [sflag:s0], s1  }
0x408: {  	s1 =	ssub.s32 @!p0 $0x0, s1;
	[sflag:s0] =	ssyncset.done @!p0 $0x0  }
0x409: {  	[sflag:s0] =	ssyncadd.s32 @!p0 s1  }
0x40a: {  	[bflag:$0x3] =	sbarrier.arrive $0xFFFF  }
0x40b: {  	_ =	shalt  }

</sc_bundles>
